<compile_context>
chip_gen: v7x
topology: tpu7x:2x2x1
jax: 0.10.2.dev20260603
libtpu: 0.0.44.dev20260713+nightly
codegen_flags: <defaults>
</compile_context>

<pallas_src>
import functools

import jax
import jax.numpy as jnp
from jax import lax
from jax.experimental import pallas as pl
from jax.experimental.pallas import tpu as pltpu
from jax.experimental.pallas import tpu_sc as plsc

B, S, D = 4, 4096, 768
LANES = 16
VPR = D // LANES
NW = 32
SEQ_PER_W = S // NW
CS = 8
NCHUNK = SEQ_PER_W // CS
NBUF = 4
AHEAD = 2

_mesh = plsc.VectorSubcoreMesh(core_axis_name="c", subcore_axis_name="s")

_scratch = (
    [pltpu.VMEM((NCHUNK * B * CS,), jnp.int32)]
    + [pltpu.VMEM((B * CS, D), jnp.float32) for _ in range(NBUF)]
    + [pltpu.VMEM((CS, D), jnp.float32) for _ in range(NBUF)]
    + [pltpu.SemaphoreType.DMA for _ in range(3 * NBUF)]
)


@functools.partial(
    pl.kernel,
    mesh=_mesh,
    out_type=jax.ShapeDtypeStruct((B, S, D), jnp.float32),
    scratch_types=_scratch,
)
def _embed(x_hbm, table_hbm, pos_hbm, out_hbm, idx_v, *bufs):
    rows_bufs = bufs[:NBUF]
    pos_bufs = bufs[NBUF:2 * NBUF]
    gsem = bufs[2 * NBUF:3 * NBUF]
    psem = bufs[3 * NBUF:4 * NBUF]
    ssem = bufs[4 * NBUF:5 * NBUF]

    cid = lax.axis_index("c")
    sid = lax.axis_index("s")
    wid = sid * 2 + cid
    wseq = wid * SEQ_PER_W

    for b in range(B):
        pltpu.async_copy(
            x_hbm.at[b, pl.ds(wseq, SEQ_PER_W)],
            idx_v.at[pl.ds(b * SEQ_PER_W, SEQ_PER_W)],
            gsem[0],
        )
    for b in range(B):
        pltpu.make_async_copy(
            x_hbm.at[0, pl.ds(0, SEQ_PER_W)],
            idx_v.at[pl.ds(0, SEQ_PER_W)],
            gsem[0],
        ).wait()

    def fire(g, j):
        pltpu.async_copy(
            pos_hbm.at[pl.ds(wseq + g * CS, CS)], pos_bufs[j], psem[j]
        )
        for b in range(B):
            pltpu.async_copy(
                table_hbm.at[idx_v.at[pl.ds(b * SEQ_PER_W + g * CS, CS)]],
                rows_bufs[j].at[pl.ds(b * CS, CS)],
                gsem[j],
            )

    for g in range(AHEAD):
        fire(g, g % NBUF)

    @pl.loop(0, NCHUNK, step=NBUF)
    def _main(gout):
        for i in range(NBUF):
            g = gout + i
            for b in range(B):
                pltpu.make_async_copy(
                    table_hbm.at[pl.ds(0, CS)],
                    rows_bufs[i].at[pl.ds(b * CS, CS)],
                    gsem[i],
                ).wait()
            pltpu.make_async_copy(
                pos_hbm.at[pl.ds(0, CS)], pos_bufs[i], psem[i]
            ).wait()

            j = (i + AHEAD) % NBUF

            @pl.when(g + AHEAD < NCHUNK)
            def _fire_ahead(g=g, j=j):
                @pl.when(g + AHEAD >= NBUF)
                def _drain_store():
                    for b in range(B):
                        pltpu.make_async_copy(
                            rows_bufs[j].at[pl.ds(b * CS, CS)],
                            out_hbm.at[b, pl.ds(0, CS)],
                            ssem[j],
                        ).wait()

                fire(g + AHEAD, j)

            rows = rows_bufs[i]
            pos = pos_bufs[i]

            def add_row(jj, c2, rows=rows, pos=pos):
                @plsc.parallel_loop(0, VPR, 1, unroll=4)
                def add_vec(k):
                    off = k * LANES
                    p = pos[jj, pl.ds(off, LANES)]
                    for b in range(B):
                        plsc.addupdate(rows.at[b * CS + jj, pl.ds(off, LANES)], p)

                return c2

            lax.fori_loop(0, CS, add_row, 0)

            for b in range(B):
                pltpu.async_copy(
                    rows.at[pl.ds(b * CS, CS)],
                    out_hbm.at[b, pl.ds(wseq + g * CS, CS)],
                    ssem[i],
                )

    for i in range(NBUF):
        for b in range(B):
            pltpu.make_async_copy(
                rows_bufs[i].at[pl.ds(b * CS, CS)],
                out_hbm.at[b, pl.ds(0, CS)],
                ssem[i],
            ).wait()


def kernel(x, table, pos_encoding):
    return _embed(x.astype(jnp.int32), table, pos_encoding)

# --- scband reference (transcript-rebuilt; emitter-appended) ---
"""Pipeline reference for scband-transformer-embedding-54674933678314 (READ-ONLY COPY).

The authoritative reference and input builder live on the scoring server;
editing this copy changes nothing except your own understanding.
"""

import jax, jax.numpy as jnp
import numpy as np

VOCAB = 100000
D_MODEL = 768
MAX_LEN = 8192
PADDING_IDX = 1


def _make_pos_encoding(d_model, max_len):
    pos = np.arange(0, max_len, dtype=np.float32)[:, None]
    _2i = np.arange(0, d_model, 2, dtype=np.float32)
    div = np.power(10000.0, _2i / d_model).astype(np.float32)
    enc = np.zeros((max_len, d_model), dtype=np.float32)
    enc[:, 0::2] = np.sin(pos / div)
    enc[:, 1::2] = np.cos(pos / div)
    return jnp.asarray(enc)


def setup_inputs(seed: int = 0) -> dict:
    key = jax.random.key(seed)
    k_idx, k_tab = jax.random.split(key)
    x = jax.random.randint(k_idx, (4, 4096), 0, VOCAB, dtype=jnp.int64 if jax.config.jax_enable_x64 else jnp.int32)
    table = jax.random.normal(k_tab, (VOCAB, D_MODEL), dtype=jnp.float32)
    # nn.Embedding zeroes the padding_idx row at init
    table = table.at[PADDING_IDX].set(0.0)
    pos_encoding = _make_pos_encoding(D_MODEL, MAX_LEN)
    return {"x": x, "table": table, "pos_encoding": pos_encoding}


def reference(x, table, pos_encoding):
    # TokenEmbedding: gather rows from the embedding table
    tok = jnp.take(table, x, axis=0)  # [B, S, D]
    # PositionalEmbedding: slice sinusoidal buffer to seq_len, broadcast over batch
    seq_len = x.shape[1]
    pos = pos_encoding[:seq_len, :][None, :, :]  # [1, S, D]
    # Dropout with p=0.0 is identity
    return tok + pos

if __name__ == "__main__":
    import jax
    _d = setup_inputs()
    print(jax.jit(kernel)(*tuple(_d.values())))

</pallas_src>

<mosaic_0001>
#map = affine_map<(d0, d1) -> (0, 0)>
#map1 = affine_map<(d0, d1) -> (0, 0, 0)>
module attributes {stable_mosaic.version = 14 : i64} {
  func.func @_embed(%arg0: i32, %arg1: i32, %arg2: memref<4x4096xi32, #tpu.memory_space<hbm>>, %arg3: memref<100000x768xf32, #tpu.memory_space<hbm>>, %arg4: memref<8192x768xf32, #tpu.memory_space<hbm>>, %arg5: memref<4x4096x768xf32, #tpu.memory_space<hbm>>, %arg6: memref<512xi32, #tpu.memory_space<vmem>>, %arg7: memref<32x768xf32, #tpu.memory_space<vmem>>, %arg8: memref<32x768xf32, #tpu.memory_space<vmem>>, %arg9: memref<32x768xf32, #tpu.memory_space<vmem>>, %arg10: memref<32x768xf32, #tpu.memory_space<vmem>>, %arg11: memref<8x768xf32, #tpu.memory_space<vmem>>, %arg12: memref<8x768xf32, #tpu.memory_space<vmem>>, %arg13: memref<8x768xf32, #tpu.memory_space<vmem>>, %arg14: memref<8x768xf32, #tpu.memory_space<vmem>>, %arg15: memref<!tpu.dma_semaphore, #tpu.memory_space<semaphore_mem>>, %arg16: memref<!tpu.dma_semaphore, #tpu.memory_space<semaphore_mem>>, %arg17: memref<!tpu.dma_semaphore, #tpu.memory_space<semaphore_mem>>, %arg18: memref<!tpu.dma_semaphore, #tpu.memory_space<semaphore_mem>>, %arg19: memref<!tpu.dma_semaphore, #tpu.memory_space<semaphore_mem>>, %arg20: memref<!tpu.dma_semaphore, #tpu.memory_space<semaphore_mem>>, %arg21: memref<!tpu.dma_semaphore, #tpu.memory_space<semaphore_mem>>, %arg22: memref<!tpu.dma_semaphore, #tpu.memory_space<semaphore_mem>>, %arg23: memref<!tpu.dma_semaphore, #tpu.memory_space<semaphore_mem>>, %arg24: memref<!tpu.dma_semaphore, #tpu.memory_space<semaphore_mem>>, %arg25: memref<!tpu.dma_semaphore, #tpu.memory_space<semaphore_mem>>, %arg26: memref<!tpu.dma_semaphore, #tpu.memory_space<semaphore_mem>>) attributes {dimension_semantics = [#tpu.dimension_semantics<core_parallel>, #tpu.dimension_semantics<subcore_parallel>], iteration_bounds = array<i64: 2, 16>, scalar_prefetch = 0 : i64, scratch_operands = 21 : i64, tpu.core_type = #tpu.core_type<sc_vector_subcore>, window_params = [{transform_indices = #map}, {transform_indices = #map}, {transform_indices = #map}, {transform_indices = #map1}]} {
    %mul3A = arith.constant 2 : i32
    %mul3A_0 = arith.muli %arg1, %mul3A : i32
    %add3A = arith.addi %mul3A_0, %arg0 : i32
    %mul3A_1 = arith.constant 128 : i32
    %mul3A_2 = arith.muli %add3A, %mul3A_1 : i32
    %dma_start3A = arith.constant 0 : i32
    %dma_start3A_3 = arith.constant 0 : i32
    %dma_start3A_4 = tpu.memref_slice %arg6[%dma_start3A_3] : memref<512xi32, #tpu.memory_space<vmem>> -> memref<128xi32, #tpu.memory_space<vmem>>
    %dma_start3A_5 = tpu.memref_slice %arg2[%dma_start3A, %mul3A_2] : memref<4x4096xi32, #tpu.memory_space<hbm>> -> memref<1x128xi32, #tpu.memory_space<hbm>>
    %dma_start3A_6 = tpu.memref_squeeze %dma_start3A_5 : memref<1x128xi32, #tpu.memory_space<hbm>> -> memref<128xi32, #tpu.memory_space<hbm>>
    %dma_start3A_7 = arith.constant 0 : i32
    %dma_start3A_8 = tpu.memref_slice %arg6[%dma_start3A_7] : memref<512xi32, #tpu.memory_space<vmem>> -> memref<128xi32, #tpu.memory_space<vmem>>
    %dma_start3A_9 = tpu.memref_slice %arg2[%dma_start3A, %mul3A_2] : memref<4x4096xi32, #tpu.memory_space<hbm>> -> memref<1x128xi32, #tpu.memory_space<hbm>>
    %dma_start3A_10 = tpu.memref_squeeze %dma_start3A_9 : memref<1x128xi32, #tpu.memory_space<hbm>> -> memref<128xi32, #tpu.memory_space<hbm>>
    tpu.enqueue_dma source(%dma_start3A_10 : memref<128xi32, #tpu.memory_space<hbm>>) target(%dma_start3A_8 : memref<128xi32, #tpu.memory_space<vmem>>) target_semaphore(%arg15 : memref<!tpu.dma_semaphore, #tpu.memory_space<semaphore_mem>>)
    %dma_start3A_11 = arith.constant 1 : i32
    %dma_start3A_12 = arith.constant 128 : i32
    %dma_start3A_13 = tpu.memref_slice %arg6[%dma_start3A_12] : memref<512xi32, #tpu.memory_space<vmem>> -> memref<128xi32, #tpu.memory_space<vmem>>
    %dma_start3A_14 = tpu.memref_slice %arg2[%dma_start3A_11, %mul3A_2] : memref<4x4096xi32, #tpu.memory_space<hbm>> -> memref<1x128xi32, #tpu.memory_space<hbm>>
    %dma_start3A_15 = tpu.memref_squeeze %dma_start3A_14 : memref<1x128xi32, #tpu.memory_space<hbm>> -> memref<128xi32, #tpu.memory_space<hbm>>
    %dma_start3A_16 = arith.constant 128 : i32
    %dma_start3A_17 = tpu.memref_slice %arg6[%dma_start3A_16] : memref<512xi32, #tpu.memory_space<vmem>> -> memref<128xi32, #tpu.memory_space<vmem>>
    %dma_start3A_18 = tpu.memref_slice %arg2[%dma_start3A_11, %mul3A_2] : memref<4x4096xi32, #tpu.memory_space<hbm>> -> memref<1x128xi32, #tpu.memory_space<hbm>>
    %dma_start3A_19 = tpu.memref_squeeze %dma_start3A_18 : memref<1x128xi32, #tpu.memory_space<hbm>> -> memref<128xi32, #tpu.memory_space<hbm>>
    tpu.enqueue_dma source(%dma_start3A_19 : memref<128xi32, #tpu.memory_space<hbm>>) target(%dma_start3A_17 : memref<128xi32, #tpu.memory_space<vmem>>) target_semaphore(%arg15 : memref<!tpu.dma_semaphore, #tpu.memory_space<semaphore_mem>>)
    %dma_start3A_20 = arith.constant 2 : i32
    %dma_start3A_21 = arith.constant 256 : i32
    %dma_start3A_22 = tpu.memref_slice %arg6[%dma_start3A_21] : memref<512xi32, #tpu.memory_space<vmem>> -> memref<128xi32, #tpu.memory_space<vmem>>
    %dma_start3A_23 = tpu.memref_slice %arg2[%dma_start3A_20, %mul3A_2] : memref<4x4096xi32, #tpu.memory_space<hbm>> -> memref<1x128xi32, #tpu.memory_space<hbm>>
    %dma_start3A_24 = tpu.memref_squeeze %dma_start3A_23 : memref<1x128xi32, #tpu.memory_space<hbm>> -> memref<128xi32, #tpu.memory_space<hbm>>
    %dma_start3A_25 = arith.constant 256 : i32
    %dma_start3A_26 = tpu.memref_slice %arg6[%dma_start3A_25] : memref<512xi32, #tpu.memory_space<vmem>> -> memref<128xi32, #tpu.memory_space<vmem>>
    %dma_start3A_27 = tpu.memref_slice %arg2[%dma_start3A_20, %mul3A_2] : memref<4x4096xi32, #tpu.memory_space<hbm>> -> memref<1x128xi32, #tpu.memory_space<hbm>>
    %dma_start3A_28 = tpu.memref_squeeze %dma_start3A_27 : memref<1x128xi32, #tpu.memory_space<hbm>> -> memref<128xi32, #tpu.memory_space<hbm>>
    tpu.enqueue_dma source(%dma_start3A_28 : memref<128xi32, #tpu.memory_space<hbm>>) target(%dma_start3A_26 : memref<128xi32, #tpu.memory_space<vmem>>) target_semaphore(%arg15 : memref<!tpu.dma_semaphore, #tpu.memory_space<semaphore_mem>>)
    %dma_start3A_29 = arith.constant 3 : i32
    %dma_start3A_30 = arith.constant 384 : i32
    %dma_start3A_31 = tpu.memref_slice %arg6[%dma_start3A_30] : memref<512xi32, #tpu.memory_space<vmem>> -> memref<128xi32, #tpu.memory_space<vmem>>
    %dma_start3A_32 = tpu.memref_slice %arg2[%dma_start3A_29, %mul3A_2] : memref<4x4096xi32, #tpu.memory_space<hbm>> -> memref<1x128xi32, #tpu.memory_space<hbm>>
    %dma_start3A_33 = tpu.memref_squeeze %dma_start3A_32 : memref<1x128xi32, #tpu.memory_space<hbm>> -> memref<128xi32, #tpu.memory_space<hbm>>
    %dma_start3A_34 = arith.constant 384 : i32
    %dma_start3A_35 = tpu.memref_slice %arg6[%dma_start3A_34] : memref<512xi32, #tpu.memory_space<vmem>> -> memref<128xi32, #tpu.memory_space<vmem>>
    %dma_start3A_36 = tpu.memref_slice %arg2[%dma_start3A_29, %mul3A_2] : memref<4x4096xi32, #tpu.memory_space<hbm>> -> memref<1x128xi32, #tpu.memory_space<hbm>>
    %dma_start3A_37 = tpu.memref_squeeze %dma_start3A_36 : memref<1x128xi32, #tpu.memory_space<hbm>> -> memref<128xi32, #tpu.memory_space<hbm>>
    tpu.enqueue_dma source(%dma_start3A_37 : memref<128xi32, #tpu.memory_space<hbm>>) target(%dma_start3A_35 : memref<128xi32, #tpu.memory_space<vmem>>) target_semaphore(%arg15 : memref<!tpu.dma_semaphore, #tpu.memory_space<semaphore_mem>>)
    %dma_wait3A = arith.constant 0 : i32
    %dma_wait3A_38 = arith.constant 0 : i32
    %dma_wait3A_39 = tpu.memref_slice %arg6[%dma_wait3A_38] : memref<512xi32, #tpu.memory_space<vmem>> -> memref<128xi32, #tpu.memory_space<vmem>>
    %dma_wait3A_40 = arith.constant 0 : i32
    %dma_wait3A_41 = tpu.memref_slice %arg2[%dma_wait3A, %dma_wait3A_40] : memref<4x4096xi32, #tpu.memory_space<hbm>> -> memref<1x128xi32, #tpu.memory_space<hbm>>
    %dma_wait3A_42 = tpu.memref_squeeze %dma_wait3A_41 : memref<1x128xi32, #tpu.memory_space<hbm>> -> memref<128xi32, #tpu.memory_space<hbm>>
    %dma_wait3A_43 = arith.constant 0 : i32
    %dma_wait3A_44 = tpu.memref_slice %arg6[%dma_wait3A_43] : memref<512xi32, #tpu.memory_space<vmem>> -> memref<128xi32, #tpu.memory_space<vmem>>
    %dma_wait3A_45 = arith.constant 0 : i32
    %dma_wait3A_46 = tpu.memref_slice %arg2[%dma_wait3A, %dma_wait3A_45] : memref<4x4096xi32, #tpu.memory_space<hbm>> -> memref<1x128xi32, #tpu.memory_space<hbm>>
    %dma_wait3A_47 = tpu.memref_squeeze %dma_wait3A_46 : memref<1x128xi32, #tpu.memory_space<hbm>> -> memref<128xi32, #tpu.memory_space<hbm>>
    tpu.wait_dma2 semaphore(%arg15 : memref<!tpu.dma_semaphore, #tpu.memory_space<semaphore_mem>>) src(%dma_wait3A_47 : memref<128xi32, #tpu.memory_space<hbm>>) dst(%dma_wait3A_44 : memref<128xi32, #tpu.memory_space<vmem>>)
    %dma_wait3A_48 = arith.constant 0 : i32
    %dma_wait3A_49 = arith.constant 0 : i32
    %dma_wait3A_50 = tpu.memref_slice %arg6[%dma_wait3A_49] : memref<512xi32, #tpu.memory_space<vmem>> -> memref<128xi32, #tpu.memory_space<vmem>>
    %dma_wait3A_51 = arith.constant 0 : i32
    %dma_wait3A_52 = tpu.memref_slice %arg2[%dma_wait3A_48, %dma_wait3A_51] : memref<4x4096xi32, #tpu.memory_space<hbm>> -> memref<1x128xi32, #tpu.memory_space<hbm>>
    %dma_wait3A_53 = tpu.memref_squeeze %dma_wait3A_52 : memref<1x128xi32, #tpu.memory_space<hbm>> -> memref<128xi32, #tpu.memory_space<hbm>>
    %dma_wait3A_54 = arith.constant 0 : i32
    %dma_wait3A_55 = tpu.memref_slice %arg6[%dma_wait3A_54] : memref<512xi32, #tpu.memory_space<vmem>> -> memref<128xi32, #tpu.memory_space<vmem>>
    %dma_wait3A_56 = arith.constant 0 : i32
    %dma_wait3A_57 = tpu.memref_slice %arg2[%dma_wait3A_48, %dma_wait3A_56] : memref<4x4096xi32, #tpu.memory_space<hbm>> -> memref<1x128xi32, #tpu.memory_space<hbm>>
    %dma_wait3A_58 = tpu.memref_squeeze %dma_wait3A_57 : memref<1x128xi32, #tpu.memory_space<hbm>> -> memref<128xi32, #tpu.memory_space<hbm>>
    tpu.wait_dma2 semaphore(%arg15 : memref<!tpu.dma_semaphore, #tpu.memory_space<semaphore_mem>>) src(%dma_wait3A_58 : memref<128xi32, #tpu.memory_space<hbm>>) dst(%dma_wait3A_55 : memref<128xi32, #tpu.memory_space<vmem>>)
    %dma_wait3A_59 = arith.constant 0 : i32
    %dma_wait3A_60 = arith.constant 0 : i32
    %dma_wait3A_61 = tpu.memref_slice %arg6[%dma_wait3A_60] : memref<512xi32, #tpu.memory_space<vmem>> -> memref<128xi32, #tpu.memory_space<vmem>>
    %dma_wait3A_62 = arith.constant 0 : i32
    %dma_wait3A_63 = tpu.memref_slice %arg2[%dma_wait3A_59, %dma_wait3A_62] : memref<4x4096xi32, #tpu.memory_space<hbm>> -> memref<1x128xi32, #tpu.memory_space<hbm>>
    %dma_wait3A_64 = tpu.memref_squeeze %dma_wait3A_63 : memref<1x128xi32, #tpu.memory_space<hbm>> -> memref<128xi32, #tpu.memory_space<hbm>>
    %dma_wait3A_65 = arith.constant 0 : i32
    %dma_wait3A_66 = tpu.memref_slice %arg6[%dma_wait3A_65] : memref<512xi32, #tpu.memory_space<vmem>> -> memref<128xi32, #tpu.memory_space<vmem>>
    %dma_wait3A_67 = arith.constant 0 : i32
    %dma_wait3A_68 = tpu.memref_slice %arg2[%dma_wait3A_59, %dma_wait3A_67] : memref<4x4096xi32, #tpu.memory_space<hbm>> -> memref<1x128xi32, #tpu.memory_space<hbm>>
    %dma_wait3A_69 = tpu.memref_squeeze %dma_wait3A_68 : memref<1x128xi32, #tpu.memory_space<hbm>> -> memref<128xi32, #tpu.memory_space<hbm>>
    tpu.wait_dma2 semaphore(%arg15 : memref<!tpu.dma_semaphore, #tpu.memory_space<semaphore_mem>>) src(%dma_wait3A_69 : memref<128xi32, #tpu.memory_space<hbm>>) dst(%dma_wait3A_66 : memref<128xi32, #tpu.memory_space<vmem>>)
    %dma_wait3A_70 = arith.constant 0 : i32
    %dma_wait3A_71 = arith.constant 0 : i32
    %dma_wait3A_72 = tpu.memref_slice %arg6[%dma_wait3A_71] : memref<512xi32, #tpu.memory_space<vmem>> -> memref<128xi32, #tpu.memory_space<vmem>>
    %dma_wait3A_73 = arith.constant 0 : i32
    %dma_wait3A_74 = tpu.memref_slice %arg2[%dma_wait3A_70, %dma_wait3A_73] : memref<4x4096xi32, #tpu.memory_space<hbm>> -> memref<1x128xi32, #tpu.memory_space<hbm>>
    %dma_wait3A_75 = tpu.memref_squeeze %dma_wait3A_74 : memref<1x128xi32, #tpu.memory_space<hbm>> -> memref<128xi32, #tpu.memory_space<hbm>>
    %dma_wait3A_76 = arith.constant 0 : i32
    %dma_wait3A_77 = tpu.memref_slice %arg6[%dma_wait3A_76] : memref<512xi32, #tpu.memory_space<vmem>> -> memref<128xi32, #tpu.memory_space<vmem>>
    %dma_wait3A_78 = arith.constant 0 : i32
    %dma_wait3A_79 = tpu.memref_slice %arg2[%dma_wait3A_70, %dma_wait3A_78] : memref<4x4096xi32, #tpu.memory_space<hbm>> -> memref<1x128xi32, #tpu.memory_space<hbm>>
    %dma_wait3A_80 = tpu.memref_squeeze %dma_wait3A_79 : memref<1x128xi32, #tpu.memory_space<hbm>> -> memref<128xi32, #tpu.memory_space<hbm>>
    tpu.wait_dma2 semaphore(%arg15 : memref<!tpu.dma_semaphore, #tpu.memory_space<semaphore_mem>>) src(%dma_wait3A_80 : memref<128xi32, #tpu.memory_space<hbm>>) dst(%dma_wait3A_77 : memref<128xi32, #tpu.memory_space<vmem>>)
    %add3A_81 = arith.constant 0 : i32
    %add3A_82 = arith.addi %mul3A_2, %add3A_81 : i32
    %dma_start3A_83 = arith.constant 0 : i32
    %dma_start3A_84 = tpu.memref_slice %arg4[%add3A_82, %dma_start3A_83] : memref<8192x768xf32, #tpu.memory_space<hbm>> -> memref<8x768xf32, #tpu.memory_space<hbm>>
    %dma_start3A_85 = arith.constant 0 : i32
    %dma_start3A_86 = tpu.memref_slice %arg4[%add3A_82, %dma_start3A_85] : memref<8192x768xf32, #tpu.memory_space<hbm>> -> memref<8x768xf32, #tpu.memory_space<hbm>>
    tpu.enqueue_dma source(%dma_start3A_86 : memref<8x768xf32, #tpu.memory_space<hbm>>) target(%arg11 : memref<8x768xf32, #tpu.memory_space<vmem>>) target_semaphore(%arg19 : memref<!tpu.dma_semaphore, #tpu.memory_space<semaphore_mem>>)
    %dma_start3A_87 = arith.constant 0 : i32
    %dma_start3A_88 = arith.constant 0 : i32
    %dma_start3A_89 = tpu.memref_slice %arg7[%dma_start3A_87, %dma_start3A_88] : memref<32x768xf32, #tpu.memory_space<vmem>> -> memref<8x768xf32, #tpu.memory_space<vmem>>
    %dma_start3A_90 = arith.constant 0 : i32
    %dma_start3A_91 = tpu.memref_slice %arg6[%dma_start3A_90] : memref<512xi32, #tpu.memory_space<vmem>> -> memref<8xi32, #tpu.memory_space<vmem>>
    %dma_start3A_92 = arith.constant 0 : i32
    %dma_start3A_93 = arith.constant 0 : i32
    %dma_start3A_94 = tpu.memref_slice %arg3[%dma_start3A_92, %dma_start3A_93] : memref<100000x768xf32, #tpu.memory_space<hbm>> -> memref<100000x768xf32, #tpu.memory_space<hbm>>
    tpu.enqueue_indirect_dma source(%dma_start3A_94 : memref<100000x768xf32, #tpu.memory_space<hbm>>) target(%dma_start3A_89 : memref<8x768xf32, #tpu.memory_space<vmem>>) offsets(%dma_start3A_91 : memref<8xi32, #tpu.memory_space<vmem>>) semaphore(%arg15 : memref<!tpu.dma_semaphore, #tpu.memory_space<semaphore_mem>>)
    %dma_start3A_95 = arith.constant 8 : i32
    %dma_start3A_96 = arith.constant 0 : i32
    %dma_start3A_97 = tpu.memref_slice %arg7[%dma_start3A_95, %dma_start3A_96] : memref<32x768xf32, #tpu.memory_space<vmem>> -> memref<8x768xf32, #tpu.memory_space<vmem>>
    %dma_start3A_98 = arith.constant 128 : i32
    %dma_start3A_99 = tpu.memref_slice %arg6[%dma_start3A_98] : memref<512xi32, #tpu.memory_space<vmem>> -> memref<8xi32, #tpu.memory_space<vmem>>
    %dma_start3A_100 = arith.constant 0 : i32
    %dma_start3A_101 = arith.constant 0 : i32
    %dma_start3A_102 = tpu.memref_slice %arg3[%dma_start3A_100, %dma_start3A_101] : memref<100000x768xf32, #tpu.memory_space<hbm>> -> memref<100000x768xf32, #tpu.memory_space<hbm>>
    tpu.enqueue_indirect_dma source(%dma_start3A_102 : memref<100000x768xf32, #tpu.memory_space<hbm>>) target(%dma_start3A_97 : memref<8x768xf32, #tpu.memory_space<vmem>>) offsets(%dma_start3A_99 : memref<8xi32, #tpu.memory_space<vmem>>) semaphore(%arg15 : memref<!tpu.dma_semaphore, #tpu.memory_space<semaphore_mem>>)
    %dma_start3A_103 = arith.constant 16 : i32
    %dma_start3A_104 = arith.constant 0 : i32
    %dma_start3A_105 = tpu.memref_slice %arg7[%dma_start3A_103, %dma_start3A_104] : memref<32x768xf32, #tpu.memory_space<vmem>> -> memref<8x768xf32, #tpu.memory_space<vmem>>
    %dma_start3A_106 = arith.constant 256 : i32
    %dma_start3A_107 = tpu.memref_slice %arg6[%dma_start3A_106] : memref<512xi32, #tpu.memory_space<vmem>> -> memref<8xi32, #tpu.memory_space<vmem>>
    %dma_start3A_108 = arith.constant 0 : i32
    %dma_start3A_109 = arith.constant 0 : i32
    %dma_start3A_110 = tpu.memref_slice %arg3[%dma_start3A_108, %dma_start3A_109] : memref<100000x768xf32, #tpu.memory_space<hbm>> -> memref<100000x768xf32, #tpu.memory_space<hbm>>
    tpu.enqueue_indirect_dma source(%dma_start3A_110 : memref<100000x768xf32, #tpu.memory_space<hbm>>) target(%dma_start3A_105 : memref<8x768xf32, #tpu.memory_space<vmem>>) offsets(%dma_start3A_107 : memref<8xi32, #tpu.memory_space<vmem>>) semaphore(%arg15 : memref<!tpu.dma_semaphore, #tpu.memory_space<semaphore_mem>>)
    %dma_start3A_111 = arith.constant 24 : i32
    %dma_start3A_112 = arith.constant 0 : i32
    %dma_start3A_113 = tpu.memref_slice %arg7[%dma_start3A_111, %dma_start3A_112] : memref<32x768xf32, #tpu.memory_space<vmem>> -> memref<8x768xf32, #tpu.memory_space<vmem>>
    %dma_start3A_114 = arith.constant 384 : i32
    %dma_start3A_115 = tpu.memref_slice %arg6[%dma_start3A_114] : memref<512xi32, #tpu.memory_space<vmem>> -> memref<8xi32, #tpu.memory_space<vmem>>
    %dma_start3A_116 = arith.constant 0 : i32
    %dma_start3A_117 = arith.constant 0 : i32
    %dma_start3A_118 = tpu.memref_slice %arg3[%dma_start3A_116, %dma_start3A_117] : memref<100000x768xf32, #tpu.memory_space<hbm>> -> memref<100000x768xf32, #tpu.memory_space<hbm>>
    tpu.enqueue_indirect_dma source(%dma_start3A_118 : memref<100000x768xf32, #tpu.memory_space<hbm>>) target(%dma_start3A_113 : memref<8x768xf32, #tpu.memory_space<vmem>>) offsets(%dma_start3A_115 : memref<8xi32, #tpu.memory_space<vmem>>) semaphore(%arg15 : memref<!tpu.dma_semaphore, #tpu.memory_space<semaphore_mem>>)
    %add3A_119 = arith.constant 8 : i32
    %add3A_120 = arith.addi %mul3A_2, %add3A_119 : i32
    %dma_start3A_121 = arith.constant 0 : i32
    %dma_start3A_122 = tpu.memref_slice %arg4[%add3A_120, %dma_start3A_121] : memref<8192x768xf32, #tpu.memory_space<hbm>> -> memref<8x768xf32, #tpu.memory_space<hbm>>
    %dma_start3A_123 = arith.constant 0 : i32
    %dma_start3A_124 = tpu.memref_slice %arg4[%add3A_120, %dma_start3A_123] : memref<8192x768xf32, #tpu.memory_space<hbm>> -> memref<8x768xf32, #tpu.memory_space<hbm>>
    tpu.enqueue_dma source(%dma_start3A_124 : memref<8x768xf32, #tpu.memory_space<hbm>>) target(%arg12 : memref<8x768xf32, #tpu.memory_space<vmem>>) target_semaphore(%arg20 : memref<!tpu.dma_semaphore, #tpu.memory_space<semaphore_mem>>)
    %dma_start3A_125 = arith.constant 0 : i32
    %dma_start3A_126 = arith.constant 0 : i32
    %dma_start3A_127 = tpu.memref_slice %arg8[%dma_start3A_125, %dma_start3A_126] : memref<32x768xf32, #tpu.memory_space<vmem>> -> memref<8x768xf32, #tpu.memory_space<vmem>>
    %dma_start3A_128 = arith.constant 8 : i32
    %dma_start3A_129 = tpu.memref_slice %arg6[%dma_start3A_128] : memref<512xi32, #tpu.memory_space<vmem>> -> memref<8xi32, #tpu.memory_space<vmem>>
    %dma_start3A_130 = arith.constant 0 : i32
    %dma_start3A_131 = arith.constant 0 : i32
    %dma_start3A_132 = tpu.memref_slice %arg3[%dma_start3A_130, %dma_start3A_131] : memref<100000x768xf32, #tpu.memory_space<hbm>> -> memref<100000x768xf32, #tpu.memory_space<hbm>>
    tpu.enqueue_indirect_dma source(%dma_start3A_132 : memref<100000x768xf32, #tpu.memory_space<hbm>>) target(%dma_start3A_127 : memref<8x768xf32, #tpu.memory_space<vmem>>) offsets(%dma_start3A_129 : memref<8xi32, #tpu.memory_space<vmem>>) semaphore(%arg16 : memref<!tpu.dma_semaphore, #tpu.memory_space<semaphore_mem>>)
    %dma_start3A_133 = arith.constant 8 : i32
    %dma_start3A_134 = arith.constant 0 : i32
    %dma_start3A_135 = tpu.memref_slice %arg8[%dma_start3A_133, %dma_start3A_134] : memref<32x768xf32, #tpu.memory_space<vmem>> -> memref<8x768xf32, #tpu.memory_space<vmem>>
    %dma_start3A_136 = arith.constant 136 : i32
    %dma_start3A_137 = tpu.memref_slice %arg6[%dma_start3A_136] : memref<512xi32, #tpu.memory_space<vmem>> -> memref<8xi32, #tpu.memory_space<vmem>>
    %dma_start3A_138 = arith.constant 0 : i32
    %dma_start3A_139 = arith.constant 0 : i32
    %dma_start3A_140 = tpu.memref_slice %arg3[%dma_start3A_138, %dma_start3A_139] : memref<100000x768xf32, #tpu.memory_space<hbm>> -> memref<100000x768xf32, #tpu.memory_space<hbm>>
    tpu.enqueue_indirect_dma source(%dma_start3A_140 : memref<100000x768xf32, #tpu.memory_space<hbm>>) target(%dma_start3A_135 : memref<8x768xf32, #tpu.memory_space<vmem>>) offsets(%dma_start3A_137 : memref<8xi32, #tpu.memory_space<vmem>>) semaphore(%arg16 : memref<!tpu.dma_semaphore, #tpu.memory_space<semaphore_mem>>)
    %dma_start3A_141 = arith.constant 16 : i32
    %dma_start3A_142 = arith.constant 0 : i32
    %dma_start3A_143 = tpu.memref_slice %arg8[%dma_start3A_141, %dma_start3A_142] : memref<32x768xf32, #tpu.memory_space<vmem>> -> memref<8x768xf32, #tpu.memory_space<vmem>>
    %dma_start3A_144 = arith.constant 264 : i32
    %dma_start3A_145 = tpu.memref_slice %arg6[%dma_start3A_144] : memref<512xi32, #tpu.memory_space<vmem>> -> memref<8xi32, #tpu.memory_space<vmem>>
    %dma_start3A_146 = arith.constant 0 : i32
    %dma_start3A_147 = arith.constant 0 : i32
    %dma_start3A_148 = tpu.memref_slice %arg3[%dma_start3A_146, %dma_start3A_147] : memref<100000x768xf32, #tpu.memory_space<hbm>> -> memref<100000x768xf32, #tpu.memory_space<hbm>>
    tpu.enqueue_indirect_dma source(%dma_start3A_148 : memref<100000x768xf32, #tpu.memory_space<hbm>>) target(%dma_start3A_143 : memref<8x768xf32, #tpu.memory_space<vmem>>) offsets(%dma_start3A_145 : memref<8xi32, #tpu.memory_space<vmem>>) semaphore(%arg16 : memref<!tpu.dma_semaphore, #tpu.memory_space<semaphore_mem>>)
    %dma_start3A_149 = arith.constant 24 : i32
    %dma_start3A_150 = arith.constant 0 : i32
    %dma_start3A_151 = tpu.memref_slice %arg8[%dma_start3A_149, %dma_start3A_150] : memref<32x768xf32, #tpu.memory_space<vmem>> -> memref<8x768xf32, #tpu.memory_space<vmem>>
    %dma_start3A_152 = arith.constant 392 : i32
    %dma_start3A_153 = tpu.memref_slice %arg6[%dma_start3A_152] : memref<512xi32, #tpu.memory_space<vmem>> -> memref<8xi32, #tpu.memory_space<vmem>>
    %dma_start3A_154 = arith.constant 0 : i32
    %dma_start3A_155 = arith.constant 0 : i32
    %dma_start3A_156 = tpu.memref_slice %arg3[%dma_start3A_154, %dma_start3A_155] : memref<100000x768xf32, #tpu.memory_space<hbm>> -> memref<100000x768xf32, #tpu.memory_space<hbm>>
    tpu.enqueue_indirect_dma source(%dma_start3A_156 : memref<100000x768xf32, #tpu.memory_space<hbm>>) target(%dma_start3A_151 : memref<8x768xf32, #tpu.memory_space<vmem>>) offsets(%dma_start3A_153 : memref<8xi32, #tpu.memory_space<vmem>>) semaphore(%arg16 : memref<!tpu.dma_semaphore, #tpu.memory_space<semaphore_mem>>)
    %scan3A = arith.constant 0 : i32
    %scan3A_157 = arith.constant 4 : i32
    %scan3A_158 = arith.addi %scan3A, %scan3A_157 : i32
    %scan3A_159 = arith.constant 1 : i32
    scf.for %scan3A_401 = %scan3A to %scan3A_158 step %scan3A_159  : i32 {
      %mul3A_402 = arith.constant 4 : i32
      %mul3A_403 = arith.muli %scan3A_401, %mul3A_402 : i32
      %add3A_404 = arith.constant 0 : i32
      %add3A_405 = arith.addi %add3A_404, %mul3A_403 : i32
      %add3A_406 = arith.constant 0 : i32
      %add3A_407 = arith.addi %add3A_405, %add3A_406 : i32
      %dma_wait3A_408 = arith.constant 0 : i32
      %dma_wait3A_409 = arith.constant 0 : i32
      %dma_wait3A_410 = tpu.memref_slice %arg7[%dma_wait3A_408, %dma_wait3A_409] : memref<32x768xf32, #tpu.memory_space<vmem>> -> memref<8x768xf32, #tpu.memory_space<vmem>>
      %dma_wait3A_411 = arith.constant 0 : i32
      %dma_wait3A_412 = arith.constant 0 : i32
      %dma_wait3A_413 = tpu.memref_slice %arg3[%dma_wait3A_411, %dma_wait3A_412] : memref<100000x768xf32, #tpu.memory_space<hbm>> -> memref<8x768xf32, #tpu.memory_space<hbm>>
      %dma_wait3A_414 = arith.constant 0 : i32
      %dma_wait3A_415 = arith.constant 0 : i32
      %dma_wait3A_416 = tpu.memref_slice %arg7[%dma_wait3A_414, %dma_wait3A_415] : memref<32x768xf32, #tpu.memory_space<vmem>> -> memref<8x768xf32, #tpu.memory_space<vmem>>
      %dma_wait3A_417 = arith.constant 0 : i32
      %dma_wait3A_418 = arith.constant 0 : i32
      %dma_wait3A_419 = tpu.memref_slice %arg3[%dma_wait3A_417, %dma_wait3A_418] : memref<100000x768xf32, #tpu.memory_space<hbm>> -> memref<8x768xf32, #tpu.memory_space<hbm>>
      tpu.wait_dma2 semaphore(%arg15 : memref<!tpu.dma_semaphore, #tpu.memory_space<semaphore_mem>>) src(%dma_wait3A_419 : memref<8x768xf32, #tpu.memory_space<hbm>>) dst(%dma_wait3A_416 : memref<8x768xf32, #tpu.memory_space<vmem>>)
      %dma_wait3A_420 = arith.constant 8 : i32
      %dma_wait3A_421 = arith.constant 0 : i32
      %dma_wait3A_422 = tpu.memref_slice %arg7[%dma_wait3A_420, %dma_wait3A_421] : memref<32x768xf32, #tpu.memory_space<vmem>> -> memref<8x768xf32, #tpu.memory_space<vmem>>
      %dma_wait3A_423 = arith.constant 0 : i32
      %dma_wait3A_424 = arith.constant 0 : i32
      %dma_wait3A_425 = tpu.memref_slice %arg3[%dma_wait3A_423, %dma_wait3A_424] : memref<100000x768xf32, #tpu.memory_space<hbm>> -> memref<8x768xf32, #tpu.memory_space<hbm>>
      %dma_wait3A_426 = arith.constant 8 : i32
      %dma_wait3A_427 = arith.constant 0 : i32
      %dma_wait3A_428 = tpu.memref_slice %arg7[%dma_wait3A_426, %dma_wait3A_427] : memref<32x768xf32, #tpu.memory_space<vmem>> -> memref<8x768xf32, #tpu.memory_space<vmem>>
      %dma_wait3A_429 = arith.constant 0 : i32
      %dma_wait3A_430 = arith.constant 0 : i32
      %dma_wait3A_431 = tpu.memref_slice %arg3[%dma_wait3A_429, %dma_wait3A_430] : memref<100000x768xf32, #tpu.memory_space<hbm>> -> memref<8x768xf32, #tpu.memory_space<hbm>>
      tpu.wait_dma2 semaphore(%arg15 : memref<!tpu.dma_semaphore, #tpu.memory_space<semaphore_mem>>) src(%dma_wait3A_431 : memref<8x768xf32, #tpu.memory_space<hbm>>) dst(%dma_wait3A_428 : memref<8x768xf32, #tpu.memory_space<vmem>>)
      %dma_wait3A_432 = arith.constant 16 : i32
      %dma_wait3A_433 = arith.constant 0 : i32
      %dma_wait3A_434 = tpu.memref_slice %arg7[%dma_wait3A_432, %dma_wait3A_433] : memref<32x768xf32, #tpu.memory_space<vmem>> -> memref<8x768xf32, #tpu.memory_space<vmem>>
      %dma_wait3A_435 = arith.constant 0 : i32
      %dma_wait3A_436 = arith.constant 0 : i32
      %dma_wait3A_437 = tpu.memref_slice %arg3[%dma_wait3A_435, %dma_wait3A_436] : memref<100000x768xf32, #tpu.memory_space<hbm>> -> memref<8x768xf32, #tpu.memory_space<hbm>>
      %dma_wait3A_438 = arith.constant 16 : i32
      %dma_wait3A_439 = arith.constant 0 : i32
      %dma_wait3A_440 = tpu.memref_slice %arg7[%dma_wait3A_438, %dma_wait3A_439] : memref<32x768xf32, #tpu.memory_space<vmem>> -> memref<8x768xf32, #tpu.memory_space<vmem>>
      %dma_wait3A_441 = arith.constant 0 : i32
      %dma_wait3A_442 = arith.constant 0 : i32
      %dma_wait3A_443 = tpu.memref_slice %arg3[%dma_wait3A_441, %dma_wait3A_442] : memref<100000x768xf32, #tpu.memory_space<hbm>> -> memref<8x768xf32, #tpu.memory_space<hbm>>
      tpu.wait_dma2 semaphore(%arg15 : memref<!tpu.dma_semaphore, #tpu.memory_space<semaphore_mem>>) src(%dma_wait3A_443 : memref<8x768xf32, #tpu.memory_space<hbm>>) dst(%dma_wait3A_440 : memref<8x768xf32, #tpu.memory_space<vmem>>)
      %dma_wait3A_444 = arith.constant 24 : i32
      %dma_wait3A_445 = arith.constant 0 : i32
      %dma_wait3A_446 = tpu.memref_slice %arg7[%dma_wait3A_444, %dma_wait3A_445] : memref<32x768xf32, #tpu.memory_space<vmem>> -> memref<8x768xf32, #tpu.memory_space<vmem>>
      %dma_wait3A_447 = arith.constant 0 : i32
      %dma_wait3A_448 = arith.constant 0 : i32
      %dma_wait3A_449 = tpu.memref_slice %arg3[%dma_wait3A_447, %dma_wait3A_448] : memref<100000x768xf32, #tpu.memory_space<hbm>> -> memref<8x768xf32, #tpu.memory_space<hbm>>
      %dma_wait3A_450 = arith.constant 24 : i32
      %dma_wait3A_451 = arith.constant 0 : i32
      %dma_wait3A_452 = tpu.memref_slice %arg7[%dma_wait3A_450, %dma_wait3A_451] : memref<32x768xf32, #tpu.memory_space<vmem>> -> memref<8x768xf32, #tpu.memory_space<vmem>>
      %dma_wait3A_453 = arith.constant 0 : i32
      %dma_wait3A_454 = arith.constant 0 : i32
      %dma_wait3A_455 = tpu.memref_slice %arg3[%dma_wait3A_453, %dma_wait3A_454] : memref<100000x768xf32, #tpu.memory_space<hbm>> -> memref<8x768xf32, #tpu.memory_space<hbm>>
      tpu.wait_dma2 semaphore(%arg15 : memref<!tpu.dma_semaphore, #tpu.memory_space<semaphore_mem>>) src(%dma_wait3A_455 : memref<8x768xf32, #tpu.memory_space<hbm>>) dst(%dma_wait3A_452 : memref<8x768xf32, #tpu.memory_space<vmem>>)
      %dma_wait3A_456 = arith.constant 0 : i32
      %dma_wait3A_457 = arith.constant 0 : i32
      %dma_wait3A_458 = tpu.memref_slice %arg4[%dma_wait3A_456, %dma_wait3A_457] : memref<8192x768xf32, #tpu.memory_space<hbm>> -> memref<8x768xf32, #tpu.memory_space<hbm>>
      %dma_wait3A_459 = arith.constant 0 : i32
      %dma_wait3A_460 = arith.constant 0 : i32
      %dma_wait3A_461 = tpu.memref_slice %arg4[%dma_wait3A_459, %dma_wait3A_460] : memref<8192x768xf32, #tpu.memory_space<hbm>> -> memref<8x768xf32, #tpu.memory_space<hbm>>
      tpu.wait_dma2 semaphore(%arg19 : memref<!tpu.dma_semaphore, #tpu.memory_space<semaphore_mem>>) src(%dma_wait3A_461 : memref<8x768xf32, #tpu.memory_space<hbm>>) dst(%arg11 : memref<8x768xf32, #tpu.memory_space<vmem>>)
      %add3A_462 = arith.constant 2 : i32
      %add3A_463 = arith.addi %add3A_407, %add3A_462 : i32
      %lt3A = arith.constant 16 : i32
      %lt3A_464 = arith.cmpi slt, %add3A_463, %lt3A : i32
      %convert_element_type3A = arith.extui %lt3A_464 : i1 to i32
      %cond3A = arith.constant 0 : i32
      %cond3A_465 = arith.cmpi ne, %convert_element_type3A, %cond3A : i32
      scf.if %cond3A_465 {
        %add3A_935 = arith.constant 2 : i32
        %add3A_936 = arith.addi %add3A_407, %add3A_935 : i32
        %ge3A = arith.constant 4 : i32
        %ge3A_937 = arith.cmpi sge, %add3A_936, %ge3A : i32
        %convert_element_type3A_938 = arith.extui %ge3A_937 : i1 to i32
        %cond3A_939 = arith.constant 0 : i32
        %cond3A_940 = arith.cmpi ne, %convert_element_type3A_938, %cond3A_939 : i32
        scf.if %cond3A_940 {
          %dma_wait3A_994 = arith.constant 0 : i32
          %dma_wait3A_995 = arith.constant 0 : i32
          %dma_wait3A_996 = arith.constant 0 : i32
          %dma_wait3A_997 = tpu.memref_slice %arg9[%dma_wait3A_995, %dma_wait3A_996] : memref<32x768xf32, #tpu.memory_space<vmem>> -> memref<8x768xf32, #tpu.memory_space<vmem>>
          %dma_wait3A_998 = arith.constant 0 : i32
          %dma_wait3A_999 = arith.constant 0 : i32
          %dma_wait3A_1000 = tpu.memref_slice %arg5[%dma_wait3A_994, %dma_wait3A_998, %dma_wait3A_999] : memref<4x4096x768xf32, #tpu.memory_space<hbm>> -> memref<1x8x768xf32, #tpu.memory_space<hbm>>
          %dma_wait3A_1001 = tpu.memref_squeeze %dma_wait3A_1000 : memref<1x8x768xf32, #tpu.memory_space<hbm>> -> memref<8x768xf32, #tpu.memory_space<hbm>>
          %dma_wait3A_1002 = arith.constant 0 : i32
          %dma_wait3A_1003 = arith.constant 0 : i32
          %dma_wait3A_1004 = tpu.memref_slice %arg5[%dma_wait3A_994, %dma_wait3A_1002, %dma_wait3A_1003] : memref<4x4096x768xf32, #tpu.memory_space<hbm>> -> memref<1x8x768xf32, #tpu.memory_space<hbm>>
          %dma_wait3A_1005 = tpu.memref_squeeze %dma_wait3A_1004 : memref<1x8x768xf32, #tpu.memory_space<hbm>> -> memref<8x768xf32, #tpu.memory_space<hbm>>
          %dma_wait3A_1006 = arith.constant 0 : i32
          %dma_wait3A_1007 = arith.constant 0 : i32
          %dma_wait3A_1008 = tpu.memref_slice %arg9[%dma_wait3A_1006, %dma_wait3A_1007] : memref<32x768xf32, #tpu.memory_space<vmem>> -> memref<8x768xf32, #tpu.memory_space<vmem>>
          tpu.wait_dma2 semaphore(%arg25 : memref<!tpu.dma_semaphore, #tpu.memory_space<semaphore_mem>>) src(%dma_wait3A_1008 : memref<8x768xf32, #tpu.memory_space<vmem>>) dst(%dma_wait3A_1005 : memref<8x768xf32, #tpu.memory_space<hbm>>)
          %dma_wait3A_1009 = arith.constant 1 : i32
          %dma_wait3A_1010 = arith.constant 8 : i32
          %dma_wait3A_1011 = arith.constant 0 : i32
          %dma_wait3A_1012 = tpu.memref_slice %arg9[%dma_wait3A_1010, %dma_wait3A_1011] : memref<32x768xf32, #tpu.memory_space<vmem>> -> memref<8x768xf32, #tpu.memory_space<vmem>>
          %dma_wait3A_1013 = arith.constant 0 : i32
          %dma_wait3A_1014 = arith.constant 0 : i32
          %dma_wait3A_1015 = tpu.memref_slice %arg5[%dma_wait3A_1009, %dma_wait3A_1013, %dma_wait3A_1014] : memref<4x4096x768xf32, #tpu.memory_space<hbm>> -> memref<1x8x768xf32, #tpu.memory_space<hbm>>
          %dma_wait3A_1016 = tpu.memref_squeeze %dma_wait3A_1015 : memref<1x8x768xf32, #tpu.memory_space<hbm>> -> memref<8x768xf32, #tpu.memory_space<hbm>>
          %dma_wait3A_1017 = arith.constant 0 : i32
          %dma_wait3A_1018 = arith.constant 0 : i32
          %dma_wait3A_1019 = tpu.memref_slice %arg5[%dma_wait3A_1009, %dma_wait3A_1017, %dma_wait3A_1018] : memref<4x4096x768xf32, #tpu.memory_space<hbm>> -> memref<1x8x768xf32, #tpu.memory_space<hbm>>
          %dma_wait3A_1020 = tpu.memref_squeeze %dma_wait3A_1019 : memref<1x8x768xf32, #tpu.memory_space<hbm>> -> memref<8x768xf32, #tpu.memory_space<hbm>>
          %dma_wait3A_1021 = arith.constant 8 : i32
          %dma_wait3A_1022 = arith.constant 0 : i32
          %dma_wait3A_1023 = tpu.memref_slice %arg9[%dma_wait3A_1021, %dma_wait3A_1022] : memref<32x768xf32, #tpu.memory_space<vmem>> -> memref<8x768xf32, #tpu.memory_space<vmem>>
          tpu.wait_dma2 semaphore(%arg25 : memref<!tpu.dma_semaphore, #tpu.memory_space<semaphore_mem>>) src(%dma_wait3A_1023 : memref<8x768xf32, #tpu.memory_space<vmem>>) dst(%dma_wait3A_1020 : memref<8x768xf32, #tpu.memory_space<hbm>>)
          %dma_wait3A_1024 = arith.constant 2 : i32
          %dma_wait3A_1025 = arith.constant 16 : i32
          %dma_wait3A_1026 = arith.constant 0 : i32
          %dma_wait3A_1027 = tpu.memref_slice %arg9[%dma_wait3A_1025, %dma_wait3A_1026] : memref<32x768xf32, #tpu.memory_space<vmem>> -> memref<8x768xf32, #tpu.memory_space<vmem>>
          %dma_wait3A_1028 = arith.constant 0 : i32
          %dma_wait3A_1029 = arith.constant 0 : i32
          %dma_wait3A_1030 = tpu.memref_slice %arg5[%dma_wait3A_1024, %dma_wait3A_1028, %dma_wait3A_1029] : memref<4x4096x768xf32, #tpu.memory_space<hbm>> -> memref<1x8x768xf32, #tpu.memory_space<hbm>>
          %dma_wait3A_1031 = tpu.memref_squeeze %dma_wait3A_1030 : memref<1x8x768xf32, #tpu.memory_space<hbm>> -> memref<8x768xf32, #tpu.memory_space<hbm>>
          %dma_wait3A_1032 = arith.constant 0 : i32
          %dma_wait3A_1033 = arith.constant 0 : i32
          %dma_wait3A_1034 = tpu.memref_slice %arg5[%dma_wait3A_1024, %dma_wait3A_1032, %dma_wait3A_1033] : memref<4x4096x768xf32, #tpu.memory_space<hbm>> -> memref<1x8x768xf32, #tpu.memory_space<hbm>>
          %dma_wait3A_1035 = tpu.memref_squeeze %dma_wait3A_1034 : memref<1x8x768xf32, #tpu.memory_space<hbm>> -> memref<8x768xf32, #tpu.memory_space<hbm>>
          %dma_wait3A_1036 = arith.constant 16 : i32
          %dma_wait3A_1037 = arith.constant 0 : i32
          %dma_wait3A_1038 = tpu.memref_slice %arg9[%dma_wait3A_1036, %dma_wait3A_1037] : memref<32x768xf32, #tpu.memory_space<vmem>> -> memref<8x768xf32, #tpu.memory_space<vmem>>
          tpu.wait_dma2 semaphore(%arg25 : memref<!tpu.dma_semaphore, #tpu.memory_space<semaphore_mem>>) src(%dma_wait3A_1038 : memref<8x768xf32, #tpu.memory_space<vmem>>) dst(%dma_wait3A_1035 : memref<8x768xf32, #tpu.memory_space<hbm>>)
          %dma_wait3A_1039 = arith.constant 3 : i32
          %dma_wait3A_1040 = arith.constant 24 : i32
          %dma_wait3A_1041 = arith.constant 0 : i32
          %dma_wait3A_1042 = tpu.memref_slice %arg9[%dma_wait3A_1040, %dma_wait3A_1041] : memref<32x768xf32, #tpu.memory_space<vmem>> -> memref<8x768xf32, #tpu.memory_space<vmem>>
          %dma_wait3A_1043 = arith.constant 0 : i32
          %dma_wait3A_1044 = arith.constant 0 : i32
          %dma_wait3A_1045 = tpu.memref_slice %arg5[%dma_wait3A_1039, %dma_wait3A_1043, %dma_wait3A_1044] : memref<4x4096x768xf32, #tpu.memory_space<hbm>> -> memref<1x8x768xf32, #tpu.memory_space<hbm>>
          %dma_wait3A_1046 = tpu.memref_squeeze %dma_wait3A_1045 : memref<1x8x768xf32, #tpu.memory_space<hbm>> -> memref<8x768xf32, #tpu.memory_space<hbm>>
          %dma_wait3A_1047 = arith.constant 0 : i32
          %dma_wait3A_1048 = arith.constant 0 : i32
          %dma_wait3A_1049 = tpu.memref_slice %arg5[%dma_wait3A_1039, %dma_wait3A_1047, %dma_wait3A_1048] : memref<4x4096x768xf32, #tpu.memory_space<hbm>> -> memref<1x8x768xf32, #tpu.memory_space<hbm>>
          %dma_wait3A_1050 = tpu.memref_squeeze %dma_wait3A_1049 : memref<1x8x768xf32, #tpu.memory_space<hbm>> -> memref<8x768xf32, #tpu.memory_space<hbm>>
          %dma_wait3A_1051 = arith.constant 24 : i32
          %dma_wait3A_1052 = arith.constant 0 : i32
          %dma_wait3A_1053 = tpu.memref_slice %arg9[%dma_wait3A_1051, %dma_wait3A_1052] : memref<32x768xf32, #tpu.memory_space<vmem>> -> memref<8x768xf32, #tpu.memory_space<vmem>>
          tpu.wait_dma2 semaphore(%arg25 : memref<!tpu.dma_semaphore, #tpu.memory_space<semaphore_mem>>) src(%dma_wait3A_1053 : memref<8x768xf32, #tpu.memory_space<vmem>>) dst(%dma_wait3A_1050 : memref<8x768xf32, #tpu.memory_space<hbm>>)
        } else {
        }
        %add3A_941 = arith.constant 2 : i32
        %add3A_942 = arith.addi %add3A_407, %add3A_941 : i32
        %mul3A_943 = arith.constant 8 : i32
        %mul3A_944 = arith.muli %add3A_942, %mul3A_943 : i32
        %add3A_945 = arith.addi %mul3A_2, %mul3A_944 : i32
        %dma_start3A_946 = arith.constant 0 : i32
        %dma_start3A_947 = tpu.memref_slice %arg4[%add3A_945, %dma_start3A_946] : memref<8192x768xf32, #tpu.memory_space<hbm>> -> memref<8x768xf32, #tpu.memory_space<hbm>>
        %dma_start3A_948 = arith.constant 0 : i32
        %dma_start3A_949 = tpu.memref_slice %arg4[%add3A_945, %dma_start3A_948] : memref<8192x768xf32, #tpu.memory_space<hbm>> -> memref<8x768xf32, #tpu.memory_space<hbm>>
        tpu.enqueue_dma source(%dma_start3A_949 : memref<8x768xf32, #tpu.memory_space<hbm>>) target(%arg13 : memref<8x768xf32, #tpu.memory_space<vmem>>) target_semaphore(%arg21 : memref<!tpu.dma_semaphore, #tpu.memory_space<semaphore_mem>>)
        %mul3A_950 = arith.constant 8 : i32
        %mul3A_951 = arith.muli %add3A_942, %mul3A_950 : i32
        %add3A_952 = arith.constant 0 : i32
        %add3A_953 = arith.addi %add3A_952, %mul3A_951 : i32
        %dma_start3A_954 = arith.constant 0 : i32
        %dma_start3A_955 = arith.constant 0 : i32
        %dma_start3A_956 = tpu.memref_slice %arg9[%dma_start3A_954, %dma_start3A_955] : memref<32x768xf32, #tpu.memory_space<vmem>> -> memref<8x768xf32, #tpu.memory_space<vmem>>
        %dma_start3A_957 = tpu.memref_slice %arg6[%add3A_953] : memref<512xi32, #tpu.memory_space<vmem>> -> memref<8xi32, #tpu.memory_space<vmem>>
        %dma_start3A_958 = arith.constant 0 : i32
        %dma_start3A_959 = arith.constant 0 : i32
        %dma_start3A_960 = tpu.memref_slice %arg3[%dma_start3A_958, %dma_start3A_959] : memref<100000x768xf32, #tpu.memory_space<hbm>> -> memref<100000x768xf32, #tpu.memory_space<hbm>>
        tpu.enqueue_indirect_dma source(%dma_start3A_960 : memref<100000x768xf32, #tpu.memory_space<hbm>>) target(%dma_start3A_956 : memref<8x768xf32, #tpu.memory_space<vmem>>) offsets(%dma_start3A_957 : memref<8xi32, #tpu.memory_space<vmem>>) semaphore(%arg17 : memref<!tpu.dma_semaphore, #tpu.memory_space<semaphore_mem>>)
        %mul3A_961 = arith.constant 8 : i32
        %mul3A_962 = arith.muli %add3A_942, %mul3A_961 : i32
        %add3A_963 = arith.constant 128 : i32
        %add3A_964 = arith.addi %add3A_963, %mul3A_962 : i32
        %dma_start3A_965 = arith.constant 8 : i32
        %dma_start3A_966 = arith.constant 0 : i32
        %dma_start3A_967 = tpu.memref_slice %arg9[%dma_start3A_965, %dma_start3A_966] : memref<32x768xf32, #tpu.memory_space<vmem>> -> memref<8x768xf32, #tpu.memory_space<vmem>>
        %dma_start3A_968 = tpu.memref_slice %arg6[%add3A_964] : memref<512xi32, #tpu.memory_space<vmem>> -> memref<8xi32, #tpu.memory_space<vmem>>
        %dma_start3A_969 = arith.constant 0 : i32
        %dma_start3A_970 = arith.constant 0 : i32
        %dma_start3A_971 = tpu.memref_slice %arg3[%dma_start3A_969, %dma_start3A_970] : memref<100000x768xf32, #tpu.memory_space<hbm>> -> memref<100000x768xf32, #tpu.memory_space<hbm>>
        tpu.enqueue_indirect_dma source(%dma_start3A_971 : memref<100000x768xf32, #tpu.memory_space<hbm>>) target(%dma_start3A_967 : memref<8x768xf32, #tpu.memory_space<vmem>>) offsets(%dma_start3A_968 : memref<8xi32, #tpu.memory_space<vmem>>) semaphore(%arg17 : memref<!tpu.dma_semaphore, #tpu.memory_space<semaphore_mem>>)
        %mul3A_972 = arith.constant 8 : i32
        %mul3A_973 = arith.muli %add3A_942, %mul3A_972 : i32
        %add3A_974 = arith.constant 256 : i32
        %add3A_975 = arith.addi %add3A_974, %mul3A_973 : i32
        %dma_start3A_976 = arith.constant 16 : i32
        %dma_start3A_977 = arith.constant 0 : i32
        %dma_start3A_978 = tpu.memref_slice %arg9[%dma_start3A_976, %dma_start3A_977] : memref<32x768xf32, #tpu.memory_space<vmem>> -> memref<8x768xf32, #tpu.memory_space<vmem>>
        %dma_start3A_979 = tpu.memref_slice %arg6[%add3A_975] : memref<512xi32, #tpu.memory_space<vmem>> -> memref<8xi32, #tpu.memory_space<vmem>>
        %dma_start3A_980 = arith.constant 0 : i32
        %dma_start3A_981 = arith.constant 0 : i32
        %dma_start3A_982 = tpu.memref_slice %arg3[%dma_start3A_980, %dma_start3A_981] : memref<100000x768xf32, #tpu.memory_space<hbm>> -> memref<100000x768xf32, #tpu.memory_space<hbm>>
        tpu.enqueue_indirect_dma source(%dma_start3A_982 : memref<100000x768xf32, #tpu.memory_space<hbm>>) target(%dma_start3A_978 : memref<8x768xf32, #tpu.memory_space<vmem>>) offsets(%dma_start3A_979 : memref<8xi32, #tpu.memory_space<vmem>>) semaphore(%arg17 : memref<!tpu.dma_semaphore, #tpu.memory_space<semaphore_mem>>)
        %mul3A_983 = arith.constant 8 : i32
        %mul3A_984 = arith.muli %add3A_942, %mul3A_983 : i32
        %add3A_985 = arith.constant 384 : i32
        %add3A_986 = arith.addi %add3A_985, %mul3A_984 : i32
        %dma_start3A_987 = arith.constant 24 : i32
        %dma_start3A_988 = arith.constant 0 : i32
        %dma_start3A_989 = tpu.memref_slice %arg9[%dma_start3A_987, %dma_start3A_988] : memref<32x768xf32, #tpu.memory_space<vmem>> -> memref<8x768xf32, #tpu.memory_space<vmem>>
        %dma_start3A_990 = tpu.memref_slice %arg6[%add3A_986] : memref<512xi32, #tpu.memory_space<vmem>> -> memref<8xi32, #tpu.memory_space<vmem>>
        %dma_start3A_991 = arith.constant 0 : i32
        %dma_start3A_992 = arith.constant 0 : i32
        %dma_start3A_993 = tpu.memref_slice %arg3[%dma_start3A_991, %dma_start3A_992] : memref<100000x768xf32, #tpu.memory_space<hbm>> -> memref<100000x768xf32, #tpu.memory_space<hbm>>
        tpu.enqueue_indirect_dma source(%dma_start3A_993 : memref<100000x768xf32, #tpu.memory_space<hbm>>) target(%dma_start3A_989 : memref<8x768xf32, #tpu.memory_space<vmem>>) offsets(%dma_start3A_990 : memref<8xi32, #tpu.memory_space<vmem>>) semaphore(%arg17 : memref<!tpu.dma_semaphore, #tpu.memory_space<semaphore_mem>>)
      } else {
      }
      %scan3A_466 = arith.constant 0 : i32
      %scan3A_467 = arith.constant 0 : i32
      %scan3A_468 = arith.constant 8 : i32
      %scan3A_469 = arith.addi %scan3A_467, %scan3A_468 : i32
      %scan3A_470 = arith.constant 1 : i32
      scf.for %scan3A_935 = %scan3A_467 to %scan3A_469 step %scan3A_470  : i32 {
        %parallel_loop3A = arith.constant 0 : i32
        %parallel_loop3A_936 = arith.constant 48 : i32
        %parallel_loop3A_937 = arith.constant 1 : i32
        scf.for %parallel_loop3A_938 = %parallel_loop3A to %parallel_loop3A_936 step %parallel_loop3A_937  : i32 {
          %parallel_loop3A_939 = arith.constant 16 : i32
          %parallel_loop3A_940 = arith.muli %parallel_loop3A_938, %parallel_loop3A_939 : i32
          %parallel_loop3A_941 = arith.index_cast %scan3A_935 : i32 to index
          %parallel_loop3A_942 = arith.index_cast %parallel_loop3A_940 : i32 to index
          %parallel_loop3A_943 = tpu.vector_load %arg11[%parallel_loop3A_941, %parallel_loop3A_942] {strides = array<i32>} : memref<8x768xf32, #tpu.memory_space<vmem>>, vector<1x16xf32>,
          %parallel_loop3A_944 = vector.shape_cast %parallel_loop3A_943 : vector<1x16xf32> to vector<16xf32>
          %parallel_loop3A_945 = arith.constant 0 : i32
          %parallel_loop3A_946 = arith.addi %parallel_loop3A_945, %scan3A_935 : i32
          %parallel_loop3A_947 = arith.index_cast %parallel_loop3A_946 : i32 to index
          %parallel_loop3A_948 = arith.index_cast %parallel_loop3A_940 : i32 to index
          %parallel_loop3A_949 = tpu.vector_load %arg7[%parallel_loop3A_947, %parallel_loop3A_948] {strides = array<i32>} : memref<32x768xf32, #tpu.memory_space<vmem>>, vector<1x16xf32>,
          %parallel_loop3A_950 = vector.shape_cast %parallel_loop3A_949 : vector<1x16xf32> to vector<16xf32>
          %parallel_loop3A_951 = vector.shape_cast %parallel_loop3A_944 : vector<16xf32> to vector<1x16xf32>
          tpu.vector_store %arg7[%parallel_loop3A_947, %parallel_loop3A_948], %parallel_loop3A_951 {add = true, strides = array<i32>} : memref<32x768xf32, #tpu.memory_space<vmem>>, vector<1x16xf32>,
          %parallel_loop3A_952 = arith.constant 8 : i32
          %parallel_loop3A_953 = arith.addi %parallel_loop3A_952, %scan3A_935 : i32
          %parallel_loop3A_954 = arith.index_cast %parallel_loop3A_953 : i32 to index
          %parallel_loop3A_955 = arith.index_cast %parallel_loop3A_940 : i32 to index
          %parallel_loop3A_956 = tpu.vector_load %arg7[%parallel_loop3A_954, %parallel_loop3A_955] {strides = array<i32>} : memref<32x768xf32, #tpu.memory_space<vmem>>, vector<1x16xf32>,
          %parallel_loop3A_957 = vector.shape_cast %parallel_loop3A_956 : vector<1x16xf32> to vector<16xf32>
          %parallel_loop3A_958 = vector.shape_cast %parallel_loop3A_944 : vector<16xf32> to vector<1x16xf32>
          tpu.vector_store %arg7[%parallel_loop3A_954, %parallel_loop3A_955], %parallel_loop3A_958 {add = true, strides = array<i32>} : memref<32x768xf32, #tpu.memory_space<vmem>>, vector<1x16xf32>,
          %parallel_loop3A_959 = arith.constant 16 : i32
          %parallel_loop3A_960 = arith.addi %parallel_loop3A_959, %scan3A_935 : i32
          %parallel_loop3A_961 = arith.index_cast %parallel_loop3A_960 : i32 to index
          %parallel_loop3A_962 = arith.index_cast %parallel_loop3A_940 : i32 to index
          %parallel_loop3A_963 = tpu.vector_load %arg7[%parallel_loop3A_961, %parallel_loop3A_962] {strides = array<i32>} : memref<32x768xf32, #tpu.memory_space<vmem>>, vector<1x16xf32>,
          %parallel_loop3A_964 = vector.shape_cast %parallel_loop3A_963 : vector<1x16xf32> to vector<16xf32>
          %parallel_loop3A_965 = vector.shape_cast %parallel_loop3A_944 : vector<16xf32> to vector<1x16xf32>
          tpu.vector_store %arg7[%parallel_loop3A_961, %parallel_loop3A_962], %parallel_loop3A_965 {add = true, strides = array<i32>} : memref<32x768xf32, #tpu.memory_space<vmem>>, vector<1x16xf32>,
          %parallel_loop3A_966 = arith.constant 24 : i32
          %parallel_loop3A_967 = arith.addi %parallel_loop3A_966, %scan3A_935 : i32
          %parallel_loop3A_968 = arith.index_cast %parallel_loop3A_967 : i32 to index
          %parallel_loop3A_969 = arith.index_cast %parallel_loop3A_940 : i32 to index
          %parallel_loop3A_970 = tpu.vector_load %arg7[%parallel_loop3A_968, %parallel_loop3A_969] {strides = array<i32>} : memref<32x768xf32, #tpu.memory_space<vmem>>, vector<1x16xf32>,
          %parallel_loop3A_971 = vector.shape_cast %parallel_loop3A_970 : vector<1x16xf32> to vector<16xf32>
          %parallel_loop3A_972 = vector.shape_cast %parallel_loop3A_944 : vector<16xf32> to vector<1x16xf32>
          tpu.vector_store %arg7[%parallel_loop3A_968, %parallel_loop3A_969], %parallel_loop3A_972 {add = true, strides = array<i32>} : memref<32x768xf32, #tpu.memory_space<vmem>>, vector<1x16xf32>,
        } {sc.loop_unroll_factor = 4 : i64, sc.parallel_access}
      }
      %scan3A_471 = arith.constant 8 : i32
      %mul3A_472 = arith.constant 8 : i32
      %mul3A_473 = arith.muli %add3A_407, %mul3A_472 : i32
      %add3A_474 = arith.addi %mul3A_2, %mul3A_473 : i32
      %dma_start3A_475 = arith.constant 0 : i32
      %dma_start3A_476 = arith.constant 0 : i32
      %dma_start3A_477 = arith.constant 0 : i32
      %dma_start3A_478 = tpu.memref_slice %arg7[%dma_start3A_476, %dma_start3A_477] : memref<32x768xf32, #tpu.memory_space<vmem>> -> memref<8x768xf32, #tpu.memory_space<vmem>>
      %dma_start3A_479 = arith.constant 0 : i32
      %dma_start3A_480 = tpu.memref_slice %arg5[%dma_start3A_475, %add3A_474, %dma_start3A_479] : memref<4x4096x768xf32, #tpu.memory_space<hbm>> -> memref<1x8x768xf32, #tpu.memory_space<hbm>>
      %dma_start3A_481 = tpu.memref_squeeze %dma_start3A_480 : memref<1x8x768xf32, #tpu.memory_space<hbm>> -> memref<8x768xf32, #tpu.memory_space<hbm>>
      %dma_start3A_482 = arith.constant 0 : i32
      %dma_start3A_483 = tpu.memref_slice %arg5[%dma_start3A_475, %add3A_474, %dma_start3A_482] : memref<4x4096x768xf32, #tpu.memory_space<hbm>> -> memref<1x8x768xf32, #tpu.memory_space<hbm>>
      %dma_start3A_484 = tpu.memref_squeeze %dma_start3A_483 : memref<1x8x768xf32, #tpu.memory_space<hbm>> -> memref<8x768xf32, #tpu.memory_space<hbm>>
      %dma_start3A_485 = arith.constant 0 : i32
      %dma_start3A_486 = arith.constant 0 : i32
      %dma_start3A_487 = tpu.memref_slice %arg7[%dma_start3A_485, %dma_start3A_486] : memref<32x768xf32, #tpu.memory_space<vmem>> -> memref<8x768xf32, #tpu.memory_space<vmem>>
      tpu.enqueue_dma source(%dma_start3A_487 : memref<8x768xf32, #tpu.memory_space<vmem>>) target(%dma_start3A_484 : memref<8x768xf32, #tpu.memory_space<hbm>>) target_semaphore(%arg23 : memref<!tpu.dma_semaphore, #tpu.memory_space<semaphore_mem>>)
      %mul3A_488 = arith.constant 8 : i32
      %mul3A_489 = arith.muli %add3A_407, %mul3A_488 : i32
      %add3A_490 = arith.addi %mul3A_2, %mul3A_489 : i32
      %dma_start3A_491 = arith.constant 1 : i32
      %dma_start3A_492 = arith.constant 8 : i32
      %dma_start3A_493 = arith.constant 0 : i32
      %dma_start3A_494 = tpu.memref_slice %arg7[%dma_start3A_492, %dma_start3A_493] : memref<32x768xf32, #tpu.memory_space<vmem>> -> memref<8x768xf32, #tpu.memory_space<vmem>>
      %dma_start3A_495 = arith.constant 0 : i32
      %dma_start3A_496 = tpu.memref_slice %arg5[%dma_start3A_491, %add3A_490, %dma_start3A_495] : memref<4x4096x768xf32, #tpu.memory_space<hbm>> -> memref<1x8x768xf32, #tpu.memory_space<hbm>>
      %dma_start3A_497 = tpu.memref_squeeze %dma_start3A_496 : memref<1x8x768xf32, #tpu.memory_space<hbm>> -> memref<8x768xf32, #tpu.memory_space<hbm>>
      %dma_start3A_498 = arith.constant 0 : i32
      %dma_start3A_499 = tpu.memref_slice %arg5[%dma_start3A_491, %add3A_490, %dma_start3A_498] : memref<4x4096x768xf32, #tpu.memory_space<hbm>> -> memref<1x8x768xf32, #tpu.memory_space<hbm>>
      %dma_start3A_500 = tpu.memref_squeeze %dma_start3A_499 : memref<1x8x768xf32, #tpu.memory_space<hbm>> -> memref<8x768xf32, #tpu.memory_space<hbm>>
      %dma_start3A_501 = arith.constant 8 : i32
      %dma_start3A_502 = arith.constant 0 : i32
      %dma_start3A_503 = tpu.memref_slice %arg7[%dma_start3A_501, %dma_start3A_502] : memref<32x768xf32, #tpu.memory_space<vmem>> -> memref<8x768xf32, #tpu.memory_space<vmem>>
      tpu.enqueue_dma source(%dma_start3A_503 : memref<8x768xf32, #tpu.memory_space<vmem>>) target(%dma_start3A_500 : memref<8x768xf32, #tpu.memory_space<hbm>>) target_semaphore(%arg23 : memref<!tpu.dma_semaphore, #tpu.memory_space<semaphore_mem>>)
      %mul3A_504 = arith.constant 8 : i32
      %mul3A_505 = arith.muli %add3A_407, %mul3A_504 : i32
      %add3A_506 = arith.addi %mul3A_2, %mul3A_505 : i32
      %dma_start3A_507 = arith.constant 2 : i32
      %dma_start3A_508 = arith.constant 16 : i32
      %dma_start3A_509 = arith.constant 0 : i32
      %dma_start3A_510 = tpu.memref_slice %arg7[%dma_start3A_508, %dma_start3A_509] : memref<32x768xf32, #tpu.memory_space<vmem>> -> memref<8x768xf32, #tpu.memory_space<vmem>>
      %dma_start3A_511 = arith.constant 0 : i32
      %dma_start3A_512 = tpu.memref_slice %arg5[%dma_start3A_507, %add3A_506, %dma_start3A_511] : memref<4x4096x768xf32, #tpu.memory_space<hbm>> -> memref<1x8x768xf32, #tpu.memory_space<hbm>>
      %dma_start3A_513 = tpu.memref_squeeze %dma_start3A_512 : memref<1x8x768xf32, #tpu.memory_space<hbm>> -> memref<8x768xf32, #tpu.memory_space<hbm>>
      %dma_start3A_514 = arith.constant 0 : i32
      %dma_start3A_515 = tpu.memref_slice %arg5[%dma_start3A_507, %add3A_506, %dma_start3A_514] : memref<4x4096x768xf32, #tpu.memory_space<hbm>> -> memref<1x8x768xf32, #tpu.memory_space<hbm>>
      %dma_start3A_516 = tpu.memref_squeeze %dma_start3A_515 : memref<1x8x768xf32, #tpu.memory_space<hbm>> -> memref<8x768xf32, #tpu.memory_space<hbm>>
      %dma_start3A_517 = arith.constant 16 : i32
      %dma_start3A_518 = arith.constant 0 : i32
      %dma_start3A_519 = tpu.memref_slice %arg7[%dma_start3A_517, %dma_start3A_518] : memref<32x768xf32, #tpu.memory_space<vmem>> -> memref<8x768xf32, #tpu.memory_space<vmem>>
      tpu.enqueue_dma source(%dma_start3A_519 : memref<8x768xf32, #tpu.memory_space<vmem>>) target(%dma_start3A_516 : memref<8x768xf32, #tpu.memory_space<hbm>>) target_semaphore(%arg23 : memref<!tpu.dma_semaphore, #tpu.memory_space<semaphore_mem>>)
      %mul3A_520 = arith.constant 8 : i32
      %mul3A_521 = arith.muli %add3A_407, %mul3A_520 : i32
      %add3A_522 = arith.addi %mul3A_2, %mul3A_521 : i32
      %dma_start3A_523 = arith.constant 3 : i32
      %dma_start3A_524 = arith.constant 24 : i32
      %dma_start3A_525 = arith.constant 0 : i32
      %dma_start3A_526 = tpu.memref_slice %arg7[%dma_start3A_524, %dma_start3A_525] : memref<32x768xf32, #tpu.memory_space<vmem>> -> memref<8x768xf32, #tpu.memory_space<vmem>>
      %dma_start3A_527 = arith.constant 0 : i32
      %dma_start3A_528 = tpu.memref_slice %arg5[%dma_start3A_523, %add3A_522, %dma_start3A_527] : memref<4x4096x768xf32, #tpu.memory_space<hbm>> -> memref<1x8x768xf32, #tpu.memory_space<hbm>>
      %dma_start3A_529 = tpu.memref_squeeze %dma_start3A_528 : memref<1x8x768xf32, #tpu.memory_space<hbm>> -> memref<8x768xf32, #tpu.memory_space<hbm>>
      %dma_start3A_530 = arith.constant 0 : i32
      %dma_start3A_531 = tpu.memref_slice %arg5[%dma_start3A_523, %add3A_522, %dma_start3A_530] : memref<4x4096x768xf32, #tpu.memory_space<hbm>> -> memref<1x8x768xf32, #tpu.memory_space<hbm>>
      %dma_start3A_532 = tpu.memref_squeeze %dma_start3A_531 : memref<1x8x768xf32, #tpu.memory_space<hbm>> -> memref<8x768xf32, #tpu.memory_space<hbm>>
      %dma_start3A_533 = arith.constant 24 : i32
      %dma_start3A_534 = arith.constant 0 : i32
      %dma_start3A_535 = tpu.memref_slice %arg7[%dma_start3A_533, %dma_start3A_534] : memref<32x768xf32, #tpu.memory_space<vmem>> -> memref<8x768xf32, #tpu.memory_space<vmem>>
      tpu.enqueue_dma source(%dma_start3A_535 : memref<8x768xf32, #tpu.memory_space<vmem>>) target(%dma_start3A_532 : memref<8x768xf32, #tpu.memory_space<hbm>>) target_semaphore(%arg23 : memref<!tpu.dma_semaphore, #tpu.memory_space<semaphore_mem>>)
      %add3A_536 = arith.constant 1 : i32
      %add3A_537 = arith.addi %add3A_405, %add3A_536 : i32
      %dma_wait3A_538 = arith.constant 0 : i32
      %dma_wait3A_539 = arith.constant 0 : i32
      %dma_wait3A_540 = tpu.memref_slice %arg8[%dma_wait3A_538, %dma_wait3A_539] : memref<32x768xf32, #tpu.memory_space<vmem>> -> memref<8x768xf32, #tpu.memory_space<vmem>>
      %dma_wait3A_541 = arith.constant 0 : i32
      %dma_wait3A_542 = arith.constant 0 : i32
      %dma_wait3A_543 = tpu.memref_slice %arg3[%dma_wait3A_541, %dma_wait3A_542] : memref<100000x768xf32, #tpu.memory_space<hbm>> -> memref<8x768xf32, #tpu.memory_space<hbm>>
      %dma_wait3A_544 = arith.constant 0 : i32
      %dma_wait3A_545 = arith.constant 0 : i32
      %dma_wait3A_546 = tpu.memref_slice %arg8[%dma_wait3A_544, %dma_wait3A_545] : memref<32x768xf32, #tpu.memory_space<vmem>> -> memref<8x768xf32, #tpu.memory_space<vmem>>
      %dma_wait3A_547 = arith.constant 0 : i32
      %dma_wait3A_548 = arith.constant 0 : i32
      %dma_wait3A_549 = tpu.memref_slice %arg3[%dma_wait3A_547, %dma_wait3A_548] : memref<100000x768xf32, #tpu.memory_space<hbm>> -> memref<8x768xf32, #tpu.memory_space<hbm>>
      tpu.wait_dma2 semaphore(%arg16 : memref<!tpu.dma_semaphore, #tpu.memory_space<semaphore_mem>>) src(%dma_wait3A_549 : memref<8x768xf32, #tpu.memory_space<hbm>>) dst(%dma_wait3A_546 : memref<8x768xf32, #tpu.memory_space<vmem>>)
      %dma_wait3A_550 = arith.constant 8 : i32
      %dma_wait3A_551 = arith.constant 0 : i32
      %dma_wait3A_552 = tpu.memref_slice %arg8[%dma_wait3A_550, %dma_wait3A_551] : memref<32x768xf32, #tpu.memory_space<vmem>> -> memref<8x768xf32, #tpu.memory_space<vmem>>
      %dma_wait3A_553 = arith.constant 0 : i32
      %dma_wait3A_554 = arith.constant 0 : i32
      %dma_wait3A_555 = tpu.memref_slice %arg3[%dma_wait3A_553, %dma_wait3A_554] : memref<100000x768xf32, #tpu.memory_space<hbm>> -> memref<8x768xf32, #tpu.memory_space<hbm>>
      %dma_wait3A_556 = arith.constant 8 : i32
      %dma_wait3A_557 = arith.constant 0 : i32
      %dma_wait3A_558 = tpu.memref_slice %arg8[%dma_wait3A_556, %dma_wait3A_557] : memref<32x768xf32, #tpu.memory_space<vmem>> -> memref<8x768xf32, #tpu.memory_space<vmem>>
      %dma_wait3A_559 = arith.constant 0 : i32
      %dma_wait3A_560 = arith.constant 0 : i32
      %dma_wait3A_561 = tpu.memref_slice %arg3[%dma_wait3A_559, %dma_wait3A_560] : memref<100000x768xf32, #tpu.memory_space<hbm>> -> memref<8x768xf32, #tpu.memory_space<hbm>>
      tpu.wait_dma2 semaphore(%arg16 : memref<!tpu.dma_semaphore, #tpu.memory_space<semaphore_mem>>) src(%dma_wait3A_561 : memref<8x768xf32, #tpu.memory_space<hbm>>) dst(%dma_wait3A_558 : memref<8x768xf32, #tpu.memory_space<vmem>>)
      %dma_wait3A_562 = arith.constant 16 : i32
      %dma_wait3A_563 = arith.constant 0 : i32
      %dma_wait3A_564 = tpu.memref_slice %arg8[%dma_wait3A_562, %dma_wait3A_563] : memref<32x768xf32, #tpu.memory_space<vmem>> -> memref<8x768xf32, #tpu.memory_space<vmem>>
      %dma_wait3A_565 = arith.constant 0 : i32
      %dma_wait3A_566 = arith.constant 0 : i32
      %dma_wait3A_567 = tpu.memref_slice %arg3[%dma_wait3A_565, %dma_wait3A_566] : memref<100000x768xf32, #tpu.memory_space<hbm>> -> memref<8x768xf32, #tpu.memory_space<hbm>>
      %dma_wait3A_568 = arith.constant 16 : i32
      %dma_wait3A_569 = arith.constant 0 : i32
      %dma_wait3A_570 = tpu.memref_slice %arg8[%dma_wait3A_568, %dma_wait3A_569] : memref<32x768xf32, #tpu.memory_space<vmem>> -> memref<8x768xf32, #tpu.memory_space<vmem>>
      %dma_wait3A_571 = arith.constant 0 : i32
      %dma_wait3A_572 = arith.constant 0 : i32
      %dma_wait3A_573 = tpu.memref_slice %arg3[%dma_wait3A_571, %dma_wait3A_572] : memref<100000x768xf32, #tpu.memory_space<hbm>> -> memref<8x768xf32, #tpu.memory_space<hbm>>
      tpu.wait_dma2 semaphore(%arg16 : memref<!tpu.dma_semaphore, #tpu.memory_space<semaphore_mem>>) src(%dma_wait3A_573 : memref<8x768xf32, #tpu.memory_space<hbm>>) dst(%dma_wait3A_570 : memref<8x768xf32, #tpu.memory_space<vmem>>)
      %dma_wait3A_574 = arith.constant 24 : i32
      %dma_wait3A_575 = arith.constant 0 : i32
      %dma_wait3A_576 = tpu.memref_slice %arg8[%dma_wait3A_574, %dma_wait3A_575] : memref<32x768xf32, #tpu.memory_space<vmem>> -> memref<8x768xf32, #tpu.memory_space<vmem>>
      %dma_wait3A_577 = arith.constant 0 : i32
      %dma_wait3A_578 = arith.constant 0 : i32
      %dma_wait3A_579 = tpu.memref_slice %arg3[%dma_wait3A_577, %dma_wait3A_578] : memref<100000x768xf32, #tpu.memory_space<hbm>> -> memref<8x768xf32, #tpu.memory_space<hbm>>
      %dma_wait3A_580 = arith.constant 24 : i32
      %dma_wait3A_581 = arith.constant 0 : i32
      %dma_wait3A_582 = tpu.memref_slice %arg8[%dma_wait3A_580, %dma_wait3A_581] : memref<32x768xf32, #tpu.memory_space<vmem>> -> memref<8x768xf32, #tpu.memory_space<vmem>>
      %dma_wait3A_583 = arith.constant 0 : i32
      %dma_wait3A_584 = arith.constant 0 : i32
      %dma_wait3A_585 = tpu.memref_slice %arg3[%dma_wait3A_583, %dma_wait3A_584] : memref<100000x768xf32, #tpu.memory_space<hbm>> -> memref<8x768xf32, #tpu.memory_space<hbm>>
      tpu.wait_dma2 semaphore(%arg16 : memref<!tpu.dma_semaphore, #tpu.memory_space<semaphore_mem>>) src(%dma_wait3A_585 : memref<8x768xf32, #tpu.memory_space<hbm>>) dst(%dma_wait3A_582 : memref<8x768xf32, #tpu.memory_space<vmem>>)
      %dma_wait3A_586 = arith.constant 0 : i32
      %dma_wait3A_587 = arith.constant 0 : i32
      %dma_wait3A_588 = tpu.memref_slice %arg4[%dma_wait3A_586, %dma_wait3A_587] : memref<8192x768xf32, #tpu.memory_space<hbm>> -> memref<8x768xf32, #tpu.memory_space<hbm>>
      %dma_wait3A_589 = arith.constant 0 : i32
      %dma_wait3A_590 = arith.constant 0 : i32
      %dma_wait3A_591 = tpu.memref_slice %arg4[%dma_wait3A_589, %dma_wait3A_590] : memref<8192x768xf32, #tpu.memory_space<hbm>> -> memref<8x768xf32, #tpu.memory_space<hbm>>
      tpu.wait_dma2 semaphore(%arg20 : memref<!tpu.dma_semaphore, #tpu.memory_space<semaphore_mem>>) src(%dma_wait3A_591 : memref<8x768xf32, #tpu.memory_space<hbm>>) dst(%arg12 : memref<8x768xf32, #tpu.memory_space<vmem>>)
      %add3A_592 = arith.constant 2 : i32
      %add3A_593 = arith.addi %add3A_537, %add3A_592 : i32
      %lt3A_594 = arith.constant 16 : i32
      %lt3A_595 = arith.cmpi slt, %add3A_593, %lt3A_594 : i32
      %convert_element_type3A_596 = arith.extui %lt3A_595 : i1 to i32
      %cond3A_597 = arith.constant 0 : i32
      %cond3A_598 = arith.cmpi ne, %convert_element_type3A_596, %cond3A_597 : i32
      scf.if %cond3A_598 {
        %add3A_935 = arith.constant 2 : i32
        %add3A_936 = arith.addi %add3A_537, %add3A_935 : i32
        %ge3A = arith.constant 4 : i32
        %ge3A_937 = arith.cmpi sge, %add3A_936, %ge3A : i32
        %convert_element_type3A_938 = arith.extui %ge3A_937 : i1 to i32
        %cond3A_939 = arith.constant 0 : i32
        %cond3A_940 = arith.cmpi ne, %convert_element_type3A_938, %cond3A_939 : i32
        scf.if %cond3A_940 {
          %dma_wait3A_994 = arith.constant 0 : i32
          %dma_wait3A_995 = arith.constant 0 : i32
          %dma_wait3A_996 = arith.constant 0 : i32
          %dma_wait3A_997 = tpu.memref_slice %arg10[%dma_wait3A_995, %dma_wait3A_996] : memref<32x768xf32, #tpu.memory_space<vmem>> -> memref<8x768xf32, #tpu.memory_space<vmem>>
          %dma_wait3A_998 = arith.constant 0 : i32
          %dma_wait3A_999 = arith.constant 0 : i32
          %dma_wait3A_1000 = tpu.memref_slice %arg5[%dma_wait3A_994, %dma_wait3A_998, %dma_wait3A_999] : memref<4x4096x768xf32, #tpu.memory_space<hbm>> -> memref<1x8x768xf32, #tpu.memory_space<hbm>>
          %dma_wait3A_1001 = tpu.memref_squeeze %dma_wait3A_1000 : memref<1x8x768xf32, #tpu.memory_space<hbm>> -> memref<8x768xf32, #tpu.memory_space<hbm>>
          %dma_wait3A_1002 = arith.constant 0 : i32
          %dma_wait3A_1003 = arith.constant 0 : i32
          %dma_wait3A_1004 = tpu.memref_slice %arg5[%dma_wait3A_994, %dma_wait3A_1002, %dma_wait3A_1003] : memref<4x4096x768xf32, #tpu.memory_space<hbm>> -> memref<1x8x768xf32, #tpu.memory_space<hbm>>
          %dma_wait3A_1005 = tpu.memref_squeeze %dma_wait3A_1004 : memref<1x8x768xf32, #tpu.memory_space<hbm>> -> memref<8x768xf32, #tpu.memory_space<hbm>>
          %dma_wait3A_1006 = arith.constant 0 : i32
          %dma_wait3A_1007 = arith.constant 0 : i32
          %dma_wait3A_1008 = tpu.memref_slice %arg10[%dma_wait3A_1006, %dma_wait3A_1007] : memref<32x768xf32, #tpu.memory_space<vmem>> -> memref<8x768xf32, #tpu.memory_space<vmem>>
          tpu.wait_dma2 semaphore(%arg26 : memref<!tpu.dma_semaphore, #tpu.memory_space<semaphore_mem>>) src(%dma_wait3A_1008 : memref<8x768xf32, #tpu.memory_space<vmem>>) dst(%dma_wait3A_1005 : memref<8x768xf32, #tpu.memory_space<hbm>>)
          %dma_wait3A_1009 = arith.constant 1 : i32
          %dma_wait3A_1010 = arith.constant 8 : i32
          %dma_wait3A_1011 = arith.constant 0 : i32
          %dma_wait3A_1012 = tpu.memref_slice %arg10[%dma_wait3A_1010, %dma_wait3A_1011] : memref<32x768xf32, #tpu.memory_space<vmem>> -> memref<8x768xf32, #tpu.memory_space<vmem>>
          %dma_wait3A_1013 = arith.constant 0 : i32
          %dma_wait3A_1014 = arith.constant 0 : i32
          %dma_wait3A_1015 = tpu.memref_slice %arg5[%dma_wait3A_1009, %dma_wait3A_1013, %dma_wait3A_1014] : memref<4x4096x768xf32, #tpu.memory_space<hbm>> -> memref<1x8x768xf32, #tpu.memory_space<hbm>>
          %dma_wait3A_1016 = tpu.memref_squeeze %dma_wait3A_1015 : memref<1x8x768xf32, #tpu.memory_space<hbm>> -> memref<8x768xf32, #tpu.memory_space<hbm>>
          %dma_wait3A_1017 = arith.constant 0 : i32
          %dma_wait3A_1018 = arith.constant 0 : i32
          %dma_wait3A_1019 = tpu.memref_slice %arg5[%dma_wait3A_1009, %dma_wait3A_1017, %dma_wait3A_1018] : memref<4x4096x768xf32, #tpu.memory_space<hbm>> -> memref<1x8x768xf32, #tpu.memory_space<hbm>>
          %dma_wait3A_1020 = tpu.memref_squeeze %dma_wait3A_1019 : memref<1x8x768xf32, #tpu.memory_space<hbm>> -> memref<8x768xf32, #tpu.memory_space<hbm>>
          %dma_wait3A_1021 = arith.constant 8 : i32
          %dma_wait3A_1022 = arith.constant 0 : i32
          %dma_wait3A_1023 = tpu.memref_slice %arg10[%dma_wait3A_1021, %dma_wait3A_1022] : memref<32x768xf32, #tpu.memory_space<vmem>> -> memref<8x768xf32, #tpu.memory_space<vmem>>
          tpu.wait_dma2 semaphore(%arg26 : memref<!tpu.dma_semaphore, #tpu.memory_space<semaphore_mem>>) src(%dma_wait3A_1023 : memref<8x768xf32, #tpu.memory_space<vmem>>) dst(%dma_wait3A_1020 : memref<8x768xf32, #tpu.memory_space<hbm>>)
          %dma_wait3A_1024 = arith.constant 2 : i32
          %dma_wait3A_1025 = arith.constant 16 : i32
          %dma_wait3A_1026 = arith.constant 0 : i32
          %dma_wait3A_1027 = tpu.memref_slice %arg10[%dma_wait3A_1025, %dma_wait3A_1026] : memref<32x768xf32, #tpu.memory_space<vmem>> -> memref<8x768xf32, #tpu.memory_space<vmem>>
          %dma_wait3A_1028 = arith.constant 0 : i32
          %dma_wait3A_1029 = arith.constant 0 : i32
          %dma_wait3A_1030 = tpu.memref_slice %arg5[%dma_wait3A_1024, %dma_wait3A_1028, %dma_wait3A_1029] : memref<4x4096x768xf32, #tpu.memory_space<hbm>> -> memref<1x8x768xf32, #tpu.memory_space<hbm>>
          %dma_wait3A_1031 = tpu.memref_squeeze %dma_wait3A_1030 : memref<1x8x768xf32, #tpu.memory_space<hbm>> -> memref<8x768xf32, #tpu.memory_space<hbm>>
          %dma_wait3A_1032 = arith.constant 0 : i32
          %dma_wait3A_1033 = arith.constant 0 : i32
          %dma_wait3A_1034 = tpu.memref_slice %arg5[%dma_wait3A_1024, %dma_wait3A_1032, %dma_wait3A_1033] : memref<4x4096x768xf32, #tpu.memory_space<hbm>> -> memref<1x8x768xf32, #tpu.memory_space<hbm>>
          %dma_wait3A_1035 = tpu.memref_squeeze %dma_wait3A_1034 : memref<1x8x768xf32, #tpu.memory_space<hbm>> -> memref<8x768xf32, #tpu.memory_space<hbm>>
          %dma_wait3A_1036 = arith.constant 16 : i32
          %dma_wait3A_1037 = arith.constant 0 : i32
          %dma_wait3A_1038 = tpu.memref_slice %arg10[%dma_wait3A_1036, %dma_wait3A_1037] : memref<32x768xf32, #tpu.memory_space<vmem>> -> memref<8x768xf32, #tpu.memory_space<vmem>>
          tpu.wait_dma2 semaphore(%arg26 : memref<!tpu.dma_semaphore, #tpu.memory_space<semaphore_mem>>) src(%dma_wait3A_1038 : memref<8x768xf32, #tpu.memory_space<vmem>>) dst(%dma_wait3A_1035 : memref<8x768xf32, #tpu.memory_space<hbm>>)
          %dma_wait3A_1039 = arith.constant 3 : i32
          %dma_wait3A_1040 = arith.constant 24 : i32
          %dma_wait3A_1041 = arith.constant 0 : i32
          %dma_wait3A_1042 = tpu.memref_slice %arg10[%dma_wait3A_1040, %dma_wait3A_1041] : memref<32x768xf32, #tpu.memory_space<vmem>> -> memref<8x768xf32, #tpu.memory_space<vmem>>
          %dma_wait3A_1043 = arith.constant 0 : i32
          %dma_wait3A_1044 = arith.constant 0 : i32
          %dma_wait3A_1045 = tpu.memref_slice %arg5[%dma_wait3A_1039, %dma_wait3A_1043, %dma_wait3A_1044] : memref<4x4096x768xf32, #tpu.memory_space<hbm>> -> memref<1x8x768xf32, #tpu.memory_space<hbm>>
          %dma_wait3A_1046 = tpu.memref_squeeze %dma_wait3A_1045 : memref<1x8x768xf32, #tpu.memory_space<hbm>> -> memref<8x768xf32, #tpu.memory_space<hbm>>
          %dma_wait3A_1047 = arith.constant 0 : i32
          %dma_wait3A_1048 = arith.constant 0 : i32
          %dma_wait3A_1049 = tpu.memref_slice %arg5[%dma_wait3A_1039, %dma_wait3A_1047, %dma_wait3A_1048] : memref<4x4096x768xf32, #tpu.memory_space<hbm>> -> memref<1x8x768xf32, #tpu.memory_space<hbm>>
          %dma_wait3A_1050 = tpu.memref_squeeze %dma_wait3A_1049 : memref<1x8x768xf32, #tpu.memory_space<hbm>> -> memref<8x768xf32, #tpu.memory_space<hbm>>
          %dma_wait3A_1051 = arith.constant 24 : i32
          %dma_wait3A_1052 = arith.constant 0 : i32
          %dma_wait3A_1053 = tpu.memref_slice %arg10[%dma_wait3A_1051, %dma_wait3A_1052] : memref<32x768xf32, #tpu.memory_space<vmem>> -> memref<8x768xf32, #tpu.memory_space<vmem>>
          tpu.wait_dma2 semaphore(%arg26 : memref<!tpu.dma_semaphore, #tpu.memory_space<semaphore_mem>>) src(%dma_wait3A_1053 : memref<8x768xf32, #tpu.memory_space<vmem>>) dst(%dma_wait3A_1050 : memref<8x768xf32, #tpu.memory_space<hbm>>)
        } else {
        }
        %add3A_941 = arith.constant 2 : i32
        %add3A_942 = arith.addi %add3A_537, %add3A_941 : i32
        %mul3A_943 = arith.constant 8 : i32
        %mul3A_944 = arith.muli %add3A_942, %mul3A_943 : i32
        %add3A_945 = arith.addi %mul3A_2, %mul3A_944 : i32
        %dma_start3A_946 = arith.constant 0 : i32
        %dma_start3A_947 = tpu.memref_slice %arg4[%add3A_945, %dma_start3A_946] : memref<8192x768xf32, #tpu.memory_space<hbm>> -> memref<8x768xf32, #tpu.memory_space<hbm>>
        %dma_start3A_948 = arith.constant 0 : i32
        %dma_start3A_949 = tpu.memref_slice %arg4[%add3A_945, %dma_start3A_948] : memref<8192x768xf32, #tpu.memory_space<hbm>> -> memref<8x768xf32, #tpu.memory_space<hbm>>
        tpu.enqueue_dma source(%dma_start3A_949 : memref<8x768xf32, #tpu.memory_space<hbm>>) target(%arg14 : memref<8x768xf32, #tpu.memory_space<vmem>>) target_semaphore(%arg22 : memref<!tpu.dma_semaphore, #tpu.memory_space<semaphore_mem>>)
        %mul3A_950 = arith.constant 8 : i32
        %mul3A_951 = arith.muli %add3A_942, %mul3A_950 : i32
        %add3A_952 = arith.constant 0 : i32
        %add3A_953 = arith.addi %add3A_952, %mul3A_951 : i32
        %dma_start3A_954 = arith.constant 0 : i32
        %dma_start3A_955 = arith.constant 0 : i32
        %dma_start3A_956 = tpu.memref_slice %arg10[%dma_start3A_954, %dma_start3A_955] : memref<32x768xf32, #tpu.memory_space<vmem>> -> memref<8x768xf32, #tpu.memory_space<vmem>>
        %dma_start3A_957 = tpu.memref_slice %arg6[%add3A_953] : memref<512xi32, #tpu.memory_space<vmem>> -> memref<8xi32, #tpu.memory_space<vmem>>
        %dma_start3A_958 = arith.constant 0 : i32
        %dma_start3A_959 = arith.constant 0 : i32
        %dma_start3A_960 = tpu.memref_slice %arg3[%dma_start3A_958, %dma_start3A_959] : memref<100000x768xf32, #tpu.memory_space<hbm>> -> memref<100000x768xf32, #tpu.memory_space<hbm>>
        tpu.enqueue_indirect_dma source(%dma_start3A_960 : memref<100000x768xf32, #tpu.memory_space<hbm>>) target(%dma_start3A_956 : memref<8x768xf32, #tpu.memory_space<vmem>>) offsets(%dma_start3A_957 : memref<8xi32, #tpu.memory_space<vmem>>) semaphore(%arg18 : memref<!tpu.dma_semaphore, #tpu.memory_space<semaphore_mem>>)
        %mul3A_961 = arith.constant 8 : i32
        %mul3A_962 = arith.muli %add3A_942, %mul3A_961 : i32
        %add3A_963 = arith.constant 128 : i32
        %add3A_964 = arith.addi %add3A_963, %mul3A_962 : i32
        %dma_start3A_965 = arith.constant 8 : i32
        %dma_start3A_966 = arith.constant 0 : i32
        %dma_start3A_967 = tpu.memref_slice %arg10[%dma_start3A_965, %dma_start3A_966] : memref<32x768xf32, #tpu.memory_space<vmem>> -> memref<8x768xf32, #tpu.memory_space<vmem>>
        %dma_start3A_968 = tpu.memref_slice %arg6[%add3A_964] : memref<512xi32, #tpu.memory_space<vmem>> -> memref<8xi32, #tpu.memory_space<vmem>>
        %dma_start3A_969 = arith.constant 0 : i32
        %dma_start3A_970 = arith.constant 0 : i32
        %dma_start3A_971 = tpu.memref_slice %arg3[%dma_start3A_969, %dma_start3A_970] : memref<100000x768xf32, #tpu.memory_space<hbm>> -> memref<100000x768xf32, #tpu.memory_space<hbm>>
        tpu.enqueue_indirect_dma source(%dma_start3A_971 : memref<100000x768xf32, #tpu.memory_space<hbm>>) target(%dma_start3A_967 : memref<8x768xf32, #tpu.memory_space<vmem>>) offsets(%dma_start3A_968 : memref<8xi32, #tpu.memory_space<vmem>>) semaphore(%arg18 : memref<!tpu.dma_semaphore, #tpu.memory_space<semaphore_mem>>)
        %mul3A_972 = arith.constant 8 : i32
        %mul3A_973 = arith.muli %add3A_942, %mul3A_972 : i32
        %add3A_974 = arith.constant 256 : i32
        %add3A_975 = arith.addi %add3A_974, %mul3A_973 : i32
        %dma_start3A_976 = arith.constant 16 : i32
        %dma_start3A_977 = arith.constant 0 : i32
        %dma_start3A_978 = tpu.memref_slice %arg10[%dma_start3A_976, %dma_start3A_977] : memref<32x768xf32, #tpu.memory_space<vmem>> -> memref<8x768xf32, #tpu.memory_space<vmem>>
        %dma_start3A_979 = tpu.memref_slice %arg6[%add3A_975] : memref<512xi32, #tpu.memory_space<vmem>> -> memref<8xi32, #tpu.memory_space<vmem>>
        %dma_start3A_980 = arith.constant 0 : i32
        %dma_start3A_981 = arith.constant 0 : i32
        %dma_start3A_982 = tpu.memref_slice %arg3[%dma_start3A_980, %dma_start3A_981] : memref<100000x768xf32, #tpu.memory_space<hbm>> -> memref<100000x768xf32, #tpu.memory_space<hbm>>
        tpu.enqueue_indirect_dma source(%dma_start3A_982 : memref<100000x768xf32, #tpu.memory_space<hbm>>) target(%dma_start3A_978 : memref<8x768xf32, #tpu.memory_space<vmem>>) offsets(%dma_start3A_979 : memref<8xi32, #tpu.memory_space<vmem>>) semaphore(%arg18 : memref<!tpu.dma_semaphore, #tpu.memory_space<semaphore_mem>>)
        %mul3A_983 = arith.constant 8 : i32
        %mul3A_984 = arith.muli %add3A_942, %mul3A_983 : i32
        %add3A_985 = arith.constant 384 : i32
        %add3A_986 = arith.addi %add3A_985, %mul3A_984 : i32
        %dma_start3A_987 = arith.constant 24 : i32
        %dma_start3A_988 = arith.constant 0 : i32
        %dma_start3A_989 = tpu.memref_slice %arg10[%dma_start3A_987, %dma_start3A_988] : memref<32x768xf32, #tpu.memory_space<vmem>> -> memref<8x768xf32, #tpu.memory_space<vmem>>
        %dma_start3A_990 = tpu.memref_slice %arg6[%add3A_986] : memref<512xi32, #tpu.memory_space<vmem>> -> memref<8xi32, #tpu.memory_space<vmem>>
        %dma_start3A_991 = arith.constant 0 : i32
        %dma_start3A_992 = arith.constant 0 : i32
        %dma_start3A_993 = tpu.memref_slice %arg3[%dma_start3A_991, %dma_start3A_992] : memref<100000x768xf32, #tpu.memory_space<hbm>> -> memref<100000x768xf32, #tpu.memory_space<hbm>>
        tpu.enqueue_indirect_dma source(%dma_start3A_993 : memref<100000x768xf32, #tpu.memory_space<hbm>>) target(%dma_start3A_989 : memref<8x768xf32, #tpu.memory_space<vmem>>) offsets(%dma_start3A_990 : memref<8xi32, #tpu.memory_space<vmem>>) semaphore(%arg18 : memref<!tpu.dma_semaphore, #tpu.memory_space<semaphore_mem>>)
      } else {
      }
      %scan3A_599 = arith.constant 0 : i32
      %scan3A_600 = arith.constant 0 : i32
      %scan3A_601 = arith.constant 8 : i32
      %scan3A_602 = arith.addi %scan3A_600, %scan3A_601 : i32
      %scan3A_603 = arith.constant 1 : i32
      scf.for %scan3A_935 = %scan3A_600 to %scan3A_602 step %scan3A_603  : i32 {
        %parallel_loop3A = arith.constant 0 : i32
        %parallel_loop3A_936 = arith.constant 48 : i32
        %parallel_loop3A_937 = arith.constant 1 : i32
        scf.for %parallel_loop3A_938 = %parallel_loop3A to %parallel_loop3A_936 step %parallel_loop3A_937  : i32 {
          %parallel_loop3A_939 = arith.constant 16 : i32
          %parallel_loop3A_940 = arith.muli %parallel_loop3A_938, %parallel_loop3A_939 : i32
          %parallel_loop3A_941 = arith.index_cast %scan3A_935 : i32 to index
          %parallel_loop3A_942 = arith.index_cast %parallel_loop3A_940 : i32 to index
          %parallel_loop3A_943 = tpu.vector_load %arg12[%parallel_loop3A_941, %parallel_loop3A_942] {strides = array<i32>} : memref<8x768xf32, #tpu.memory_space<vmem>>, vector<1x16xf32>,
          %parallel_loop3A_944 = vector.shape_cast %parallel_loop3A_943 : vector<1x16xf32> to vector<16xf32>
          %parallel_loop3A_945 = arith.constant 0 : i32
          %parallel_loop3A_946 = arith.addi %parallel_loop3A_945, %scan3A_935 : i32
          %parallel_loop3A_947 = arith.index_cast %parallel_loop3A_946 : i32 to index
          %parallel_loop3A_948 = arith.index_cast %parallel_loop3A_940 : i32 to index
          %parallel_loop3A_949 = tpu.vector_load %arg8[%parallel_loop3A_947, %parallel_loop3A_948] {strides = array<i32>} : memref<32x768xf32, #tpu.memory_space<vmem>>, vector<1x16xf32>,
          %parallel_loop3A_950 = vector.shape_cast %parallel_loop3A_949 : vector<1x16xf32> to vector<16xf32>
          %parallel_loop3A_951 = vector.shape_cast %parallel_loop3A_944 : vector<16xf32> to vector<1x16xf32>
          tpu.vector_store %arg8[%parallel_loop3A_947, %parallel_loop3A_948], %parallel_loop3A_951 {add = true, strides = array<i32>} : memref<32x768xf32, #tpu.memory_space<vmem>>, vector<1x16xf32>,
          %parallel_loop3A_952 = arith.constant 8 : i32
          %parallel_loop3A_953 = arith.addi %parallel_loop3A_952, %scan3A_935 : i32
          %parallel_loop3A_954 = arith.index_cast %parallel_loop3A_953 : i32 to index
          %parallel_loop3A_955 = arith.index_cast %parallel_loop3A_940 : i32 to index
          %parallel_loop3A_956 = tpu.vector_load %arg8[%parallel_loop3A_954, %parallel_loop3A_955] {strides = array<i32>} : memref<32x768xf32, #tpu.memory_space<vmem>>, vector<1x16xf32>,
          %parallel_loop3A_957 = vector.shape_cast %parallel_loop3A_956 : vector<1x16xf32> to vector<16xf32>
          %parallel_loop3A_958 = vector.shape_cast %parallel_loop3A_944 : vector<16xf32> to vector<1x16xf32>
          tpu.vector_store %arg8[%parallel_loop3A_954, %parallel_loop3A_955], %parallel_loop3A_958 {add = true, strides = array<i32>} : memref<32x768xf32, #tpu.memory_space<vmem>>, vector<1x16xf32>,
          %parallel_loop3A_959 = arith.constant 16 : i32
          %parallel_loop3A_960 = arith.addi %parallel_loop3A_959, %scan3A_935 : i32
          %parallel_loop3A_961 = arith.index_cast %parallel_loop3A_960 : i32 to index
          %parallel_loop3A_962 = arith.index_cast %parallel_loop3A_940 : i32 to index
          %parallel_loop3A_963 = tpu.vector_load %arg8[%parallel_loop3A_961, %parallel_loop3A_962] {strides = array<i32>} : memref<32x768xf32, #tpu.memory_space<vmem>>, vector<1x16xf32>,
          %parallel_loop3A_964 = vector.shape_cast %parallel_loop3A_963 : vector<1x16xf32> to vector<16xf32>
          %parallel_loop3A_965 = vector.shape_cast %parallel_loop3A_944 : vector<16xf32> to vector<1x16xf32>
          tpu.vector_store %arg8[%parallel_loop3A_961, %parallel_loop3A_962], %parallel_loop3A_965 {add = true, strides = array<i32>} : memref<32x768xf32, #tpu.memory_space<vmem>>, vector<1x16xf32>,
          %parallel_loop3A_966 = arith.constant 24 : i32
          %parallel_loop3A_967 = arith.addi %parallel_loop3A_966, %scan3A_935 : i32
          %parallel_loop3A_968 = arith.index_cast %parallel_loop3A_967 : i32 to index
          %parallel_loop3A_969 = arith.index_cast %parallel_loop3A_940 : i32 to index
          %parallel_loop3A_970 = tpu.vector_load %arg8[%parallel_loop3A_968, %parallel_loop3A_969] {strides = array<i32>} : memref<32x768xf32, #tpu.memory_space<vmem>>, vector<1x16xf32>,
          %parallel_loop3A_971 = vector.shape_cast %parallel_loop3A_970 : vector<1x16xf32> to vector<16xf32>
          %parallel_loop3A_972 = vector.shape_cast %parallel_loop3A_944 : vector<16xf32> to vector<1x16xf32>
          tpu.vector_store %arg8[%parallel_loop3A_968, %parallel_loop3A_969], %parallel_loop3A_972 {add = true, strides = array<i32>} : memref<32x768xf32, #tpu.memory_space<vmem>>, vector<1x16xf32>,
        } {sc.loop_unroll_factor = 4 : i64, sc.parallel_access}
      }
      %scan3A_604 = arith.constant 8 : i32
      %mul3A_605 = arith.constant 8 : i32
      %mul3A_606 = arith.muli %add3A_537, %mul3A_605 : i32
      %add3A_607 = arith.addi %mul3A_2, %mul3A_606 : i32
      %dma_start3A_608 = arith.constant 0 : i32
      %dma_start3A_609 = arith.constant 0 : i32
      %dma_start3A_610 = arith.constant 0 : i32
      %dma_start3A_611 = tpu.memref_slice %arg8[%dma_start3A_609, %dma_start3A_610] : memref<32x768xf32, #tpu.memory_space<vmem>> -> memref<8x768xf32, #tpu.memory_space<vmem>>
      %dma_start3A_612 = arith.constant 0 : i32
      %dma_start3A_613 = tpu.memref_slice %arg5[%dma_start3A_608, %add3A_607, %dma_start3A_612] : memref<4x4096x768xf32, #tpu.memory_space<hbm>> -> memref<1x8x768xf32, #tpu.memory_space<hbm>>
      %dma_start3A_614 = tpu.memref_squeeze %dma_start3A_613 : memref<1x8x768xf32, #tpu.memory_space<hbm>> -> memref<8x768xf32, #tpu.memory_space<hbm>>
      %dma_start3A_615 = arith.constant 0 : i32
      %dma_start3A_616 = tpu.memref_slice %arg5[%dma_start3A_608, %add3A_607, %dma_start3A_615] : memref<4x4096x768xf32, #tpu.memory_space<hbm>> -> memref<1x8x768xf32, #tpu.memory_space<hbm>>
      %dma_start3A_617 = tpu.memref_squeeze %dma_start3A_616 : memref<1x8x768xf32, #tpu.memory_space<hbm>> -> memref<8x768xf32, #tpu.memory_space<hbm>>
      %dma_start3A_618 = arith.constant 0 : i32
      %dma_start3A_619 = arith.constant 0 : i32
      %dma_start3A_620 = tpu.memref_slice %arg8[%dma_start3A_618, %dma_start3A_619] : memref<32x768xf32, #tpu.memory_space<vmem>> -> memref<8x768xf32, #tpu.memory_space<vmem>>
      tpu.enqueue_dma source(%dma_start3A_620 : memref<8x768xf32, #tpu.memory_space<vmem>>) target(%dma_start3A_617 : memref<8x768xf32, #tpu.memory_space<hbm>>) target_semaphore(%arg24 : memref<!tpu.dma_semaphore, #tpu.memory_space<semaphore_mem>>)
      %mul3A_621 = arith.constant 8 : i32
      %mul3A_622 = arith.muli %add3A_537, %mul3A_621 : i32
      %add3A_623 = arith.addi %mul3A_2, %mul3A_622 : i32
      %dma_start3A_624 = arith.constant 1 : i32
      %dma_start3A_625 = arith.constant 8 : i32
      %dma_start3A_626 = arith.constant 0 : i32
      %dma_start3A_627 = tpu.memref_slice %arg8[%dma_start3A_625, %dma_start3A_626] : memref<32x768xf32, #tpu.memory_space<vmem>> -> memref<8x768xf32, #tpu.memory_space<vmem>>
      %dma_start3A_628 = arith.constant 0 : i32
      %dma_start3A_629 = tpu.memref_slice %arg5[%dma_start3A_624, %add3A_623, %dma_start3A_628] : memref<4x4096x768xf32, #tpu.memory_space<hbm>> -> memref<1x8x768xf32, #tpu.memory_space<hbm>>
      %dma_start3A_630 = tpu.memref_squeeze %dma_start3A_629 : memref<1x8x768xf32, #tpu.memory_space<hbm>> -> memref<8x768xf32, #tpu.memory_space<hbm>>
      %dma_start3A_631 = arith.constant 0 : i32
      %dma_start3A_632 = tpu.memref_slice %arg5[%dma_start3A_624, %add3A_623, %dma_start3A_631] : memref<4x4096x768xf32, #tpu.memory_space<hbm>> -> memref<1x8x768xf32, #tpu.memory_space<hbm>>
      %dma_start3A_633 = tpu.memref_squeeze %dma_start3A_632 : memref<1x8x768xf32, #tpu.memory_space<hbm>> -> memref<8x768xf32, #tpu.memory_space<hbm>>
      %dma_start3A_634 = arith.constant 8 : i32
      %dma_start3A_635 = arith.constant 0 : i32
      %dma_start3A_636 = tpu.memref_slice %arg8[%dma_start3A_634, %dma_start3A_635] : memref<32x768xf32, #tpu.memory_space<vmem>> -> memref<8x768xf32, #tpu.memory_space<vmem>>
      tpu.enqueue_dma source(%dma_start3A_636 : memref<8x768xf32, #tpu.memory_space<vmem>>) target(%dma_start3A_633 : memref<8x768xf32, #tpu.memory_space<hbm>>) target_semaphore(%arg24 : memref<!tpu.dma_semaphore, #tpu.memory_space<semaphore_mem>>)
      %mul3A_637 = arith.constant 8 : i32
      %mul3A_638 = arith.muli %add3A_537, %mul3A_637 : i32
      %add3A_639 = arith.addi %mul3A_2, %mul3A_638 : i32
      %dma_start3A_640 = arith.constant 2 : i32
      %dma_start3A_641 = arith.constant 16 : i32
      %dma_start3A_642 = arith.constant 0 : i32
      %dma_start3A_643 = tpu.memref_slice %arg8[%dma_start3A_641, %dma_start3A_642] : memref<32x768xf32, #tpu.memory_space<vmem>> -> memref<8x768xf32, #tpu.memory_space<vmem>>
      %dma_start3A_644 = arith.constant 0 : i32
      %dma_start3A_645 = tpu.memref_slice %arg5[%dma_start3A_640, %add3A_639, %dma_start3A_644] : memref<4x4096x768xf32, #tpu.memory_space<hbm>> -> memref<1x8x768xf32, #tpu.memory_space<hbm>>
      %dma_start3A_646 = tpu.memref_squeeze %dma_start3A_645 : memref<1x8x768xf32, #tpu.memory_space<hbm>> -> memref<8x768xf32, #tpu.memory_space<hbm>>
      %dma_start3A_647 = arith.constant 0 : i32
      %dma_start3A_648 = tpu.memref_slice %arg5[%dma_start3A_640, %add3A_639, %dma_start3A_647] : memref<4x4096x768xf32, #tpu.memory_space<hbm>> -> memref<1x8x768xf32, #tpu.memory_space<hbm>>
      %dma_start3A_649 = tpu.memref_squeeze %dma_start3A_648 : memref<1x8x768xf32, #tpu.memory_space<hbm>> -> memref<8x768xf32, #tpu.memory_space<hbm>>
      %dma_start3A_650 = arith.constant 16 : i32
      %dma_start3A_651 = arith.constant 0 : i32
      %dma_start3A_652 = tpu.memref_slice %arg8[%dma_start3A_650, %dma_start3A_651] : memref<32x768xf32, #tpu.memory_space<vmem>> -> memref<8x768xf32, #tpu.memory_space<vmem>>
      tpu.enqueue_dma source(%dma_start3A_652 : memref<8x768xf32, #tpu.memory_space<vmem>>) target(%dma_start3A_649 : memref<8x768xf32, #tpu.memory_space<hbm>>) target_semaphore(%arg24 : memref<!tpu.dma_semaphore, #tpu.memory_space<semaphore_mem>>)
      %mul3A_653 = arith.constant 8 : i32
      %mul3A_654 = arith.muli %add3A_537, %mul3A_653 : i32
      %add3A_655 = arith.addi %mul3A_2, %mul3A_654 : i32
      %dma_start3A_656 = arith.constant 3 : i32
      %dma_start3A_657 = arith.constant 24 : i32
      %dma_start3A_658 = arith.constant 0 : i32
      %dma_start3A_659 = tpu.memref_slice %arg8[%dma_start3A_657, %dma_start3A_658] : memref<32x768xf32, #tpu.memory_space<vmem>> -> memref<8x768xf32, #tpu.memory_space<vmem>>
      %dma_start3A_660 = arith.constant 0 : i32
      %dma_start3A_661 = tpu.memref_slice %arg5[%dma_start3A_656, %add3A_655, %dma_start3A_660] : memref<4x4096x768xf32, #tpu.memory_space<hbm>> -> memref<1x8x768xf32, #tpu.memory_space<hbm>>
      %dma_start3A_662 = tpu.memref_squeeze %dma_start3A_661 : memref<1x8x768xf32, #tpu.memory_space<hbm>> -> memref<8x768xf32, #tpu.memory_space<hbm>>
      %dma_start3A_663 = arith.constant 0 : i32
      %dma_start3A_664 = tpu.memref_slice %arg5[%dma_start3A_656, %add3A_655, %dma_start3A_663] : memref<4x4096x768xf32, #tpu.memory_space<hbm>> -> memref<1x8x768xf32, #tpu.memory_space<hbm>>
      %dma_start3A_665 = tpu.memref_squeeze %dma_start3A_664 : memref<1x8x768xf32, #tpu.memory_space<hbm>> -> memref<8x768xf32, #tpu.memory_space<hbm>>
      %dma_start3A_666 = arith.constant 24 : i32
      %dma_start3A_667 = arith.constant 0 : i32
      %dma_start3A_668 = tpu.memref_slice %arg8[%dma_start3A_666, %dma_start3A_667] : memref<32x768xf32, #tpu.memory_space<vmem>> -> memref<8x768xf32, #tpu.memory_space<vmem>>
      tpu.enqueue_dma source(%dma_start3A_668 : memref<8x768xf32, #tpu.memory_space<vmem>>) target(%dma_start3A_665 : memref<8x768xf32, #tpu.memory_space<hbm>>) target_semaphore(%arg24 : memref<!tpu.dma_semaphore, #tpu.memory_space<semaphore_mem>>)
      %add3A_669 = arith.constant 2 : i32
      %add3A_670 = arith.addi %add3A_405, %add3A_669 : i32
      %dma_wait3A_671 = arith.constant 0 : i32
      %dma_wait3A_672 = arith.constant 0 : i32
      %dma_wait3A_673 = tpu.memref_slice %arg9[%dma_wait3A_671, %dma_wait3A_672] : memref<32x768xf32, #tpu.memory_space<vmem>> -> memref<8x768xf32, #tpu.memory_space<vmem>>
      %dma_wait3A_674 = arith.constant 0 : i32
      %dma_wait3A_675 = arith.constant 0 : i32
      %dma_wait3A_676 = tpu.memref_slice %arg3[%dma_wait3A_674, %dma_wait3A_675] : memref<100000x768xf32, #tpu.memory_space<hbm>> -> memref<8x768xf32, #tpu.memory_space<hbm>>
      %dma_wait3A_677 = arith.constant 0 : i32
      %dma_wait3A_678 = arith.constant 0 : i32
      %dma_wait3A_679 = tpu.memref_slice %arg9[%dma_wait3A_677, %dma_wait3A_678] : memref<32x768xf32, #tpu.memory_space<vmem>> -> memref<8x768xf32, #tpu.memory_space<vmem>>
      %dma_wait3A_680 = arith.constant 0 : i32
      %dma_wait3A_681 = arith.constant 0 : i32
      %dma_wait3A_682 = tpu.memref_slice %arg3[%dma_wait3A_680, %dma_wait3A_681] : memref<100000x768xf32, #tpu.memory_space<hbm>> -> memref<8x768xf32, #tpu.memory_space<hbm>>
      tpu.wait_dma2 semaphore(%arg17 : memref<!tpu.dma_semaphore, #tpu.memory_space<semaphore_mem>>) src(%dma_wait3A_682 : memref<8x768xf32, #tpu.memory_space<hbm>>) dst(%dma_wait3A_679 : memref<8x768xf32, #tpu.memory_space<vmem>>)
      %dma_wait3A_683 = arith.constant 8 : i32
      %dma_wait3A_684 = arith.constant 0 : i32
      %dma_wait3A_685 = tpu.memref_slice %arg9[%dma_wait3A_683, %dma_wait3A_684] : memref<32x768xf32, #tpu.memory_space<vmem>> -> memref<8x768xf32, #tpu.memory_space<vmem>>
      %dma_wait3A_686 = arith.constant 0 : i32
      %dma_wait3A_687 = arith.constant 0 : i32
      %dma_wait3A_688 = tpu.memref_slice %arg3[%dma_wait3A_686, %dma_wait3A_687] : memref<100000x768xf32, #tpu.memory_space<hbm>> -> memref<8x768xf32, #tpu.memory_space<hbm>>
      %dma_wait3A_689 = arith.constant 8 : i32
      %dma_wait3A_690 = arith.constant 0 : i32
      %dma_wait3A_691 = tpu.memref_slice %arg9[%dma_wait3A_689, %dma_wait3A_690] : memref<32x768xf32, #tpu.memory_space<vmem>> -> memref<8x768xf32, #tpu.memory_space<vmem>>
      %dma_wait3A_692 = arith.constant 0 : i32
      %dma_wait3A_693 = arith.constant 0 : i32
      %dma_wait3A_694 = tpu.memref_slice %arg3[%dma_wait3A_692, %dma_wait3A_693] : memref<100000x768xf32, #tpu.memory_space<hbm>> -> memref<8x768xf32, #tpu.memory_space<hbm>>
      tpu.wait_dma2 semaphore(%arg17 : memref<!tpu.dma_semaphore, #tpu.memory_space<semaphore_mem>>) src(%dma_wait3A_694 : memref<8x768xf32, #tpu.memory_space<hbm>>) dst(%dma_wait3A_691 : memref<8x768xf32, #tpu.memory_space<vmem>>)
      %dma_wait3A_695 = arith.constant 16 : i32
      %dma_wait3A_696 = arith.constant 0 : i32
      %dma_wait3A_697 = tpu.memref_slice %arg9[%dma_wait3A_695, %dma_wait3A_696] : memref<32x768xf32, #tpu.memory_space<vmem>> -> memref<8x768xf32, #tpu.memory_space<vmem>>
      %dma_wait3A_698 = arith.constant 0 : i32
      %dma_wait3A_699 = arith.constant 0 : i32
      %dma_wait3A_700 = tpu.memref_slice %arg3[%dma_wait3A_698, %dma_wait3A_699] : memref<100000x768xf32, #tpu.memory_space<hbm>> -> memref<8x768xf32, #tpu.memory_space<hbm>>
      %dma_wait3A_701 = arith.constant 16 : i32
      %dma_wait3A_702 = arith.constant 0 : i32
      %dma_wait3A_703 = tpu.memref_slice %arg9[%dma_wait3A_701, %dma_wait3A_702] : memref<32x768xf32, #tpu.memory_space<vmem>> -> memref<8x768xf32, #tpu.memory_space<vmem>>
      %dma_wait3A_704 = arith.constant 0 : i32
      %dma_wait3A_705 = arith.constant 0 : i32
      %dma_wait3A_706 = tpu.memref_slice %arg3[%dma_wait3A_704, %dma_wait3A_705] : memref<100000x768xf32, #tpu.memory_space<hbm>> -> memref<8x768xf32, #tpu.memory_space<hbm>>
      tpu.wait_dma2 semaphore(%arg17 : memref<!tpu.dma_semaphore, #tpu.memory_space<semaphore_mem>>) src(%dma_wait3A_706 : memref<8x768xf32, #tpu.memory_space<hbm>>) dst(%dma_wait3A_703 : memref<8x768xf32, #tpu.memory_space<vmem>>)
      %dma_wait3A_707 = arith.constant 24 : i32
      %dma_wait3A_708 = arith.constant 0 : i32
      %dma_wait3A_709 = tpu.memref_slice %arg9[%dma_wait3A_707, %dma_wait3A_708] : memref<32x768xf32, #tpu.memory_space<vmem>> -> memref<8x768xf32, #tpu.memory_space<vmem>>
      %dma_wait3A_710 = arith.constant 0 : i32
      %dma_wait3A_711 = arith.constant 0 : i32
      %dma_wait3A_712 = tpu.memref_slice %arg3[%dma_wait3A_710, %dma_wait3A_711] : memref<100000x768xf32, #tpu.memory_space<hbm>> -> memref<8x768xf32, #tpu.memory_space<hbm>>
      %dma_wait3A_713 = arith.constant 24 : i32
      %dma_wait3A_714 = arith.constant 0 : i32
      %dma_wait3A_715 = tpu.memref_slice %arg9[%dma_wait3A_713, %dma_wait3A_714] : memref<32x768xf32, #tpu.memory_space<vmem>> -> memref<8x768xf32, #tpu.memory_space<vmem>>
      %dma_wait3A_716 = arith.constant 0 : i32
      %dma_wait3A_717 = arith.constant 0 : i32
      %dma_wait3A_718 = tpu.memref_slice %arg3[%dma_wait3A_716, %dma_wait3A_717] : memref<100000x768xf32, #tpu.memory_space<hbm>> -> memref<8x768xf32, #tpu.memory_space<hbm>>
      tpu.wait_dma2 semaphore(%arg17 : memref<!tpu.dma_semaphore, #tpu.memory_space<semaphore_mem>>) src(%dma_wait3A_718 : memref<8x768xf32, #tpu.memory_space<hbm>>) dst(%dma_wait3A_715 : memref<8x768xf32, #tpu.memory_space<vmem>>)
      %dma_wait3A_719 = arith.constant 0 : i32
      %dma_wait3A_720 = arith.constant 0 : i32
      %dma_wait3A_721 = tpu.memref_slice %arg4[%dma_wait3A_719, %dma_wait3A_720] : memref<8192x768xf32, #tpu.memory_space<hbm>> -> memref<8x768xf32, #tpu.memory_space<hbm>>
      %dma_wait3A_722 = arith.constant 0 : i32
      %dma_wait3A_723 = arith.constant 0 : i32
      %dma_wait3A_724 = tpu.memref_slice %arg4[%dma_wait3A_722, %dma_wait3A_723] : memref<8192x768xf32, #tpu.memory_space<hbm>> -> memref<8x768xf32, #tpu.memory_space<hbm>>
      tpu.wait_dma2 semaphore(%arg21 : memref<!tpu.dma_semaphore, #tpu.memory_space<semaphore_mem>>) src(%dma_wait3A_724 : memref<8x768xf32, #tpu.memory_space<hbm>>) dst(%arg13 : memref<8x768xf32, #tpu.memory_space<vmem>>)
      %add3A_725 = arith.constant 2 : i32
      %add3A_726 = arith.addi %add3A_670, %add3A_725 : i32
      %lt3A_727 = arith.constant 16 : i32
      %lt3A_728 = arith.cmpi slt, %add3A_726, %lt3A_727 : i32
      %convert_element_type3A_729 = arith.extui %lt3A_728 : i1 to i32
      %cond3A_730 = arith.constant 0 : i32
      %cond3A_731 = arith.cmpi ne, %convert_element_type3A_729, %cond3A_730 : i32
      scf.if %cond3A_731 {
        %add3A_935 = arith.constant 2 : i32
        %add3A_936 = arith.addi %add3A_670, %add3A_935 : i32
        %ge3A = arith.constant 4 : i32
        %ge3A_937 = arith.cmpi sge, %add3A_936, %ge3A : i32
        %convert_element_type3A_938 = arith.extui %ge3A_937 : i1 to i32
        %cond3A_939 = arith.constant 0 : i32
        %cond3A_940 = arith.cmpi ne, %convert_element_type3A_938, %cond3A_939 : i32
        scf.if %cond3A_940 {
          %dma_wait3A_994 = arith.constant 0 : i32
          %dma_wait3A_995 = arith.constant 0 : i32
          %dma_wait3A_996 = arith.constant 0 : i32
          %dma_wait3A_997 = tpu.memref_slice %arg7[%dma_wait3A_995, %dma_wait3A_996] : memref<32x768xf32, #tpu.memory_space<vmem>> -> memref<8x768xf32, #tpu.memory_space<vmem>>
          %dma_wait3A_998 = arith.constant 0 : i32
          %dma_wait3A_999 = arith.constant 0 : i32
          %dma_wait3A_1000 = tpu.memref_slice %arg5[%dma_wait3A_994, %dma_wait3A_998, %dma_wait3A_999] : memref<4x4096x768xf32, #tpu.memory_space<hbm>> -> memref<1x8x768xf32, #tpu.memory_space<hbm>>
          %dma_wait3A_1001 = tpu.memref_squeeze %dma_wait3A_1000 : memref<1x8x768xf32, #tpu.memory_space<hbm>> -> memref<8x768xf32, #tpu.memory_space<hbm>>
          %dma_wait3A_1002 = arith.constant 0 : i32
          %dma_wait3A_1003 = arith.constant 0 : i32
          %dma_wait3A_1004 = tpu.memref_slice %arg5[%dma_wait3A_994, %dma_wait3A_1002, %dma_wait3A_1003] : memref<4x4096x768xf32, #tpu.memory_space<hbm>> -> memref<1x8x768xf32, #tpu.memory_space<hbm>>
          %dma_wait3A_1005 = tpu.memref_squeeze %dma_wait3A_1004 : memref<1x8x768xf32, #tpu.memory_space<hbm>> -> memref<8x768xf32, #tpu.memory_space<hbm>>
          %dma_wait3A_1006 = arith.constant 0 : i32
          %dma_wait3A_1007 = arith.constant 0 : i32
          %dma_wait3A_1008 = tpu.memref_slice %arg7[%dma_wait3A_1006, %dma_wait3A_1007] : memref<32x768xf32, #tpu.memory_space<vmem>> -> memref<8x768xf32, #tpu.memory_space<vmem>>
          tpu.wait_dma2 semaphore(%arg23 : memref<!tpu.dma_semaphore, #tpu.memory_space<semaphore_mem>>) src(%dma_wait3A_1008 : memref<8x768xf32, #tpu.memory_space<vmem>>) dst(%dma_wait3A_1005 : memref<8x768xf32, #tpu.memory_space<hbm>>)
          %dma_wait3A_1009 = arith.constant 1 : i32
          %dma_wait3A_1010 = arith.constant 8 : i32
          %dma_wait3A_1011 = arith.constant 0 : i32
          %dma_wait3A_1012 = tpu.memref_slice %arg7[%dma_wait3A_1010, %dma_wait3A_1011] : memref<32x768xf32, #tpu.memory_space<vmem>> -> memref<8x768xf32, #tpu.memory_space<vmem>>
          %dma_wait3A_1013 = arith.constant 0 : i32
          %dma_wait3A_1014 = arith.constant 0 : i32
          %dma_wait3A_1015 = tpu.memref_slice %arg5[%dma_wait3A_1009, %dma_wait3A_1013, %dma_wait3A_1014] : memref<4x4096x768xf32, #tpu.memory_space<hbm>> -> memref<1x8x768xf32, #tpu.memory_space<hbm>>
          %dma_wait3A_1016 = tpu.memref_squeeze %dma_wait3A_1015 : memref<1x8x768xf32, #tpu.memory_space<hbm>> -> memref<8x768xf32, #tpu.memory_space<hbm>>
          %dma_wait3A_1017 = arith.constant 0 : i32
          %dma_wait3A_1018 = arith.constant 0 : i32
          %dma_wait3A_1019 = tpu.memref_slice %arg5[%dma_wait3A_1009, %dma_wait3A_1017, %dma_wait3A_1018] : memref<4x4096x768xf32, #tpu.memory_space<hbm>> -> memref<1x8x768xf32, #tpu.memory_space<hbm>>
          %dma_wait3A_1020 = tpu.memref_squeeze %dma_wait3A_1019 : memref<1x8x768xf32, #tpu.memory_space<hbm>> -> memref<8x768xf32, #tpu.memory_space<hbm>>
          %dma_wait3A_1021 = arith.constant 8 : i32
          %dma_wait3A_1022 = arith.constant 0 : i32
          %dma_wait3A_1023 = tpu.memref_slice %arg7[%dma_wait3A_1021, %dma_wait3A_1022] : memref<32x768xf32, #tpu.memory_space<vmem>> -> memref<8x768xf32, #tpu.memory_space<vmem>>
          tpu.wait_dma2 semaphore(%arg23 : memref<!tpu.dma_semaphore, #tpu.memory_space<semaphore_mem>>) src(%dma_wait3A_1023 : memref<8x768xf32, #tpu.memory_space<vmem>>) dst(%dma_wait3A_1020 : memref<8x768xf32, #tpu.memory_space<hbm>>)
          %dma_wait3A_1024 = arith.constant 2 : i32
          %dma_wait3A_1025 = arith.constant 16 : i32
          %dma_wait3A_1026 = arith.constant 0 : i32
          %dma_wait3A_1027 = tpu.memref_slice %arg7[%dma_wait3A_1025, %dma_wait3A_1026] : memref<32x768xf32, #tpu.memory_space<vmem>> -> memref<8x768xf32, #tpu.memory_space<vmem>>
          %dma_wait3A_1028 = arith.constant 0 : i32
          %dma_wait3A_1029 = arith.constant 0 : i32
          %dma_wait3A_1030 = tpu.memref_slice %arg5[%dma_wait3A_1024, %dma_wait3A_1028, %dma_wait3A_1029] : memref<4x4096x768xf32, #tpu.memory_space<hbm>> -> memref<1x8x768xf32, #tpu.memory_space<hbm>>
          %dma_wait3A_1031 = tpu.memref_squeeze %dma_wait3A_1030 : memref<1x8x768xf32, #tpu.memory_space<hbm>> -> memref<8x768xf32, #tpu.memory_space<hbm>>
          %dma_wait3A_1032 = arith.constant 0 : i32
          %dma_wait3A_1033 = arith.constant 0 : i32
          %dma_wait3A_1034 = tpu.memref_slice %arg5[%dma_wait3A_1024, %dma_wait3A_1032, %dma_wait3A_1033] : memref<4x4096x768xf32, #tpu.memory_space<hbm>> -> memref<1x8x768xf32, #tpu.memory_space<hbm>>
          %dma_wait3A_1035 = tpu.memref_squeeze %dma_wait3A_1034 : memref<1x8x768xf32, #tpu.memory_space<hbm>> -> memref<8x768xf32, #tpu.memory_space<hbm>>
          %dma_wait3A_1036 = arith.constant 16 : i32
          %dma_wait3A_1037 = arith.constant 0 : i32
          %dma_wait3A_1038 = tpu.memref_slice %arg7[%dma_wait3A_1036, %dma_wait3A_1037] : memref<32x768xf32, #tpu.memory_space<vmem>> -> memref<8x768xf32, #tpu.memory_space<vmem>>
          tpu.wait_dma2 semaphore(%arg23 : memref<!tpu.dma_semaphore, #tpu.memory_space<semaphore_mem>>) src(%dma_wait3A_1038 : memref<8x768xf32, #tpu.memory_space<vmem>>) dst(%dma_wait3A_1035 : memref<8x768xf32, #tpu.memory_space<hbm>>)
          %dma_wait3A_1039 = arith.constant 3 : i32
          %dma_wait3A_1040 = arith.constant 24 : i32
          %dma_wait3A_1041 = arith.constant 0 : i32
          %dma_wait3A_1042 = tpu.memref_slice %arg7[%dma_wait3A_1040, %dma_wait3A_1041] : memref<32x768xf32, #tpu.memory_space<vmem>> -> memref<8x768xf32, #tpu.memory_space<vmem>>
          %dma_wait3A_1043 = arith.constant 0 : i32
          %dma_wait3A_1044 = arith.constant 0 : i32
          %dma_wait3A_1045 = tpu.memref_slice %arg5[%dma_wait3A_1039, %dma_wait3A_1043, %dma_wait3A_1044] : memref<4x4096x768xf32, #tpu.memory_space<hbm>> -> memref<1x8x768xf32, #tpu.memory_space<hbm>>
          %dma_wait3A_1046 = tpu.memref_squeeze %dma_wait3A_1045 : memref<1x8x768xf32, #tpu.memory_space<hbm>> -> memref<8x768xf32, #tpu.memory_space<hbm>>
          %dma_wait3A_1047 = arith.constant 0 : i32
          %dma_wait3A_1048 = arith.constant 0 : i32
          %dma_wait3A_1049 = tpu.memref_slice %arg5[%dma_wait3A_1039, %dma_wait3A_1047, %dma_wait3A_1048] : memref<4x4096x768xf32, #tpu.memory_space<hbm>> -> memref<1x8x768xf32, #tpu.memory_space<hbm>>
          %dma_wait3A_1050 = tpu.memref_squeeze %dma_wait3A_1049 : memref<1x8x768xf32, #tpu.memory_space<hbm>> -> memref<8x768xf32, #tpu.memory_space<hbm>>
          %dma_wait3A_1051 = arith.constant 24 : i32
          %dma_wait3A_1052 = arith.constant 0 : i32
          %dma_wait3A_1053 = tpu.memref_slice %arg7[%dma_wait3A_1051, %dma_wait3A_1052] : memref<32x768xf32, #tpu.memory_space<vmem>> -> memref<8x768xf32, #tpu.memory_space<vmem>>
          tpu.wait_dma2 semaphore(%arg23 : memref<!tpu.dma_semaphore, #tpu.memory_space<semaphore_mem>>) src(%dma_wait3A_1053 : memref<8x768xf32, #tpu.memory_space<vmem>>) dst(%dma_wait3A_1050 : memref<8x768xf32, #tpu.memory_space<hbm>>)
        } else {
        }
        %add3A_941 = arith.constant 2 : i32
        %add3A_942 = arith.addi %add3A_670, %add3A_941 : i32
        %mul3A_943 = arith.constant 8 : i32
        %mul3A_944 = arith.muli %add3A_942, %mul3A_943 : i32
        %add3A_945 = arith.addi %mul3A_2, %mul3A_944 : i32
        %dma_start3A_946 = arith.constant 0 : i32
        %dma_start3A_947 = tpu.memref_slice %arg4[%add3A_945, %dma_start3A_946] : memref<8192x768xf32, #tpu.memory_space<hbm>> -> memref<8x768xf32, #tpu.memory_space<hbm>>
        %dma_start3A_948 = arith.constant 0 : i32
        %dma_start3A_949 = tpu.memref_slice %arg4[%add3A_945, %dma_start3A_948] : memref<8192x768xf32, #tpu.memory_space<hbm>> -> memref<8x768xf32, #tpu.memory_space<hbm>>
        tpu.enqueue_dma source(%dma_start3A_949 : memref<8x768xf32, #tpu.memory_space<hbm>>) target(%arg11 : memref<8x768xf32, #tpu.memory_space<vmem>>) target_semaphore(%arg19 : memref<!tpu.dma_semaphore, #tpu.memory_space<semaphore_mem>>)
        %mul3A_950 = arith.constant 8 : i32
        %mul3A_951 = arith.muli %add3A_942, %mul3A_950 : i32
        %add3A_952 = arith.constant 0 : i32
        %add3A_953 = arith.addi %add3A_952, %mul3A_951 : i32
        %dma_start3A_954 = arith.constant 0 : i32
        %dma_start3A_955 = arith.constant 0 : i32
        %dma_start3A_956 = tpu.memref_slice %arg7[%dma_start3A_954, %dma_start3A_955] : memref<32x768xf32, #tpu.memory_space<vmem>> -> memref<8x768xf32, #tpu.memory_space<vmem>>
        %dma_start3A_957 = tpu.memref_slice %arg6[%add3A_953] : memref<512xi32, #tpu.memory_space<vmem>> -> memref<8xi32, #tpu.memory_space<vmem>>
        %dma_start3A_958 = arith.constant 0 : i32
        %dma_start3A_959 = arith.constant 0 : i32
        %dma_start3A_960 = tpu.memref_slice %arg3[%dma_start3A_958, %dma_start3A_959] : memref<100000x768xf32, #tpu.memory_space<hbm>> -> memref<100000x768xf32, #tpu.memory_space<hbm>>
        tpu.enqueue_indirect_dma source(%dma_start3A_960 : memref<100000x768xf32, #tpu.memory_space<hbm>>) target(%dma_start3A_956 : memref<8x768xf32, #tpu.memory_space<vmem>>) offsets(%dma_start3A_957 : memref<8xi32, #tpu.memory_space<vmem>>) semaphore(%arg15 : memref<!tpu.dma_semaphore, #tpu.memory_space<semaphore_mem>>)
        %mul3A_961 = arith.constant 8 : i32
        %mul3A_962 = arith.muli %add3A_942, %mul3A_961 : i32
        %add3A_963 = arith.constant 128 : i32
        %add3A_964 = arith.addi %add3A_963, %mul3A_962 : i32
        %dma_start3A_965 = arith.constant 8 : i32
        %dma_start3A_966 = arith.constant 0 : i32
        %dma_start3A_967 = tpu.memref_slice %arg7[%dma_start3A_965, %dma_start3A_966] : memref<32x768xf32, #tpu.memory_space<vmem>> -> memref<8x768xf32, #tpu.memory_space<vmem>>
        %dma_start3A_968 = tpu.memref_slice %arg6[%add3A_964] : memref<512xi32, #tpu.memory_space<vmem>> -> memref<8xi32, #tpu.memory_space<vmem>>
        %dma_start3A_969 = arith.constant 0 : i32
        %dma_start3A_970 = arith.constant 0 : i32
        %dma_start3A_971 = tpu.memref_slice %arg3[%dma_start3A_969, %dma_start3A_970] : memref<100000x768xf32, #tpu.memory_space<hbm>> -> memref<100000x768xf32, #tpu.memory_space<hbm>>
        tpu.enqueue_indirect_dma source(%dma_start3A_971 : memref<100000x768xf32, #tpu.memory_space<hbm>>) target(%dma_start3A_967 : memref<8x768xf32, #tpu.memory_space<vmem>>) offsets(%dma_start3A_968 : memref<8xi32, #tpu.memory_space<vmem>>) semaphore(%arg15 : memref<!tpu.dma_semaphore, #tpu.memory_space<semaphore_mem>>)
        %mul3A_972 = arith.constant 8 : i32
        %mul3A_973 = arith.muli %add3A_942, %mul3A_972 : i32
        %add3A_974 = arith.constant 256 : i32
        %add3A_975 = arith.addi %add3A_974, %mul3A_973 : i32
        %dma_start3A_976 = arith.constant 16 : i32
        %dma_start3A_977 = arith.constant 0 : i32
        %dma_start3A_978 = tpu.memref_slice %arg7[%dma_start3A_976, %dma_start3A_977] : memref<32x768xf32, #tpu.memory_space<vmem>> -> memref<8x768xf32, #tpu.memory_space<vmem>>
        %dma_start3A_979 = tpu.memref_slice %arg6[%add3A_975] : memref<512xi32, #tpu.memory_space<vmem>> -> memref<8xi32, #tpu.memory_space<vmem>>
        %dma_start3A_980 = arith.constant 0 : i32
        %dma_start3A_981 = arith.constant 0 : i32
        %dma_start3A_982 = tpu.memref_slice %arg3[%dma_start3A_980, %dma_start3A_981] : memref<100000x768xf32, #tpu.memory_space<hbm>> -> memref<100000x768xf32, #tpu.memory_space<hbm>>
        tpu.enqueue_indirect_dma source(%dma_start3A_982 : memref<100000x768xf32, #tpu.memory_space<hbm>>) target(%dma_start3A_978 : memref<8x768xf32, #tpu.memory_space<vmem>>) offsets(%dma_start3A_979 : memref<8xi32, #tpu.memory_space<vmem>>) semaphore(%arg15 : memref<!tpu.dma_semaphore, #tpu.memory_space<semaphore_mem>>)
        %mul3A_983 = arith.constant 8 : i32
        %mul3A_984 = arith.muli %add3A_942, %mul3A_983 : i32
        %add3A_985 = arith.constant 384 : i32
        %add3A_986 = arith.addi %add3A_985, %mul3A_984 : i32
        %dma_start3A_987 = arith.constant 24 : i32
        %dma_start3A_988 = arith.constant 0 : i32
        %dma_start3A_989 = tpu.memref_slice %arg7[%dma_start3A_987, %dma_start3A_988] : memref<32x768xf32, #tpu.memory_space<vmem>> -> memref<8x768xf32, #tpu.memory_space<vmem>>
        %dma_start3A_990 = tpu.memref_slice %arg6[%add3A_986] : memref<512xi32, #tpu.memory_space<vmem>> -> memref<8xi32, #tpu.memory_space<vmem>>
        %dma_start3A_991 = arith.constant 0 : i32
        %dma_start3A_992 = arith.constant 0 : i32
        %dma_start3A_993 = tpu.memref_slice %arg3[%dma_start3A_991, %dma_start3A_992] : memref<100000x768xf32, #tpu.memory_space<hbm>> -> memref<100000x768xf32, #tpu.memory_space<hbm>>
        tpu.enqueue_indirect_dma source(%dma_start3A_993 : memref<100000x768xf32, #tpu.memory_space<hbm>>) target(%dma_start3A_989 : memref<8x768xf32, #tpu.memory_space<vmem>>) offsets(%dma_start3A_990 : memref<8xi32, #tpu.memory_space<vmem>>) semaphore(%arg15 : memref<!tpu.dma_semaphore, #tpu.memory_space<semaphore_mem>>)
      } else {
      }
      %scan3A_732 = arith.constant 0 : i32
      %scan3A_733 = arith.constant 0 : i32
      %scan3A_734 = arith.constant 8 : i32
      %scan3A_735 = arith.addi %scan3A_733, %scan3A_734 : i32
      %scan3A_736 = arith.constant 1 : i32
      scf.for %scan3A_935 = %scan3A_733 to %scan3A_735 step %scan3A_736  : i32 {
        %parallel_loop3A = arith.constant 0 : i32
        %parallel_loop3A_936 = arith.constant 48 : i32
        %parallel_loop3A_937 = arith.constant 1 : i32
        scf.for %parallel_loop3A_938 = %parallel_loop3A to %parallel_loop3A_936 step %parallel_loop3A_937  : i32 {
          %parallel_loop3A_939 = arith.constant 16 : i32
          %parallel_loop3A_940 = arith.muli %parallel_loop3A_938, %parallel_loop3A_939 : i32
          %parallel_loop3A_941 = arith.index_cast %scan3A_935 : i32 to index
          %parallel_loop3A_942 = arith.index_cast %parallel_loop3A_940 : i32 to index
          %parallel_loop3A_943 = tpu.vector_load %arg13[%parallel_loop3A_941, %parallel_loop3A_942] {strides = array<i32>} : memref<8x768xf32, #tpu.memory_space<vmem>>, vector<1x16xf32>,
          %parallel_loop3A_944 = vector.shape_cast %parallel_loop3A_943 : vector<1x16xf32> to vector<16xf32>
          %parallel_loop3A_945 = arith.constant 0 : i32
          %parallel_loop3A_946 = arith.addi %parallel_loop3A_945, %scan3A_935 : i32
          %parallel_loop3A_947 = arith.index_cast %parallel_loop3A_946 : i32 to index
          %parallel_loop3A_948 = arith.index_cast %parallel_loop3A_940 : i32 to index
          %parallel_loop3A_949 = tpu.vector_load %arg9[%parallel_loop3A_947, %parallel_loop3A_948] {strides = array<i32>} : memref<32x768xf32, #tpu.memory_space<vmem>>, vector<1x16xf32>,
          %parallel_loop3A_950 = vector.shape_cast %parallel_loop3A_949 : vector<1x16xf32> to vector<16xf32>
          %parallel_loop3A_951 = vector.shape_cast %parallel_loop3A_944 : vector<16xf32> to vector<1x16xf32>
          tpu.vector_store %arg9[%parallel_loop3A_947, %parallel_loop3A_948], %parallel_loop3A_951 {add = true, strides = array<i32>} : memref<32x768xf32, #tpu.memory_space<vmem>>, vector<1x16xf32>,
          %parallel_loop3A_952 = arith.constant 8 : i32
          %parallel_loop3A_953 = arith.addi %parallel_loop3A_952, %scan3A_935 : i32
          %parallel_loop3A_954 = arith.index_cast %parallel_loop3A_953 : i32 to index
          %parallel_loop3A_955 = arith.index_cast %parallel_loop3A_940 : i32 to index
          %parallel_loop3A_956 = tpu.vector_load %arg9[%parallel_loop3A_954, %parallel_loop3A_955] {strides = array<i32>} : memref<32x768xf32, #tpu.memory_space<vmem>>, vector<1x16xf32>,
          %parallel_loop3A_957 = vector.shape_cast %parallel_loop3A_956 : vector<1x16xf32> to vector<16xf32>
          %parallel_loop3A_958 = vector.shape_cast %parallel_loop3A_944 : vector<16xf32> to vector<1x16xf32>
          tpu.vector_store %arg9[%parallel_loop3A_954, %parallel_loop3A_955], %parallel_loop3A_958 {add = true, strides = array<i32>} : memref<32x768xf32, #tpu.memory_space<vmem>>, vector<1x16xf32>,
          %parallel_loop3A_959 = arith.constant 16 : i32
          %parallel_loop3A_960 = arith.addi %parallel_loop3A_959, %scan3A_935 : i32
          %parallel_loop3A_961 = arith.index_cast %parallel_loop3A_960 : i32 to index
          %parallel_loop3A_962 = arith.index_cast %parallel_loop3A_940 : i32 to index
          %parallel_loop3A_963 = tpu.vector_load %arg9[%parallel_loop3A_961, %parallel_loop3A_962] {strides = array<i32>} : memref<32x768xf32, #tpu.memory_space<vmem>>, vector<1x16xf32>,
          %parallel_loop3A_964 = vector.shape_cast %parallel_loop3A_963 : vector<1x16xf32> to vector<16xf32>
          %parallel_loop3A_965 = vector.shape_cast %parallel_loop3A_944 : vector<16xf32> to vector<1x16xf32>
          tpu.vector_store %arg9[%parallel_loop3A_961, %parallel_loop3A_962], %parallel_loop3A_965 {add = true, strides = array<i32>} : memref<32x768xf32, #tpu.memory_space<vmem>>, vector<1x16xf32>,
          %parallel_loop3A_966 = arith.constant 24 : i32
          %parallel_loop3A_967 = arith.addi %parallel_loop3A_966, %scan3A_935 : i32
          %parallel_loop3A_968 = arith.index_cast %parallel_loop3A_967 : i32 to index
          %parallel_loop3A_969 = arith.index_cast %parallel_loop3A_940 : i32 to index
          %parallel_loop3A_970 = tpu.vector_load %arg9[%parallel_loop3A_968, %parallel_loop3A_969] {strides = array<i32>} : memref<32x768xf32, #tpu.memory_space<vmem>>, vector<1x16xf32>,
          %parallel_loop3A_971 = vector.shape_cast %parallel_loop3A_970 : vector<1x16xf32> to vector<16xf32>
          %parallel_loop3A_972 = vector.shape_cast %parallel_loop3A_944 : vector<16xf32> to vector<1x16xf32>
          tpu.vector_store %arg9[%parallel_loop3A_968, %parallel_loop3A_969], %parallel_loop3A_972 {add = true, strides = array<i32>} : memref<32x768xf32, #tpu.memory_space<vmem>>, vector<1x16xf32>,
        } {sc.loop_unroll_factor = 4 : i64, sc.parallel_access}
      }
      %scan3A_737 = arith.constant 8 : i32
      %mul3A_738 = arith.constant 8 : i32
      %mul3A_739 = arith.muli %add3A_670, %mul3A_738 : i32
      %add3A_740 = arith.addi %mul3A_2, %mul3A_739 : i32
      %dma_start3A_741 = arith.constant 0 : i32
      %dma_start3A_742 = arith.constant 0 : i32
      %dma_start3A_743 = arith.constant 0 : i32
      %dma_start3A_744 = tpu.memref_slice %arg9[%dma_start3A_742, %dma_start3A_743] : memref<32x768xf32, #tpu.memory_space<vmem>> -> memref<8x768xf32, #tpu.memory_space<vmem>>
      %dma_start3A_745 = arith.constant 0 : i32
      %dma_start3A_746 = tpu.memref_slice %arg5[%dma_start3A_741, %add3A_740, %dma_start3A_745] : memref<4x4096x768xf32, #tpu.memory_space<hbm>> -> memref<1x8x768xf32, #tpu.memory_space<hbm>>
      %dma_start3A_747 = tpu.memref_squeeze %dma_start3A_746 : memref<1x8x768xf32, #tpu.memory_space<hbm>> -> memref<8x768xf32, #tpu.memory_space<hbm>>
      %dma_start3A_748 = arith.constant 0 : i32
      %dma_start3A_749 = tpu.memref_slice %arg5[%dma_start3A_741, %add3A_740, %dma_start3A_748] : memref<4x4096x768xf32, #tpu.memory_space<hbm>> -> memref<1x8x768xf32, #tpu.memory_space<hbm>>
      %dma_start3A_750 = tpu.memref_squeeze %dma_start3A_749 : memref<1x8x768xf32, #tpu.memory_space<hbm>> -> memref<8x768xf32, #tpu.memory_space<hbm>>
      %dma_start3A_751 = arith.constant 0 : i32
      %dma_start3A_752 = arith.constant 0 : i32
      %dma_start3A_753 = tpu.memref_slice %arg9[%dma_start3A_751, %dma_start3A_752] : memref<32x768xf32, #tpu.memory_space<vmem>> -> memref<8x768xf32, #tpu.memory_space<vmem>>
      tpu.enqueue_dma source(%dma_start3A_753 : memref<8x768xf32, #tpu.memory_space<vmem>>) target(%dma_start3A_750 : memref<8x768xf32, #tpu.memory_space<hbm>>) target_semaphore(%arg25 : memref<!tpu.dma_semaphore, #tpu.memory_space<semaphore_mem>>)
      %mul3A_754 = arith.constant 8 : i32
      %mul3A_755 = arith.muli %add3A_670, %mul3A_754 : i32
      %add3A_756 = arith.addi %mul3A_2, %mul3A_755 : i32
      %dma_start3A_757 = arith.constant 1 : i32
      %dma_start3A_758 = arith.constant 8 : i32
      %dma_start3A_759 = arith.constant 0 : i32
      %dma_start3A_760 = tpu.memref_slice %arg9[%dma_start3A_758, %dma_start3A_759] : memref<32x768xf32, #tpu.memory_space<vmem>> -> memref<8x768xf32, #tpu.memory_space<vmem>>
      %dma_start3A_761 = arith.constant 0 : i32
      %dma_start3A_762 = tpu.memref_slice %arg5[%dma_start3A_757, %add3A_756, %dma_start3A_761] : memref<4x4096x768xf32, #tpu.memory_space<hbm>> -> memref<1x8x768xf32, #tpu.memory_space<hbm>>
      %dma_start3A_763 = tpu.memref_squeeze %dma_start3A_762 : memref<1x8x768xf32, #tpu.memory_space<hbm>> -> memref<8x768xf32, #tpu.memory_space<hbm>>
      %dma_start3A_764 = arith.constant 0 : i32
      %dma_start3A_765 = tpu.memref_slice %arg5[%dma_start3A_757, %add3A_756, %dma_start3A_764] : memref<4x4096x768xf32, #tpu.memory_space<hbm>> -> memref<1x8x768xf32, #tpu.memory_space<hbm>>
      %dma_start3A_766 = tpu.memref_squeeze %dma_start3A_765 : memref<1x8x768xf32, #tpu.memory_space<hbm>> -> memref<8x768xf32, #tpu.memory_space<hbm>>
      %dma_start3A_767 = arith.constant 8 : i32
      %dma_start3A_768 = arith.constant 0 : i32
      %dma_start3A_769 = tpu.memref_slice %arg9[%dma_start3A_767, %dma_start3A_768] : memref<32x768xf32, #tpu.memory_space<vmem>> -> memref<8x768xf32, #tpu.memory_space<vmem>>
      tpu.enqueue_dma source(%dma_start3A_769 : memref<8x768xf32, #tpu.memory_space<vmem>>) target(%dma_start3A_766 : memref<8x768xf32, #tpu.memory_space<hbm>>) target_semaphore(%arg25 : memref<!tpu.dma_semaphore, #tpu.memory_space<semaphore_mem>>)
      %mul3A_770 = arith.constant 8 : i32
      %mul3A_771 = arith.muli %add3A_670, %mul3A_770 : i32
      %add3A_772 = arith.addi %mul3A_2, %mul3A_771 : i32
      %dma_start3A_773 = arith.constant 2 : i32
      %dma_start3A_774 = arith.constant 16 : i32
      %dma_start3A_775 = arith.constant 0 : i32
      %dma_start3A_776 = tpu.memref_slice %arg9[%dma_start3A_774, %dma_start3A_775] : memref<32x768xf32, #tpu.memory_space<vmem>> -> memref<8x768xf32, #tpu.memory_space<vmem>>
      %dma_start3A_777 = arith.constant 0 : i32
      %dma_start3A_778 = tpu.memref_slice %arg5[%dma_start3A_773, %add3A_772, %dma_start3A_777] : memref<4x4096x768xf32, #tpu.memory_space<hbm>> -> memref<1x8x768xf32, #tpu.memory_space<hbm>>
      %dma_start3A_779 = tpu.memref_squeeze %dma_start3A_778 : memref<1x8x768xf32, #tpu.memory_space<hbm>> -> memref<8x768xf32, #tpu.memory_space<hbm>>
      %dma_start3A_780 = arith.constant 0 : i32
      %dma_start3A_781 = tpu.memref_slice %arg5[%dma_start3A_773, %add3A_772, %dma_start3A_780] : memref<4x4096x768xf32, #tpu.memory_space<hbm>> -> memref<1x8x768xf32, #tpu.memory_space<hbm>>
      %dma_start3A_782 = tpu.memref_squeeze %dma_start3A_781 : memref<1x8x768xf32, #tpu.memory_space<hbm>> -> memref<8x768xf32, #tpu.memory_space<hbm>>
      %dma_start3A_783 = arith.constant 16 : i32
      %dma_start3A_784 = arith.constant 0 : i32
      %dma_start3A_785 = tpu.memref_slice %arg9[%dma_start3A_783, %dma_start3A_784] : memref<32x768xf32, #tpu.memory_space<vmem>> -> memref<8x768xf32, #tpu.memory_space<vmem>>
      tpu.enqueue_dma source(%dma_start3A_785 : memref<8x768xf32, #tpu.memory_space<vmem>>) target(%dma_start3A_782 : memref<8x768xf32, #tpu.memory_space<hbm>>) target_semaphore(%arg25 : memref<!tpu.dma_semaphore, #tpu.memory_space<semaphore_mem>>)
      %mul3A_786 = arith.constant 8 : i32
      %mul3A_787 = arith.muli %add3A_670, %mul3A_786 : i32
      %add3A_788 = arith.addi %mul3A_2, %mul3A_787 : i32
      %dma_start3A_789 = arith.constant 3 : i32
      %dma_start3A_790 = arith.constant 24 : i32
      %dma_start3A_791 = arith.constant 0 : i32
      %dma_start3A_792 = tpu.memref_slice %arg9[%dma_start3A_790, %dma_start3A_791] : memref<32x768xf32, #tpu.memory_space<vmem>> -> memref<8x768xf32, #tpu.memory_space<vmem>>
      %dma_start3A_793 = arith.constant 0 : i32
      %dma_start3A_794 = tpu.memref_slice %arg5[%dma_start3A_789, %add3A_788, %dma_start3A_793] : memref<4x4096x768xf32, #tpu.memory_space<hbm>> -> memref<1x8x768xf32, #tpu.memory_space<hbm>>
      %dma_start3A_795 = tpu.memref_squeeze %dma_start3A_794 : memref<1x8x768xf32, #tpu.memory_space<hbm>> -> memref<8x768xf32, #tpu.memory_space<hbm>>
      %dma_start3A_796 = arith.constant 0 : i32
      %dma_start3A_797 = tpu.memref_slice %arg5[%dma_start3A_789, %add3A_788, %dma_start3A_796] : memref<4x4096x768xf32, #tpu.memory_space<hbm>> -> memref<1x8x768xf32, #tpu.memory_space<hbm>>
      %dma_start3A_798 = tpu.memref_squeeze %dma_start3A_797 : memref<1x8x768xf32, #tpu.memory_space<hbm>> -> memref<8x768xf32, #tpu.memory_space<hbm>>
      %dma_start3A_799 = arith.constant 24 : i32
      %dma_start3A_800 = arith.constant 0 : i32
      %dma_start3A_801 = tpu.memref_slice %arg9[%dma_start3A_799, %dma_start3A_800] : memref<32x768xf32, #tpu.memory_space<vmem>> -> memref<8x768xf32, #tpu.memory_space<vmem>>
      tpu.enqueue_dma source(%dma_start3A_801 : memref<8x768xf32, #tpu.memory_space<vmem>>) target(%dma_start3A_798 : memref<8x768xf32, #tpu.memory_space<hbm>>) target_semaphore(%arg25 : memref<!tpu.dma_semaphore, #tpu.memory_space<semaphore_mem>>)
      %add3A_802 = arith.constant 3 : i32
      %add3A_803 = arith.addi %add3A_405, %add3A_802 : i32
      %dma_wait3A_804 = arith.constant 0 : i32
      %dma_wait3A_805 = arith.constant 0 : i32
      %dma_wait3A_806 = tpu.memref_slice %arg10[%dma_wait3A_804, %dma_wait3A_805] : memref<32x768xf32, #tpu.memory_space<vmem>> -> memref<8x768xf32, #tpu.memory_space<vmem>>
      %dma_wait3A_807 = arith.constant 0 : i32
      %dma_wait3A_808 = arith.constant 0 : i32
      %dma_wait3A_809 = tpu.memref_slice %arg3[%dma_wait3A_807, %dma_wait3A_808] : memref<100000x768xf32, #tpu.memory_space<hbm>> -> memref<8x768xf32, #tpu.memory_space<hbm>>
      %dma_wait3A_810 = arith.constant 0 : i32
      %dma_wait3A_811 = arith.constant 0 : i32
      %dma_wait3A_812 = tpu.memref_slice %arg10[%dma_wait3A_810, %dma_wait3A_811] : memref<32x768xf32, #tpu.memory_space<vmem>> -> memref<8x768xf32, #tpu.memory_space<vmem>>
      %dma_wait3A_813 = arith.constant 0 : i32
      %dma_wait3A_814 = arith.constant 0 : i32
      %dma_wait3A_815 = tpu.memref_slice %arg3[%dma_wait3A_813, %dma_wait3A_814] : memref<100000x768xf32, #tpu.memory_space<hbm>> -> memref<8x768xf32, #tpu.memory_space<hbm>>
      tpu.wait_dma2 semaphore(%arg18 : memref<!tpu.dma_semaphore, #tpu.memory_space<semaphore_mem>>) src(%dma_wait3A_815 : memref<8x768xf32, #tpu.memory_space<hbm>>) dst(%dma_wait3A_812 : memref<8x768xf32, #tpu.memory_space<vmem>>)
      %dma_wait3A_816 = arith.constant 8 : i32
      %dma_wait3A_817 = arith.constant 0 : i32
      %dma_wait3A_818 = tpu.memref_slice %arg10[%dma_wait3A_816, %dma_wait3A_817] : memref<32x768xf32, #tpu.memory_space<vmem>> -> memref<8x768xf32, #tpu.memory_space<vmem>>
      %dma_wait3A_819 = arith.constant 0 : i32
      %dma_wait3A_820 = arith.constant 0 : i32
      %dma_wait3A_821 = tpu.memref_slice %arg3[%dma_wait3A_819, %dma_wait3A_820] : memref<100000x768xf32, #tpu.memory_space<hbm>> -> memref<8x768xf32, #tpu.memory_space<hbm>>
      %dma_wait3A_822 = arith.constant 8 : i32
      %dma_wait3A_823 = arith.constant 0 : i32
      %dma_wait3A_824 = tpu.memref_slice %arg10[%dma_wait3A_822, %dma_wait3A_823] : memref<32x768xf32, #tpu.memory_space<vmem>> -> memref<8x768xf32, #tpu.memory_space<vmem>>
      %dma_wait3A_825 = arith.constant 0 : i32
      %dma_wait3A_826 = arith.constant 0 : i32
      %dma_wait3A_827 = tpu.memref_slice %arg3[%dma_wait3A_825, %dma_wait3A_826] : memref<100000x768xf32, #tpu.memory_space<hbm>> -> memref<8x768xf32, #tpu.memory_space<hbm>>
      tpu.wait_dma2 semaphore(%arg18 : memref<!tpu.dma_semaphore, #tpu.memory_space<semaphore_mem>>) src(%dma_wait3A_827 : memref<8x768xf32, #tpu.memory_space<hbm>>) dst(%dma_wait3A_824 : memref<8x768xf32, #tpu.memory_space<vmem>>)
      %dma_wait3A_828 = arith.constant 16 : i32
      %dma_wait3A_829 = arith.constant 0 : i32
      %dma_wait3A_830 = tpu.memref_slice %arg10[%dma_wait3A_828, %dma_wait3A_829] : memref<32x768xf32, #tpu.memory_space<vmem>> -> memref<8x768xf32, #tpu.memory_space<vmem>>
      %dma_wait3A_831 = arith.constant 0 : i32
      %dma_wait3A_832 = arith.constant 0 : i32
      %dma_wait3A_833 = tpu.memref_slice %arg3[%dma_wait3A_831, %dma_wait3A_832] : memref<100000x768xf32, #tpu.memory_space<hbm>> -> memref<8x768xf32, #tpu.memory_space<hbm>>
      %dma_wait3A_834 = arith.constant 16 : i32
      %dma_wait3A_835 = arith.constant 0 : i32
      %dma_wait3A_836 = tpu.memref_slice %arg10[%dma_wait3A_834, %dma_wait3A_835] : memref<32x768xf32, #tpu.memory_space<vmem>> -> memref<8x768xf32, #tpu.memory_space<vmem>>
      %dma_wait3A_837 = arith.constant 0 : i32
      %dma_wait3A_838 = arith.constant 0 : i32
      %dma_wait3A_839 = tpu.memref_slice %arg3[%dma_wait3A_837, %dma_wait3A_838] : memref<100000x768xf32, #tpu.memory_space<hbm>> -> memref<8x768xf32, #tpu.memory_space<hbm>>
      tpu.wait_dma2 semaphore(%arg18 : memref<!tpu.dma_semaphore, #tpu.memory_space<semaphore_mem>>) src(%dma_wait3A_839 : memref<8x768xf32, #tpu.memory_space<hbm>>) dst(%dma_wait3A_836 : memref<8x768xf32, #tpu.memory_space<vmem>>)
      %dma_wait3A_840 = arith.constant 24 : i32
      %dma_wait3A_841 = arith.constant 0 : i32
      %dma_wait3A_842 = tpu.memref_slice %arg10[%dma_wait3A_840, %dma_wait3A_841] : memref<32x768xf32, #tpu.memory_space<vmem>> -> memref<8x768xf32, #tpu.memory_space<vmem>>
      %dma_wait3A_843 = arith.constant 0 : i32
      %dma_wait3A_844 = arith.constant 0 : i32
      %dma_wait3A_845 = tpu.memref_slice %arg3[%dma_wait3A_843, %dma_wait3A_844] : memref<100000x768xf32, #tpu.memory_space<hbm>> -> memref<8x768xf32, #tpu.memory_space<hbm>>
      %dma_wait3A_846 = arith.constant 24 : i32
      %dma_wait3A_847 = arith.constant 0 : i32
      %dma_wait3A_848 = tpu.memref_slice %arg10[%dma_wait3A_846, %dma_wait3A_847] : memref<32x768xf32, #tpu.memory_space<vmem>> -> memref<8x768xf32, #tpu.memory_space<vmem>>
      %dma_wait3A_849 = arith.constant 0 : i32
      %dma_wait3A_850 = arith.constant 0 : i32
      %dma_wait3A_851 = tpu.memref_slice %arg3[%dma_wait3A_849, %dma_wait3A_850] : memref<100000x768xf32, #tpu.memory_space<hbm>> -> memref<8x768xf32, #tpu.memory_space<hbm>>
      tpu.wait_dma2 semaphore(%arg18 : memref<!tpu.dma_semaphore, #tpu.memory_space<semaphore_mem>>) src(%dma_wait3A_851 : memref<8x768xf32, #tpu.memory_space<hbm>>) dst(%dma_wait3A_848 : memref<8x768xf32, #tpu.memory_space<vmem>>)
      %dma_wait3A_852 = arith.constant 0 : i32
      %dma_wait3A_853 = arith.constant 0 : i32
      %dma_wait3A_854 = tpu.memref_slice %arg4[%dma_wait3A_852, %dma_wait3A_853] : memref<8192x768xf32, #tpu.memory_space<hbm>> -> memref<8x768xf32, #tpu.memory_space<hbm>>
      %dma_wait3A_855 = arith.constant 0 : i32
      %dma_wait3A_856 = arith.constant 0 : i32
      %dma_wait3A_857 = tpu.memref_slice %arg4[%dma_wait3A_855, %dma_wait3A_856] : memref<8192x768xf32, #tpu.memory_space<hbm>> -> memref<8x768xf32, #tpu.memory_space<hbm>>
      tpu.wait_dma2 semaphore(%arg22 : memref<!tpu.dma_semaphore, #tpu.memory_space<semaphore_mem>>) src(%dma_wait3A_857 : memref<8x768xf32, #tpu.memory_space<hbm>>) dst(%arg14 : memref<8x768xf32, #tpu.memory_space<vmem>>)
      %add3A_858 = arith.constant 2 : i32
      %add3A_859 = arith.addi %add3A_803, %add3A_858 : i32
      %lt3A_860 = arith.constant 16 : i32
      %lt3A_861 = arith.cmpi slt, %add3A_859, %lt3A_860 : i32
      %convert_element_type3A_862 = arith.extui %lt3A_861 : i1 to i32
      %cond3A_863 = arith.constant 0 : i32
      %cond3A_864 = arith.cmpi ne, %convert_element_type3A_862, %cond3A_863 : i32
      scf.if %cond3A_864 {
        %add3A_935 = arith.constant 2 : i32
        %add3A_936 = arith.addi %add3A_803, %add3A_935 : i32
        %ge3A = arith.constant 4 : i32
        %ge3A_937 = arith.cmpi sge, %add3A_936, %ge3A : i32
        %convert_element_type3A_938 = arith.extui %ge3A_937 : i1 to i32
        %cond3A_939 = arith.constant 0 : i32
        %cond3A_940 = arith.cmpi ne, %convert_element_type3A_938, %cond3A_939 : i32
        scf.if %cond3A_940 {
          %dma_wait3A_994 = arith.constant 0 : i32
          %dma_wait3A_995 = arith.constant 0 : i32
          %dma_wait3A_996 = arith.constant 0 : i32
          %dma_wait3A_997 = tpu.memref_slice %arg8[%dma_wait3A_995, %dma_wait3A_996] : memref<32x768xf32, #tpu.memory_space<vmem>> -> memref<8x768xf32, #tpu.memory_space<vmem>>
          %dma_wait3A_998 = arith.constant 0 : i32
          %dma_wait3A_999 = arith.constant 0 : i32
          %dma_wait3A_1000 = tpu.memref_slice %arg5[%dma_wait3A_994, %dma_wait3A_998, %dma_wait3A_999] : memref<4x4096x768xf32, #tpu.memory_space<hbm>> -> memref<1x8x768xf32, #tpu.memory_space<hbm>>
          %dma_wait3A_1001 = tpu.memref_squeeze %dma_wait3A_1000 : memref<1x8x768xf32, #tpu.memory_space<hbm>> -> memref<8x768xf32, #tpu.memory_space<hbm>>
          %dma_wait3A_1002 = arith.constant 0 : i32
          %dma_wait3A_1003 = arith.constant 0 : i32
          %dma_wait3A_1004 = tpu.memref_slice %arg5[%dma_wait3A_994, %dma_wait3A_1002, %dma_wait3A_1003] : memref<4x4096x768xf32, #tpu.memory_space<hbm>> -> memref<1x8x768xf32, #tpu.memory_space<hbm>>
          %dma_wait3A_1005 = tpu.memref_squeeze %dma_wait3A_1004 : memref<1x8x768xf32, #tpu.memory_space<hbm>> -> memref<8x768xf32, #tpu.memory_space<hbm>>
          %dma_wait3A_1006 = arith.constant 0 : i32
          %dma_wait3A_1007 = arith.constant 0 : i32
          %dma_wait3A_1008 = tpu.memref_slice %arg8[%dma_wait3A_1006, %dma_wait3A_1007] : memref<32x768xf32, #tpu.memory_space<vmem>> -> memref<8x768xf32, #tpu.memory_space<vmem>>
          tpu.wait_dma2 semaphore(%arg24 : memref<!tpu.dma_semaphore, #tpu.memory_space<semaphore_mem>>) src(%dma_wait3A_1008 : memref<8x768xf32, #tpu.memory_space<vmem>>) dst(%dma_wait3A_1005 : memref<8x768xf32, #tpu.memory_space<hbm>>)
          %dma_wait3A_1009 = arith.constant 1 : i32
          %dma_wait3A_1010 = arith.constant 8 : i32
          %dma_wait3A_1011 = arith.constant 0 : i32
          %dma_wait3A_1012 = tpu.memref_slice %arg8[%dma_wait3A_1010, %dma_wait3A_1011] : memref<32x768xf32, #tpu.memory_space<vmem>> -> memref<8x768xf32, #tpu.memory_space<vmem>>
          %dma_wait3A_1013 = arith.constant 0 : i32
          %dma_wait3A_1014 = arith.constant 0 : i32
          %dma_wait3A_1015 = tpu.memref_slice %arg5[%dma_wait3A_1009, %dma_wait3A_1013, %dma_wait3A_1014] : memref<4x4096x768xf32, #tpu.memory_space<hbm>> -> memref<1x8x768xf32, #tpu.memory_space<hbm>>
          %dma_wait3A_1016 = tpu.memref_squeeze %dma_wait3A_1015 : memref<1x8x768xf32, #tpu.memory_space<hbm>> -> memref<8x768xf32, #tpu.memory_space<hbm>>
          %dma_wait3A_1017 = arith.constant 0 : i32
          %dma_wait3A_1018 = arith.constant 0 : i32
          %dma_wait3A_1019 = tpu.memref_slice %arg5[%dma_wait3A_1009, %dma_wait3A_1017, %dma_wait3A_1018] : memref<4x4096x768xf32, #tpu.memory_space<hbm>> -> memref<1x8x768xf32, #tpu.memory_space<hbm>>
          %dma_wait3A_1020 = tpu.memref_squeeze %dma_wait3A_1019 : memref<1x8x768xf32, #tpu.memory_space<hbm>> -> memref<8x768xf32, #tpu.memory_space<hbm>>
          %dma_wait3A_1021 = arith.constant 8 : i32
          %dma_wait3A_1022 = arith.constant 0 : i32
          %dma_wait3A_1023 = tpu.memref_slice %arg8[%dma_wait3A_1021, %dma_wait3A_1022] : memref<32x768xf32, #tpu.memory_space<vmem>> -> memref<8x768xf32, #tpu.memory_space<vmem>>
          tpu.wait_dma2 semaphore(%arg24 : memref<!tpu.dma_semaphore, #tpu.memory_space<semaphore_mem>>) src(%dma_wait3A_1023 : memref<8x768xf32, #tpu.memory_space<vmem>>) dst(%dma_wait3A_1020 : memref<8x768xf32, #tpu.memory_space<hbm>>)
          %dma_wait3A_1024 = arith.constant 2 : i32
          %dma_wait3A_1025 = arith.constant 16 : i32
          %dma_wait3A_1026 = arith.constant 0 : i32
          %dma_wait3A_1027 = tpu.memref_slice %arg8[%dma_wait3A_1025, %dma_wait3A_1026] : memref<32x768xf32, #tpu.memory_space<vmem>> -> memref<8x768xf32, #tpu.memory_space<vmem>>
          %dma_wait3A_1028 = arith.constant 0 : i32
          %dma_wait3A_1029 = arith.constant 0 : i32
          %dma_wait3A_1030 = tpu.memref_slice %arg5[%dma_wait3A_1024, %dma_wait3A_1028, %dma_wait3A_1029] : memref<4x4096x768xf32, #tpu.memory_space<hbm>> -> memref<1x8x768xf32, #tpu.memory_space<hbm>>
          %dma_wait3A_1031 = tpu.memref_squeeze %dma_wait3A_1030 : memref<1x8x768xf32, #tpu.memory_space<hbm>> -> memref<8x768xf32, #tpu.memory_space<hbm>>
          %dma_wait3A_1032 = arith.constant 0 : i32
          %dma_wait3A_1033 = arith.constant 0 : i32
          %dma_wait3A_1034 = tpu.memref_slice %arg5[%dma_wait3A_1024, %dma_wait3A_1032, %dma_wait3A_1033] : memref<4x4096x768xf32, #tpu.memory_space<hbm>> -> memref<1x8x768xf32, #tpu.memory_space<hbm>>
          %dma_wait3A_1035 = tpu.memref_squeeze %dma_wait3A_1034 : memref<1x8x768xf32, #tpu.memory_space<hbm>> -> memref<8x768xf32, #tpu.memory_space<hbm>>
          %dma_wait3A_1036 = arith.constant 16 : i32
          %dma_wait3A_1037 = arith.constant 0 : i32
          %dma_wait3A_1038 = tpu.memref_slice %arg8[%dma_wait3A_1036, %dma_wait3A_1037] : memref<32x768xf32, #tpu.memory_space<vmem>> -> memref<8x768xf32, #tpu.memory_space<vmem>>
          tpu.wait_dma2 semaphore(%arg24 : memref<!tpu.dma_semaphore, #tpu.memory_space<semaphore_mem>>) src(%dma_wait3A_1038 : memref<8x768xf32, #tpu.memory_space<vmem>>) dst(%dma_wait3A_1035 : memref<8x768xf32, #tpu.memory_space<hbm>>)
          %dma_wait3A_1039 = arith.constant 3 : i32
          %dma_wait3A_1040 = arith.constant 24 : i32
          %dma_wait3A_1041 = arith.constant 0 : i32
          %dma_wait3A_1042 = tpu.memref_slice %arg8[%dma_wait3A_1040, %dma_wait3A_1041] : memref<32x768xf32, #tpu.memory_space<vmem>> -> memref<8x768xf32, #tpu.memory_space<vmem>>
          %dma_wait3A_1043 = arith.constant 0 : i32
          %dma_wait3A_1044 = arith.constant 0 : i32
          %dma_wait3A_1045 = tpu.memref_slice %arg5[%dma_wait3A_1039, %dma_wait3A_1043, %dma_wait3A_1044] : memref<4x4096x768xf32, #tpu.memory_space<hbm>> -> memref<1x8x768xf32, #tpu.memory_space<hbm>>
          %dma_wait3A_1046 = tpu.memref_squeeze %dma_wait3A_1045 : memref<1x8x768xf32, #tpu.memory_space<hbm>> -> memref<8x768xf32, #tpu.memory_space<hbm>>
          %dma_wait3A_1047 = arith.constant 0 : i32
          %dma_wait3A_1048 = arith.constant 0 : i32
          %dma_wait3A_1049 = tpu.memref_slice %arg5[%dma_wait3A_1039, %dma_wait3A_1047, %dma_wait3A_1048] : memref<4x4096x768xf32, #tpu.memory_space<hbm>> -> memref<1x8x768xf32, #tpu.memory_space<hbm>>
          %dma_wait3A_1050 = tpu.memref_squeeze %dma_wait3A_1049 : memref<1x8x768xf32, #tpu.memory_space<hbm>> -> memref<8x768xf32, #tpu.memory_space<hbm>>
          %dma_wait3A_1051 = arith.constant 24 : i32
          %dma_wait3A_1052 = arith.constant 0 : i32
          %dma_wait3A_1053 = tpu.memref_slice %arg8[%dma_wait3A_1051, %dma_wait3A_1052] : memref<32x768xf32, #tpu.memory_space<vmem>> -> memref<8x768xf32, #tpu.memory_space<vmem>>
          tpu.wait_dma2 semaphore(%arg24 : memref<!tpu.dma_semaphore, #tpu.memory_space<semaphore_mem>>) src(%dma_wait3A_1053 : memref<8x768xf32, #tpu.memory_space<vmem>>) dst(%dma_wait3A_1050 : memref<8x768xf32, #tpu.memory_space<hbm>>)
        } else {
        }
        %add3A_941 = arith.constant 2 : i32
        %add3A_942 = arith.addi %add3A_803, %add3A_941 : i32
        %mul3A_943 = arith.constant 8 : i32
        %mul3A_944 = arith.muli %add3A_942, %mul3A_943 : i32
        %add3A_945 = arith.addi %mul3A_2, %mul3A_944 : i32
        %dma_start3A_946 = arith.constant 0 : i32
        %dma_start3A_947 = tpu.memref_slice %arg4[%add3A_945, %dma_start3A_946] : memref<8192x768xf32, #tpu.memory_space<hbm>> -> memref<8x768xf32, #tpu.memory_space<hbm>>
        %dma_start3A_948 = arith.constant 0 : i32
        %dma_start3A_949 = tpu.memref_slice %arg4[%add3A_945, %dma_start3A_948] : memref<8192x768xf32, #tpu.memory_space<hbm>> -> memref<8x768xf32, #tpu.memory_space<hbm>>
        tpu.enqueue_dma source(%dma_start3A_949 : memref<8x768xf32, #tpu.memory_space<hbm>>) target(%arg12 : memref<8x768xf32, #tpu.memory_space<vmem>>) target_semaphore(%arg20 : memref<!tpu.dma_semaphore, #tpu.memory_space<semaphore_mem>>)
        %mul3A_950 = arith.constant 8 : i32
        %mul3A_951 = arith.muli %add3A_942, %mul3A_950 : i32
        %add3A_952 = arith.constant 0 : i32
        %add3A_953 = arith.addi %add3A_952, %mul3A_951 : i32
        %dma_start3A_954 = arith.constant 0 : i32
        %dma_start3A_955 = arith.constant 0 : i32
        %dma_start3A_956 = tpu.memref_slice %arg8[%dma_start3A_954, %dma_start3A_955] : memref<32x768xf32, #tpu.memory_space<vmem>> -> memref<8x768xf32, #tpu.memory_space<vmem>>
        %dma_start3A_957 = tpu.memref_slice %arg6[%add3A_953] : memref<512xi32, #tpu.memory_space<vmem>> -> memref<8xi32, #tpu.memory_space<vmem>>
        %dma_start3A_958 = arith.constant 0 : i32
        %dma_start3A_959 = arith.constant 0 : i32
        %dma_start3A_960 = tpu.memref_slice %arg3[%dma_start3A_958, %dma_start3A_959] : memref<100000x768xf32, #tpu.memory_space<hbm>> -> memref<100000x768xf32, #tpu.memory_space<hbm>>
        tpu.enqueue_indirect_dma source(%dma_start3A_960 : memref<100000x768xf32, #tpu.memory_space<hbm>>) target(%dma_start3A_956 : memref<8x768xf32, #tpu.memory_space<vmem>>) offsets(%dma_start3A_957 : memref<8xi32, #tpu.memory_space<vmem>>) semaphore(%arg16 : memref<!tpu.dma_semaphore, #tpu.memory_space<semaphore_mem>>)
        %mul3A_961 = arith.constant 8 : i32
        %mul3A_962 = arith.muli %add3A_942, %mul3A_961 : i32
        %add3A_963 = arith.constant 128 : i32
        %add3A_964 = arith.addi %add3A_963, %mul3A_962 : i32
        %dma_start3A_965 = arith.constant 8 : i32
        %dma_start3A_966 = arith.constant 0 : i32
        %dma_start3A_967 = tpu.memref_slice %arg8[%dma_start3A_965, %dma_start3A_966] : memref<32x768xf32, #tpu.memory_space<vmem>> -> memref<8x768xf32, #tpu.memory_space<vmem>>
        %dma_start3A_968 = tpu.memref_slice %arg6[%add3A_964] : memref<512xi32, #tpu.memory_space<vmem>> -> memref<8xi32, #tpu.memory_space<vmem>>
        %dma_start3A_969 = arith.constant 0 : i32
        %dma_start3A_970 = arith.constant 0 : i32
        %dma_start3A_971 = tpu.memref_slice %arg3[%dma_start3A_969, %dma_start3A_970] : memref<100000x768xf32, #tpu.memory_space<hbm>> -> memref<100000x768xf32, #tpu.memory_space<hbm>>
        tpu.enqueue_indirect_dma source(%dma_start3A_971 : memref<100000x768xf32, #tpu.memory_space<hbm>>) target(%dma_start3A_967 : memref<8x768xf32, #tpu.memory_space<vmem>>) offsets(%dma_start3A_968 : memref<8xi32, #tpu.memory_space<vmem>>) semaphore(%arg16 : memref<!tpu.dma_semaphore, #tpu.memory_space<semaphore_mem>>)
        %mul3A_972 = arith.constant 8 : i32
        %mul3A_973 = arith.muli %add3A_942, %mul3A_972 : i32
        %add3A_974 = arith.constant 256 : i32
        %add3A_975 = arith.addi %add3A_974, %mul3A_973 : i32
        %dma_start3A_976 = arith.constant 16 : i32
        %dma_start3A_977 = arith.constant 0 : i32
        %dma_start3A_978 = tpu.memref_slice %arg8[%dma_start3A_976, %dma_start3A_977] : memref<32x768xf32, #tpu.memory_space<vmem>> -> memref<8x768xf32, #tpu.memory_space<vmem>>
        %dma_start3A_979 = tpu.memref_slice %arg6[%add3A_975] : memref<512xi32, #tpu.memory_space<vmem>> -> memref<8xi32, #tpu.memory_space<vmem>>
        %dma_start3A_980 = arith.constant 0 : i32
        %dma_start3A_981 = arith.constant 0 : i32
        %dma_start3A_982 = tpu.memref_slice %arg3[%dma_start3A_980, %dma_start3A_981] : memref<100000x768xf32, #tpu.memory_space<hbm>> -> memref<100000x768xf32, #tpu.memory_space<hbm>>
        tpu.enqueue_indirect_dma source(%dma_start3A_982 : memref<100000x768xf32, #tpu.memory_space<hbm>>) target(%dma_start3A_978 : memref<8x768xf32, #tpu.memory_space<vmem>>) offsets(%dma_start3A_979 : memref<8xi32, #tpu.memory_space<vmem>>) semaphore(%arg16 : memref<!tpu.dma_semaphore, #tpu.memory_space<semaphore_mem>>)
        %mul3A_983 = arith.constant 8 : i32
        %mul3A_984 = arith.muli %add3A_942, %mul3A_983 : i32
        %add3A_985 = arith.constant 384 : i32
        %add3A_986 = arith.addi %add3A_985, %mul3A_984 : i32
        %dma_start3A_987 = arith.constant 24 : i32
        %dma_start3A_988 = arith.constant 0 : i32
        %dma_start3A_989 = tpu.memref_slice %arg8[%dma_start3A_987, %dma_start3A_988] : memref<32x768xf32, #tpu.memory_space<vmem>> -> memref<8x768xf32, #tpu.memory_space<vmem>>
        %dma_start3A_990 = tpu.memref_slice %arg6[%add3A_986] : memref<512xi32, #tpu.memory_space<vmem>> -> memref<8xi32, #tpu.memory_space<vmem>>
        %dma_start3A_991 = arith.constant 0 : i32
        %dma_start3A_992 = arith.constant 0 : i32
        %dma_start3A_993 = tpu.memref_slice %arg3[%dma_start3A_991, %dma_start3A_992] : memref<100000x768xf32, #tpu.memory_space<hbm>> -> memref<100000x768xf32, #tpu.memory_space<hbm>>
        tpu.enqueue_indirect_dma source(%dma_start3A_993 : memref<100000x768xf32, #tpu.memory_space<hbm>>) target(%dma_start3A_989 : memref<8x768xf32, #tpu.memory_space<vmem>>) offsets(%dma_start3A_990 : memref<8xi32, #tpu.memory_space<vmem>>) semaphore(%arg16 : memref<!tpu.dma_semaphore, #tpu.memory_space<semaphore_mem>>)
      } else {
      }
      %scan3A_865 = arith.constant 0 : i32
      %scan3A_866 = arith.constant 0 : i32
      %scan3A_867 = arith.constant 8 : i32
      %scan3A_868 = arith.addi %scan3A_866, %scan3A_867 : i32
      %scan3A_869 = arith.constant 1 : i32
      scf.for %scan3A_935 = %scan3A_866 to %scan3A_868 step %scan3A_869  : i32 {
        %parallel_loop3A = arith.constant 0 : i32
        %parallel_loop3A_936 = arith.constant 48 : i32
        %parallel_loop3A_937 = arith.constant 1 : i32
        scf.for %parallel_loop3A_938 = %parallel_loop3A to %parallel_loop3A_936 step %parallel_loop3A_937  : i32 {
          %parallel_loop3A_939 = arith.constant 16 : i32
          %parallel_loop3A_940 = arith.muli %parallel_loop3A_938, %parallel_loop3A_939 : i32
          %parallel_loop3A_941 = arith.index_cast %scan3A_935 : i32 to index
          %parallel_loop3A_942 = arith.index_cast %parallel_loop3A_940 : i32 to index
          %parallel_loop3A_943 = tpu.vector_load %arg14[%parallel_loop3A_941, %parallel_loop3A_942] {strides = array<i32>} : memref<8x768xf32, #tpu.memory_space<vmem>>, vector<1x16xf32>,
          %parallel_loop3A_944 = vector.shape_cast %parallel_loop3A_943 : vector<1x16xf32> to vector<16xf32>
          %parallel_loop3A_945 = arith.constant 0 : i32
          %parallel_loop3A_946 = arith.addi %parallel_loop3A_945, %scan3A_935 : i32
          %parallel_loop3A_947 = arith.index_cast %parallel_loop3A_946 : i32 to index
          %parallel_loop3A_948 = arith.index_cast %parallel_loop3A_940 : i32 to index
          %parallel_loop3A_949 = tpu.vector_load %arg10[%parallel_loop3A_947, %parallel_loop3A_948] {strides = array<i32>} : memref<32x768xf32, #tpu.memory_space<vmem>>, vector<1x16xf32>,
          %parallel_loop3A_950 = vector.shape_cast %parallel_loop3A_949 : vector<1x16xf32> to vector<16xf32>
          %parallel_loop3A_951 = vector.shape_cast %parallel_loop3A_944 : vector<16xf32> to vector<1x16xf32>
          tpu.vector_store %arg10[%parallel_loop3A_947, %parallel_loop3A_948], %parallel_loop3A_951 {add = true, strides = array<i32>} : memref<32x768xf32, #tpu.memory_space<vmem>>, vector<1x16xf32>,
          %parallel_loop3A_952 = arith.constant 8 : i32
          %parallel_loop3A_953 = arith.addi %parallel_loop3A_952, %scan3A_935 : i32
          %parallel_loop3A_954 = arith.index_cast %parallel_loop3A_953 : i32 to index
          %parallel_loop3A_955 = arith.index_cast %parallel_loop3A_940 : i32 to index
          %parallel_loop3A_956 = tpu.vector_load %arg10[%parallel_loop3A_954, %parallel_loop3A_955] {strides = array<i32>} : memref<32x768xf32, #tpu.memory_space<vmem>>, vector<1x16xf32>,
          %parallel_loop3A_957 = vector.shape_cast %parallel_loop3A_956 : vector<1x16xf32> to vector<16xf32>
          %parallel_loop3A_958 = vector.shape_cast %parallel_loop3A_944 : vector<16xf32> to vector<1x16xf32>
          tpu.vector_store %arg10[%parallel_loop3A_954, %parallel_loop3A_955], %parallel_loop3A_958 {add = true, strides = array<i32>} : memref<32x768xf32, #tpu.memory_space<vmem>>, vector<1x16xf32>,
          %parallel_loop3A_959 = arith.constant 16 : i32
          %parallel_loop3A_960 = arith.addi %parallel_loop3A_959, %scan3A_935 : i32
          %parallel_loop3A_961 = arith.index_cast %parallel_loop3A_960 : i32 to index
          %parallel_loop3A_962 = arith.index_cast %parallel_loop3A_940 : i32 to index
          %parallel_loop3A_963 = tpu.vector_load %arg10[%parallel_loop3A_961, %parallel_loop3A_962] {strides = array<i32>} : memref<32x768xf32, #tpu.memory_space<vmem>>, vector<1x16xf32>,
          %parallel_loop3A_964 = vector.shape_cast %parallel_loop3A_963 : vector<1x16xf32> to vector<16xf32>
          %parallel_loop3A_965 = vector.shape_cast %parallel_loop3A_944 : vector<16xf32> to vector<1x16xf32>
          tpu.vector_store %arg10[%parallel_loop3A_961, %parallel_loop3A_962], %parallel_loop3A_965 {add = true, strides = array<i32>} : memref<32x768xf32, #tpu.memory_space<vmem>>, vector<1x16xf32>,
          %parallel_loop3A_966 = arith.constant 24 : i32
          %parallel_loop3A_967 = arith.addi %parallel_loop3A_966, %scan3A_935 : i32
          %parallel_loop3A_968 = arith.index_cast %parallel_loop3A_967 : i32 to index
          %parallel_loop3A_969 = arith.index_cast %parallel_loop3A_940 : i32 to index
          %parallel_loop3A_970 = tpu.vector_load %arg10[%parallel_loop3A_968, %parallel_loop3A_969] {strides = array<i32>} : memref<32x768xf32, #tpu.memory_space<vmem>>, vector<1x16xf32>,
          %parallel_loop3A_971 = vector.shape_cast %parallel_loop3A_970 : vector<1x16xf32> to vector<16xf32>
          %parallel_loop3A_972 = vector.shape_cast %parallel_loop3A_944 : vector<16xf32> to vector<1x16xf32>
          tpu.vector_store %arg10[%parallel_loop3A_968, %parallel_loop3A_969], %parallel_loop3A_972 {add = true, strides = array<i32>} : memref<32x768xf32, #tpu.memory_space<vmem>>, vector<1x16xf32>,
        } {sc.loop_unroll_factor = 4 : i64, sc.parallel_access}
      }
      %scan3A_870 = arith.constant 8 : i32
      %mul3A_871 = arith.constant 8 : i32
      %mul3A_872 = arith.muli %add3A_803, %mul3A_871 : i32
      %add3A_873 = arith.addi %mul3A_2, %mul3A_872 : i32
      %dma_start3A_874 = arith.constant 0 : i32
      %dma_start3A_875 = arith.constant 0 : i32
      %dma_start3A_876 = arith.constant 0 : i32
      %dma_start3A_877 = tpu.memref_slice %arg10[%dma_start3A_875, %dma_start3A_876] : memref<32x768xf32, #tpu.memory_space<vmem>> -> memref<8x768xf32, #tpu.memory_space<vmem>>
      %dma_start3A_878 = arith.constant 0 : i32
      %dma_start3A_879 = tpu.memref_slice %arg5[%dma_start3A_874, %add3A_873, %dma_start3A_878] : memref<4x4096x768xf32, #tpu.memory_space<hbm>> -> memref<1x8x768xf32, #tpu.memory_space<hbm>>
      %dma_start3A_880 = tpu.memref_squeeze %dma_start3A_879 : memref<1x8x768xf32, #tpu.memory_space<hbm>> -> memref<8x768xf32, #tpu.memory_space<hbm>>
      %dma_start3A_881 = arith.constant 0 : i32
      %dma_start3A_882 = tpu.memref_slice %arg5[%dma_start3A_874, %add3A_873, %dma_start3A_881] : memref<4x4096x768xf32, #tpu.memory_space<hbm>> -> memref<1x8x768xf32, #tpu.memory_space<hbm>>
      %dma_start3A_883 = tpu.memref_squeeze %dma_start3A_882 : memref<1x8x768xf32, #tpu.memory_space<hbm>> -> memref<8x768xf32, #tpu.memory_space<hbm>>
      %dma_start3A_884 = arith.constant 0 : i32
      %dma_start3A_885 = arith.constant 0 : i32
      %dma_start3A_886 = tpu.memref_slice %arg10[%dma_start3A_884, %dma_start3A_885] : memref<32x768xf32, #tpu.memory_space<vmem>> -> memref<8x768xf32, #tpu.memory_space<vmem>>
      tpu.enqueue_dma source(%dma_start3A_886 : memref<8x768xf32, #tpu.memory_space<vmem>>) target(%dma_start3A_883 : memref<8x768xf32, #tpu.memory_space<hbm>>) target_semaphore(%arg26 : memref<!tpu.dma_semaphore, #tpu.memory_space<semaphore_mem>>)
      %mul3A_887 = arith.constant 8 : i32
      %mul3A_888 = arith.muli %add3A_803, %mul3A_887 : i32
      %add3A_889 = arith.addi %mul3A_2, %mul3A_888 : i32
      %dma_start3A_890 = arith.constant 1 : i32
      %dma_start3A_891 = arith.constant 8 : i32
      %dma_start3A_892 = arith.constant 0 : i32
      %dma_start3A_893 = tpu.memref_slice %arg10[%dma_start3A_891, %dma_start3A_892] : memref<32x768xf32, #tpu.memory_space<vmem>> -> memref<8x768xf32, #tpu.memory_space<vmem>>
      %dma_start3A_894 = arith.constant 0 : i32
      %dma_start3A_895 = tpu.memref_slice %arg5[%dma_start3A_890, %add3A_889, %dma_start3A_894] : memref<4x4096x768xf32, #tpu.memory_space<hbm>> -> memref<1x8x768xf32, #tpu.memory_space<hbm>>
      %dma_start3A_896 = tpu.memref_squeeze %dma_start3A_895 : memref<1x8x768xf32, #tpu.memory_space<hbm>> -> memref<8x768xf32, #tpu.memory_space<hbm>>
      %dma_start3A_897 = arith.constant 0 : i32
      %dma_start3A_898 = tpu.memref_slice %arg5[%dma_start3A_890, %add3A_889, %dma_start3A_897] : memref<4x4096x768xf32, #tpu.memory_space<hbm>> -> memref<1x8x768xf32, #tpu.memory_space<hbm>>
      %dma_start3A_899 = tpu.memref_squeeze %dma_start3A_898 : memref<1x8x768xf32, #tpu.memory_space<hbm>> -> memref<8x768xf32, #tpu.memory_space<hbm>>
      %dma_start3A_900 = arith.constant 8 : i32
      %dma_start3A_901 = arith.constant 0 : i32
      %dma_start3A_902 = tpu.memref_slice %arg10[%dma_start3A_900, %dma_start3A_901] : memref<32x768xf32, #tpu.memory_space<vmem>> -> memref<8x768xf32, #tpu.memory_space<vmem>>
      tpu.enqueue_dma source(%dma_start3A_902 : memref<8x768xf32, #tpu.memory_space<vmem>>) target(%dma_start3A_899 : memref<8x768xf32, #tpu.memory_space<hbm>>) target_semaphore(%arg26 : memref<!tpu.dma_semaphore, #tpu.memory_space<semaphore_mem>>)
      %mul3A_903 = arith.constant 8 : i32
      %mul3A_904 = arith.muli %add3A_803, %mul3A_903 : i32
      %add3A_905 = arith.addi %mul3A_2, %mul3A_904 : i32
      %dma_start3A_906 = arith.constant 2 : i32
      %dma_start3A_907 = arith.constant 16 : i32
      %dma_start3A_908 = arith.constant 0 : i32
      %dma_start3A_909 = tpu.memref_slice %arg10[%dma_start3A_907, %dma_start3A_908] : memref<32x768xf32, #tpu.memory_space<vmem>> -> memref<8x768xf32, #tpu.memory_space<vmem>>
      %dma_start3A_910 = arith.constant 0 : i32
      %dma_start3A_911 = tpu.memref_slice %arg5[%dma_start3A_906, %add3A_905, %dma_start3A_910] : memref<4x4096x768xf32, #tpu.memory_space<hbm>> -> memref<1x8x768xf32, #tpu.memory_space<hbm>>
      %dma_start3A_912 = tpu.memref_squeeze %dma_start3A_911 : memref<1x8x768xf32, #tpu.memory_space<hbm>> -> memref<8x768xf32, #tpu.memory_space<hbm>>
      %dma_start3A_913 = arith.constant 0 : i32
      %dma_start3A_914 = tpu.memref_slice %arg5[%dma_start3A_906, %add3A_905, %dma_start3A_913] : memref<4x4096x768xf32, #tpu.memory_space<hbm>> -> memref<1x8x768xf32, #tpu.memory_space<hbm>>
      %dma_start3A_915 = tpu.memref_squeeze %dma_start3A_914 : memref<1x8x768xf32, #tpu.memory_space<hbm>> -> memref<8x768xf32, #tpu.memory_space<hbm>>
      %dma_start3A_916 = arith.constant 16 : i32
      %dma_start3A_917 = arith.constant 0 : i32
      %dma_start3A_918 = tpu.memref_slice %arg10[%dma_start3A_916, %dma_start3A_917] : memref<32x768xf32, #tpu.memory_space<vmem>> -> memref<8x768xf32, #tpu.memory_space<vmem>>
      tpu.enqueue_dma source(%dma_start3A_918 : memref<8x768xf32, #tpu.memory_space<vmem>>) target(%dma_start3A_915 : memref<8x768xf32, #tpu.memory_space<hbm>>) target_semaphore(%arg26 : memref<!tpu.dma_semaphore, #tpu.memory_space<semaphore_mem>>)
      %mul3A_919 = arith.constant 8 : i32
      %mul3A_920 = arith.muli %add3A_803, %mul3A_919 : i32
      %add3A_921 = arith.addi %mul3A_2, %mul3A_920 : i32
      %dma_start3A_922 = arith.constant 3 : i32
      %dma_start3A_923 = arith.constant 24 : i32
      %dma_start3A_924 = arith.constant 0 : i32
      %dma_start3A_925 = tpu.memref_slice %arg10[%dma_start3A_923, %dma_start3A_924] : memref<32x768xf32, #tpu.memory_space<vmem>> -> memref<8x768xf32, #tpu.memory_space<vmem>>
      %dma_start3A_926 = arith.constant 0 : i32
      %dma_start3A_927 = tpu.memref_slice %arg5[%dma_start3A_922, %add3A_921, %dma_start3A_926] : memref<4x4096x768xf32, #tpu.memory_space<hbm>> -> memref<1x8x768xf32, #tpu.memory_space<hbm>>
      %dma_start3A_928 = tpu.memref_squeeze %dma_start3A_927 : memref<1x8x768xf32, #tpu.memory_space<hbm>> -> memref<8x768xf32, #tpu.memory_space<hbm>>
      %dma_start3A_929 = arith.constant 0 : i32
      %dma_start3A_930 = tpu.memref_slice %arg5[%dma_start3A_922, %add3A_921, %dma_start3A_929] : memref<4x4096x768xf32, #tpu.memory_space<hbm>> -> memref<1x8x768xf32, #tpu.memory_space<hbm>>
      %dma_start3A_931 = tpu.memref_squeeze %dma_start3A_930 : memref<1x8x768xf32, #tpu.memory_space<hbm>> -> memref<8x768xf32, #tpu.memory_space<hbm>>
      %dma_start3A_932 = arith.constant 24 : i32
      %dma_start3A_933 = arith.constant 0 : i32
      %dma_start3A_934 = tpu.memref_slice %arg10[%dma_start3A_932, %dma_start3A_933] : memref<32x768xf32, #tpu.memory_space<vmem>> -> memref<8x768xf32, #tpu.memory_space<vmem>>
      tpu.enqueue_dma source(%dma_start3A_934 : memref<8x768xf32, #tpu.memory_space<vmem>>) target(%dma_start3A_931 : memref<8x768xf32, #tpu.memory_space<hbm>>) target_semaphore(%arg26 : memref<!tpu.dma_semaphore, #tpu.memory_space<semaphore_mem>>)
    }
    %scan3A_160 = arith.constant 4 : i32
    %dma_wait3A_161 = arith.constant 0 : i32
    %dma_wait3A_162 = arith.constant 0 : i32
    %dma_wait3A_163 = arith.constant 0 : i32
    %dma_wait3A_164 = tpu.memref_slice %arg7[%dma_wait3A_162, %dma_wait3A_163] : memref<32x768xf32, #tpu.memory_space<vmem>> -> memref<8x768xf32, #tpu.memory_space<vmem>>
    %dma_wait3A_165 = arith.constant 0 : i32
    %dma_wait3A_166 = arith.constant 0 : i32
    %dma_wait3A_167 = tpu.memref_slice %arg5[%dma_wait3A_161, %dma_wait3A_165, %dma_wait3A_166] : memref<4x4096x768xf32, #tpu.memory_space<hbm>> -> memref<1x8x768xf32, #tpu.memory_space<hbm>>
    %dma_wait3A_168 = tpu.memref_squeeze %dma_wait3A_167 : memref<1x8x768xf32, #tpu.memory_space<hbm>> -> memref<8x768xf32, #tpu.memory_space<hbm>>
    %dma_wait3A_169 = arith.constant 0 : i32
    %dma_wait3A_170 = arith.constant 0 : i32
    %dma_wait3A_171 = tpu.memref_slice %arg5[%dma_wait3A_161, %dma_wait3A_169, %dma_wait3A_170] : memref<4x4096x768xf32, #tpu.memory_space<hbm>> -> memref<1x8x768xf32, #tpu.memory_space<hbm>>
    %dma_wait3A_172 = tpu.memref_squeeze %dma_wait3A_171 : memref<1x8x768xf32, #tpu.memory_space<hbm>> -> memref<8x768xf32, #tpu.memory_space<hbm>>
    %dma_wait3A_173 = arith.constant 0 : i32
    %dma_wait3A_174 = arith.constant 0 : i32
    %dma_wait3A_175 = tpu.memref_slice %arg7[%dma_wait3A_173, %dma_wait3A_174] : memref<32x768xf32, #tpu.memory_space<vmem>> -> memref<8x768xf32, #tpu.memory_space<vmem>>
    tpu.wait_dma2 semaphore(%arg23 : memref<!tpu.dma_semaphore, #tpu.memory_space<semaphore_mem>>) src(%dma_wait3A_175 : memref<8x768xf32, #tpu.memory_space<vmem>>) dst(%dma_wait3A_172 : memref<8x768xf32, #tpu.memory_space<hbm>>)
    %dma_wait3A_176 = arith.constant 1 : i32
    %dma_wait3A_177 = arith.constant 8 : i32
    %dma_wait3A_178 = arith.constant 0 : i32
    %dma_wait3A_179 = tpu.memref_slice %arg7[%dma_wait3A_177, %dma_wait3A_178] : memref<32x768xf32, #tpu.memory_space<vmem>> -> memref<8x768xf32, #tpu.memory_space<vmem>>
    %dma_wait3A_180 = arith.constant 0 : i32
    %dma_wait3A_181 = arith.constant 0 : i32
    %dma_wait3A_182 = tpu.memref_slice %arg5[%dma_wait3A_176, %dma_wait3A_180, %dma_wait3A_181] : memref<4x4096x768xf32, #tpu.memory_space<hbm>> -> memref<1x8x768xf32, #tpu.memory_space<hbm>>
    %dma_wait3A_183 = tpu.memref_squeeze %dma_wait3A_182 : memref<1x8x768xf32, #tpu.memory_space<hbm>> -> memref<8x768xf32, #tpu.memory_space<hbm>>
    %dma_wait3A_184 = arith.constant 0 : i32
    %dma_wait3A_185 = arith.constant 0 : i32
    %dma_wait3A_186 = tpu.memref_slice %arg5[%dma_wait3A_176, %dma_wait3A_184, %dma_wait3A_185] : memref<4x4096x768xf32, #tpu.memory_space<hbm>> -> memref<1x8x768xf32, #tpu.memory_space<hbm>>
    %dma_wait3A_187 = tpu.memref_squeeze %dma_wait3A_186 : memref<1x8x768xf32, #tpu.memory_space<hbm>> -> memref<8x768xf32, #tpu.memory_space<hbm>>
    %dma_wait3A_188 = arith.constant 8 : i32
    %dma_wait3A_189 = arith.constant 0 : i32
    %dma_wait3A_190 = tpu.memref_slice %arg7[%dma_wait3A_188, %dma_wait3A_189] : memref<32x768xf32, #tpu.memory_space<vmem>> -> memref<8x768xf32, #tpu.memory_space<vmem>>
    tpu.wait_dma2 semaphore(%arg23 : memref<!tpu.dma_semaphore, #tpu.memory_space<semaphore_mem>>) src(%dma_wait3A_190 : memref<8x768xf32, #tpu.memory_space<vmem>>) dst(%dma_wait3A_187 : memref<8x768xf32, #tpu.memory_space<hbm>>)
    %dma_wait3A_191 = arith.constant 2 : i32
    %dma_wait3A_192 = arith.constant 16 : i32
    %dma_wait3A_193 = arith.constant 0 : i32
    %dma_wait3A_194 = tpu.memref_slice %arg7[%dma_wait3A_192, %dma_wait3A_193] : memref<32x768xf32, #tpu.memory_space<vmem>> -> memref<8x768xf32, #tpu.memory_space<vmem>>
    %dma_wait3A_195 = arith.constant 0 : i32
    %dma_wait3A_196 = arith.constant 0 : i32
    %dma_wait3A_197 = tpu.memref_slice %arg5[%dma_wait3A_191, %dma_wait3A_195, %dma_wait3A_196] : memref<4x4096x768xf32, #tpu.memory_space<hbm>> -> memref<1x8x768xf32, #tpu.memory_space<hbm>>
    %dma_wait3A_198 = tpu.memref_squeeze %dma_wait3A_197 : memref<1x8x768xf32, #tpu.memory_space<hbm>> -> memref<8x768xf32, #tpu.memory_space<hbm>>
    %dma_wait3A_199 = arith.constant 0 : i32
    %dma_wait3A_200 = arith.constant 0 : i32
    %dma_wait3A_201 = tpu.memref_slice %arg5[%dma_wait3A_191, %dma_wait3A_199, %dma_wait3A_200] : memref<4x4096x768xf32, #tpu.memory_space<hbm>> -> memref<1x8x768xf32, #tpu.memory_space<hbm>>
    %dma_wait3A_202 = tpu.memref_squeeze %dma_wait3A_201 : memref<1x8x768xf32, #tpu.memory_space<hbm>> -> memref<8x768xf32, #tpu.memory_space<hbm>>
    %dma_wait3A_203 = arith.constant 16 : i32
    %dma_wait3A_204 = arith.constant 0 : i32
    %dma_wait3A_205 = tpu.memref_slice %arg7[%dma_wait3A_203, %dma_wait3A_204] : memref<32x768xf32, #tpu.memory_space<vmem>> -> memref<8x768xf32, #tpu.memory_space<vmem>>
    tpu.wait_dma2 semaphore(%arg23 : memref<!tpu.dma_semaphore, #tpu.memory_space<semaphore_mem>>) src(%dma_wait3A_205 : memref<8x768xf32, #tpu.memory_space<vmem>>) dst(%dma_wait3A_202 : memref<8x768xf32, #tpu.memory_space<hbm>>)
    %dma_wait3A_206 = arith.constant 3 : i32
    %dma_wait3A_207 = arith.constant 24 : i32
    %dma_wait3A_208 = arith.constant 0 : i32
    %dma_wait3A_209 = tpu.memref_slice %arg7[%dma_wait3A_207, %dma_wait3A_208] : memref<32x768xf32, #tpu.memory_space<vmem>> -> memref<8x768xf32, #tpu.memory_space<vmem>>
    %dma_wait3A_210 = arith.constant 0 : i32
    %dma_wait3A_211 = arith.constant 0 : i32
    %dma_wait3A_212 = tpu.memref_slice %arg5[%dma_wait3A_206, %dma_wait3A_210, %dma_wait3A_211] : memref<4x4096x768xf32, #tpu.memory_space<hbm>> -> memref<1x8x768xf32, #tpu.memory_space<hbm>>
    %dma_wait3A_213 = tpu.memref_squeeze %dma_wait3A_212 : memref<1x8x768xf32, #tpu.memory_space<hbm>> -> memref<8x768xf32, #tpu.memory_space<hbm>>
    %dma_wait3A_214 = arith.constant 0 : i32
    %dma_wait3A_215 = arith.constant 0 : i32
    %dma_wait3A_216 = tpu.memref_slice %arg5[%dma_wait3A_206, %dma_wait3A_214, %dma_wait3A_215] : memref<4x4096x768xf32, #tpu.memory_space<hbm>> -> memref<1x8x768xf32, #tpu.memory_space<hbm>>
    %dma_wait3A_217 = tpu.memref_squeeze %dma_wait3A_216 : memref<1x8x768xf32, #tpu.memory_space<hbm>> -> memref<8x768xf32, #tpu.memory_space<hbm>>
    %dma_wait3A_218 = arith.constant 24 : i32
    %dma_wait3A_219 = arith.constant 0 : i32
    %dma_wait3A_220 = tpu.memref_slice %arg7[%dma_wait3A_218, %dma_wait3A_219] : memref<32x768xf32, #tpu.memory_space<vmem>> -> memref<8x768xf32, #tpu.memory_space<vmem>>
    tpu.wait_dma2 semaphore(%arg23 : memref<!tpu.dma_semaphore, #tpu.memory_space<semaphore_mem>>) src(%dma_wait3A_220 : memref<8x768xf32, #tpu.memory_space<vmem>>) dst(%dma_wait3A_217 : memref<8x768xf32, #tpu.memory_space<hbm>>)
    %dma_wait3A_221 = arith.constant 0 : i32
    %dma_wait3A_222 = arith.constant 0 : i32
    %dma_wait3A_223 = arith.constant 0 : i32
    %dma_wait3A_224 = tpu.memref_slice %arg8[%dma_wait3A_222, %dma_wait3A_223] : memref<32x768xf32, #tpu.memory_space<vmem>> -> memref<8x768xf32, #tpu.memory_space<vmem>>
    %dma_wait3A_225 = arith.constant 0 : i32
    %dma_wait3A_226 = arith.constant 0 : i32
    %dma_wait3A_227 = tpu.memref_slice %arg5[%dma_wait3A_221, %dma_wait3A_225, %dma_wait3A_226] : memref<4x4096x768xf32, #tpu.memory_space<hbm>> -> memref<1x8x768xf32, #tpu.memory_space<hbm>>
    %dma_wait3A_228 = tpu.memref_squeeze %dma_wait3A_227 : memref<1x8x768xf32, #tpu.memory_space<hbm>> -> memref<8x768xf32, #tpu.memory_space<hbm>>
    %dma_wait3A_229 = arith.constant 0 : i32
    %dma_wait3A_230 = arith.constant 0 : i32
    %dma_wait3A_231 = tpu.memref_slice %arg5[%dma_wait3A_221, %dma_wait3A_229, %dma_wait3A_230] : memref<4x4096x768xf32, #tpu.memory_space<hbm>> -> memref<1x8x768xf32, #tpu.memory_space<hbm>>
    %dma_wait3A_232 = tpu.memref_squeeze %dma_wait3A_231 : memref<1x8x768xf32, #tpu.memory_space<hbm>> -> memref<8x768xf32, #tpu.memory_space<hbm>>
    %dma_wait3A_233 = arith.constant 0 : i32
    %dma_wait3A_234 = arith.constant 0 : i32
    %dma_wait3A_235 = tpu.memref_slice %arg8[%dma_wait3A_233, %dma_wait3A_234] : memref<32x768xf32, #tpu.memory_space<vmem>> -> memref<8x768xf32, #tpu.memory_space<vmem>>
    tpu.wait_dma2 semaphore(%arg24 : memref<!tpu.dma_semaphore, #tpu.memory_space<semaphore_mem>>) src(%dma_wait3A_235 : memref<8x768xf32, #tpu.memory_space<vmem>>) dst(%dma_wait3A_232 : memref<8x768xf32, #tpu.memory_space<hbm>>)
    %dma_wait3A_236 = arith.constant 1 : i32
    %dma_wait3A_237 = arith.constant 8 : i32
    %dma_wait3A_238 = arith.constant 0 : i32
    %dma_wait3A_239 = tpu.memref_slice %arg8[%dma_wait3A_237, %dma_wait3A_238] : memref<32x768xf32, #tpu.memory_space<vmem>> -> memref<8x768xf32, #tpu.memory_space<vmem>>
    %dma_wait3A_240 = arith.constant 0 : i32
    %dma_wait3A_241 = arith.constant 0 : i32
    %dma_wait3A_242 = tpu.memref_slice %arg5[%dma_wait3A_236, %dma_wait3A_240, %dma_wait3A_241] : memref<4x4096x768xf32, #tpu.memory_space<hbm>> -> memref<1x8x768xf32, #tpu.memory_space<hbm>>
    %dma_wait3A_243 = tpu.memref_squeeze %dma_wait3A_242 : memref<1x8x768xf32, #tpu.memory_space<hbm>> -> memref<8x768xf32, #tpu.memory_space<hbm>>
    %dma_wait3A_244 = arith.constant 0 : i32
    %dma_wait3A_245 = arith.constant 0 : i32
    %dma_wait3A_246 = tpu.memref_slice %arg5[%dma_wait3A_236, %dma_wait3A_244, %dma_wait3A_245] : memref<4x4096x768xf32, #tpu.memory_space<hbm>> -> memref<1x8x768xf32, #tpu.memory_space<hbm>>
    %dma_wait3A_247 = tpu.memref_squeeze %dma_wait3A_246 : memref<1x8x768xf32, #tpu.memory_space<hbm>> -> memref<8x768xf32, #tpu.memory_space<hbm>>
    %dma_wait3A_248 = arith.constant 8 : i32
    %dma_wait3A_249 = arith.constant 0 : i32
    %dma_wait3A_250 = tpu.memref_slice %arg8[%dma_wait3A_248, %dma_wait3A_249] : memref<32x768xf32, #tpu.memory_space<vmem>> -> memref<8x768xf32, #tpu.memory_space<vmem>>
    tpu.wait_dma2 semaphore(%arg24 : memref<!tpu.dma_semaphore, #tpu.memory_space<semaphore_mem>>) src(%dma_wait3A_250 : memref<8x768xf32, #tpu.memory_space<vmem>>) dst(%dma_wait3A_247 : memref<8x768xf32, #tpu.memory_space<hbm>>)
    %dma_wait3A_251 = arith.constant 2 : i32
    %dma_wait3A_252 = arith.constant 16 : i32
    %dma_wait3A_253 = arith.constant 0 : i32
    %dma_wait3A_254 = tpu.memref_slice %arg8[%dma_wait3A_252, %dma_wait3A_253] : memref<32x768xf32, #tpu.memory_space<vmem>> -> memref<8x768xf32, #tpu.memory_space<vmem>>
    %dma_wait3A_255 = arith.constant 0 : i32
    %dma_wait3A_256 = arith.constant 0 : i32
    %dma_wait3A_257 = tpu.memref_slice %arg5[%dma_wait3A_251, %dma_wait3A_255, %dma_wait3A_256] : memref<4x4096x768xf32, #tpu.memory_space<hbm>> -> memref<1x8x768xf32, #tpu.memory_space<hbm>>
    %dma_wait3A_258 = tpu.memref_squeeze %dma_wait3A_257 : memref<1x8x768xf32, #tpu.memory_space<hbm>> -> memref<8x768xf32, #tpu.memory_space<hbm>>
    %dma_wait3A_259 = arith.constant 0 : i32
    %dma_wait3A_260 = arith.constant 0 : i32
    %dma_wait3A_261 = tpu.memref_slice %arg5[%dma_wait3A_251, %dma_wait3A_259, %dma_wait3A_260] : memref<4x4096x768xf32, #tpu.memory_space<hbm>> -> memref<1x8x768xf32, #tpu.memory_space<hbm>>
    %dma_wait3A_262 = tpu.memref_squeeze %dma_wait3A_261 : memref<1x8x768xf32, #tpu.memory_space<hbm>> -> memref<8x768xf32, #tpu.memory_space<hbm>>
    %dma_wait3A_263 = arith.constant 16 : i32
    %dma_wait3A_264 = arith.constant 0 : i32
    %dma_wait3A_265 = tpu.memref_slice %arg8[%dma_wait3A_263, %dma_wait3A_264] : memref<32x768xf32, #tpu.memory_space<vmem>> -> memref<8x768xf32, #tpu.memory_space<vmem>>
    tpu.wait_dma2 semaphore(%arg24 : memref<!tpu.dma_semaphore, #tpu.memory_space<semaphore_mem>>) src(%dma_wait3A_265 : memref<8x768xf32, #tpu.memory_space<vmem>>) dst(%dma_wait3A_262 : memref<8x768xf32, #tpu.memory_space<hbm>>)
    %dma_wait3A_266 = arith.constant 3 : i32
    %dma_wait3A_267 = arith.constant 24 : i32
    %dma_wait3A_268 = arith.constant 0 : i32
    %dma_wait3A_269 = tpu.memref_slice %arg8[%dma_wait3A_267, %dma_wait3A_268] : memref<32x768xf32, #tpu.memory_space<vmem>> -> memref<8x768xf32, #tpu.memory_space<vmem>>
    %dma_wait3A_270 = arith.constant 0 : i32
    %dma_wait3A_271 = arith.constant 0 : i32
    %dma_wait3A_272 = tpu.memref_slice %arg5[%dma_wait3A_266, %dma_wait3A_270, %dma_wait3A_271] : memref<4x4096x768xf32, #tpu.memory_space<hbm>> -> memref<1x8x768xf32, #tpu.memory_space<hbm>>
    %dma_wait3A_273 = tpu.memref_squeeze %dma_wait3A_272 : memref<1x8x768xf32, #tpu.memory_space<hbm>> -> memref<8x768xf32, #tpu.memory_space<hbm>>
    %dma_wait3A_274 = arith.constant 0 : i32
    %dma_wait3A_275 = arith.constant 0 : i32
    %dma_wait3A_276 = tpu.memref_slice %arg5[%dma_wait3A_266, %dma_wait3A_274, %dma_wait3A_275] : memref<4x4096x768xf32, #tpu.memory_space<hbm>> -> memref<1x8x768xf32, #tpu.memory_space<hbm>>
    %dma_wait3A_277 = tpu.memref_squeeze %dma_wait3A_276 : memref<1x8x768xf32, #tpu.memory_space<hbm>> -> memref<8x768xf32, #tpu.memory_space<hbm>>
    %dma_wait3A_278 = arith.constant 24 : i32
    %dma_wait3A_279 = arith.constant 0 : i32
    %dma_wait3A_280 = tpu.memref_slice %arg8[%dma_wait3A_278, %dma_wait3A_279] : memref<32x768xf32, #tpu.memory_space<vmem>> -> memref<8x768xf32, #tpu.memory_space<vmem>>
    tpu.wait_dma2 semaphore(%arg24 : memref<!tpu.dma_semaphore, #tpu.memory_space<semaphore_mem>>) src(%dma_wait3A_280 : memref<8x768xf32, #tpu.memory_space<vmem>>) dst(%dma_wait3A_277 : memref<8x768xf32, #tpu.memory_space<hbm>>)
    %dma_wait3A_281 = arith.constant 0 : i32
    %dma_wait3A_282 = arith.constant 0 : i32
    %dma_wait3A_283 = arith.constant 0 : i32
    %dma_wait3A_284 = tpu.memref_slice %arg9[%dma_wait3A_282, %dma_wait3A_283] : memref<32x768xf32, #tpu.memory_space<vmem>> -> memref<8x768xf32, #tpu.memory_space<vmem>>
    %dma_wait3A_285 = arith.constant 0 : i32
    %dma_wait3A_286 = arith.constant 0 : i32
    %dma_wait3A_287 = tpu.memref_slice %arg5[%dma_wait3A_281, %dma_wait3A_285, %dma_wait3A_286] : memref<4x4096x768xf32, #tpu.memory_space<hbm>> -> memref<1x8x768xf32, #tpu.memory_space<hbm>>
    %dma_wait3A_288 = tpu.memref_squeeze %dma_wait3A_287 : memref<1x8x768xf32, #tpu.memory_space<hbm>> -> memref<8x768xf32, #tpu.memory_space<hbm>>
    %dma_wait3A_289 = arith.constant 0 : i32
    %dma_wait3A_290 = arith.constant 0 : i32
    %dma_wait3A_291 = tpu.memref_slice %arg5[%dma_wait3A_281, %dma_wait3A_289, %dma_wait3A_290] : memref<4x4096x768xf32, #tpu.memory_space<hbm>> -> memref<1x8x768xf32, #tpu.memory_space<hbm>>
    %dma_wait3A_292 = tpu.memref_squeeze %dma_wait3A_291 : memref<1x8x768xf32, #tpu.memory_space<hbm>> -> memref<8x768xf32, #tpu.memory_space<hbm>>
    %dma_wait3A_293 = arith.constant 0 : i32
    %dma_wait3A_294 = arith.constant 0 : i32
    %dma_wait3A_295 = tpu.memref_slice %arg9[%dma_wait3A_293, %dma_wait3A_294] : memref<32x768xf32, #tpu.memory_space<vmem>> -> memref<8x768xf32, #tpu.memory_space<vmem>>
    tpu.wait_dma2 semaphore(%arg25 : memref<!tpu.dma_semaphore, #tpu.memory_space<semaphore_mem>>) src(%dma_wait3A_295 : memref<8x768xf32, #tpu.memory_space<vmem>>) dst(%dma_wait3A_292 : memref<8x768xf32, #tpu.memory_space<hbm>>)
    %dma_wait3A_296 = arith.constant 1 : i32
    %dma_wait3A_297 = arith.constant 8 : i32
    %dma_wait3A_298 = arith.constant 0 : i32
    %dma_wait3A_299 = tpu.memref_slice %arg9[%dma_wait3A_297, %dma_wait3A_298] : memref<32x768xf32, #tpu.memory_space<vmem>> -> memref<8x768xf32, #tpu.memory_space<vmem>>
    %dma_wait3A_300 = arith.constant 0 : i32
    %dma_wait3A_301 = arith.constant 0 : i32
    %dma_wait3A_302 = tpu.memref_slice %arg5[%dma_wait3A_296, %dma_wait3A_300, %dma_wait3A_301] : memref<4x4096x768xf32, #tpu.memory_space<hbm>> -> memref<1x8x768xf32, #tpu.memory_space<hbm>>
    %dma_wait3A_303 = tpu.memref_squeeze %dma_wait3A_302 : memref<1x8x768xf32, #tpu.memory_space<hbm>> -> memref<8x768xf32, #tpu.memory_space<hbm>>
    %dma_wait3A_304 = arith.constant 0 : i32
    %dma_wait3A_305 = arith.constant 0 : i32
    %dma_wait3A_306 = tpu.memref_slice %arg5[%dma_wait3A_296, %dma_wait3A_304, %dma_wait3A_305] : memref<4x4096x768xf32, #tpu.memory_space<hbm>> -> memref<1x8x768xf32, #tpu.memory_space<hbm>>
    %dma_wait3A_307 = tpu.memref_squeeze %dma_wait3A_306 : memref<1x8x768xf32, #tpu.memory_space<hbm>> -> memref<8x768xf32, #tpu.memory_space<hbm>>
    %dma_wait3A_308 = arith.constant 8 : i32
    %dma_wait3A_309 = arith.constant 0 : i32
    %dma_wait3A_310 = tpu.memref_slice %arg9[%dma_wait3A_308, %dma_wait3A_309] : memref<32x768xf32, #tpu.memory_space<vmem>> -> memref<8x768xf32, #tpu.memory_space<vmem>>
    tpu.wait_dma2 semaphore(%arg25 : memref<!tpu.dma_semaphore, #tpu.memory_space<semaphore_mem>>) src(%dma_wait3A_310 : memref<8x768xf32, #tpu.memory_space<vmem>>) dst(%dma_wait3A_307 : memref<8x768xf32, #tpu.memory_space<hbm>>)
    %dma_wait3A_311 = arith.constant 2 : i32
    %dma_wait3A_312 = arith.constant 16 : i32
    %dma_wait3A_313 = arith.constant 0 : i32
    %dma_wait3A_314 = tpu.memref_slice %arg9[%dma_wait3A_312, %dma_wait3A_313] : memref<32x768xf32, #tpu.memory_space<vmem>> -> memref<8x768xf32, #tpu.memory_space<vmem>>
    %dma_wait3A_315 = arith.constant 0 : i32
    %dma_wait3A_316 = arith.constant 0 : i32
    %dma_wait3A_317 = tpu.memref_slice %arg5[%dma_wait3A_311, %dma_wait3A_315, %dma_wait3A_316] : memref<4x4096x768xf32, #tpu.memory_space<hbm>> -> memref<1x8x768xf32, #tpu.memory_space<hbm>>
    %dma_wait3A_318 = tpu.memref_squeeze %dma_wait3A_317 : memref<1x8x768xf32, #tpu.memory_space<hbm>> -> memref<8x768xf32, #tpu.memory_space<hbm>>
    %dma_wait3A_319 = arith.constant 0 : i32
    %dma_wait3A_320 = arith.constant 0 : i32
    %dma_wait3A_321 = tpu.memref_slice %arg5[%dma_wait3A_311, %dma_wait3A_319, %dma_wait3A_320] : memref<4x4096x768xf32, #tpu.memory_space<hbm>> -> memref<1x8x768xf32, #tpu.memory_space<hbm>>
    %dma_wait3A_322 = tpu.memref_squeeze %dma_wait3A_321 : memref<1x8x768xf32, #tpu.memory_space<hbm>> -> memref<8x768xf32, #tpu.memory_space<hbm>>
    %dma_wait3A_323 = arith.constant 16 : i32
    %dma_wait3A_324 = arith.constant 0 : i32
    %dma_wait3A_325 = tpu.memref_slice %arg9[%dma_wait3A_323, %dma_wait3A_324] : memref<32x768xf32, #tpu.memory_space<vmem>> -> memref<8x768xf32, #tpu.memory_space<vmem>>
    tpu.wait_dma2 semaphore(%arg25 : memref<!tpu.dma_semaphore, #tpu.memory_space<semaphore_mem>>) src(%dma_wait3A_325 : memref<8x768xf32, #tpu.memory_space<vmem>>) dst(%dma_wait3A_322 : memref<8x768xf32, #tpu.memory_space<hbm>>)
    %dma_wait3A_326 = arith.constant 3 : i32
    %dma_wait3A_327 = arith.constant 24 : i32
    %dma_wait3A_328 = arith.constant 0 : i32
    %dma_wait3A_329 = tpu.memref_slice %arg9[%dma_wait3A_327, %dma_wait3A_328] : memref<32x768xf32, #tpu.memory_space<vmem>> -> memref<8x768xf32, #tpu.memory_space<vmem>>
    %dma_wait3A_330 = arith.constant 0 : i32
    %dma_wait3A_331 = arith.constant 0 : i32
    %dma_wait3A_332 = tpu.memref_slice %arg5[%dma_wait3A_326, %dma_wait3A_330, %dma_wait3A_331] : memref<4x4096x768xf32, #tpu.memory_space<hbm>> -> memref<1x8x768xf32, #tpu.memory_space<hbm>>
    %dma_wait3A_333 = tpu.memref_squeeze %dma_wait3A_332 : memref<1x8x768xf32, #tpu.memory_space<hbm>> -> memref<8x768xf32, #tpu.memory_space<hbm>>
    %dma_wait3A_334 = arith.constant 0 : i32
    %dma_wait3A_335 = arith.constant 0 : i32
    %dma_wait3A_336 = tpu.memref_slice %arg5[%dma_wait3A_326, %dma_wait3A_334, %dma_wait3A_335] : memref<4x4096x768xf32, #tpu.memory_space<hbm>> -> memref<1x8x768xf32, #tpu.memory_space<hbm>>
    %dma_wait3A_337 = tpu.memref_squeeze %dma_wait3A_336 : memref<1x8x768xf32, #tpu.memory_space<hbm>> -> memref<8x768xf32, #tpu.memory_space<hbm>>
    %dma_wait3A_338 = arith.constant 24 : i32
    %dma_wait3A_339 = arith.constant 0 : i32
    %dma_wait3A_340 = tpu.memref_slice %arg9[%dma_wait3A_338, %dma_wait3A_339] : memref<32x768xf32, #tpu.memory_space<vmem>> -> memref<8x768xf32, #tpu.memory_space<vmem>>
    tpu.wait_dma2 semaphore(%arg25 : memref<!tpu.dma_semaphore, #tpu.memory_space<semaphore_mem>>) src(%dma_wait3A_340 : memref<8x768xf32, #tpu.memory_space<vmem>>) dst(%dma_wait3A_337 : memref<8x768xf32, #tpu.memory_space<hbm>>)
    %dma_wait3A_341 = arith.constant 0 : i32
    %dma_wait3A_342 = arith.constant 0 : i32
    %dma_wait3A_343 = arith.constant 0 : i32
    %dma_wait3A_344 = tpu.memref_slice %arg10[%dma_wait3A_342, %dma_wait3A_343] : memref<32x768xf32, #tpu.memory_space<vmem>> -> memref<8x768xf32, #tpu.memory_space<vmem>>
    %dma_wait3A_345 = arith.constant 0 : i32
    %dma_wait3A_346 = arith.constant 0 : i32
    %dma_wait3A_347 = tpu.memref_slice %arg5[%dma_wait3A_341, %dma_wait3A_345, %dma_wait3A_346] : memref<4x4096x768xf32, #tpu.memory_space<hbm>> -> memref<1x8x768xf32, #tpu.memory_space<hbm>>
    %dma_wait3A_348 = tpu.memref_squeeze %dma_wait3A_347 : memref<1x8x768xf32, #tpu.memory_space<hbm>> -> memref<8x768xf32, #tpu.memory_space<hbm>>
    %dma_wait3A_349 = arith.constant 0 : i32
    %dma_wait3A_350 = arith.constant 0 : i32
    %dma_wait3A_351 = tpu.memref_slice %arg5[%dma_wait3A_341, %dma_wait3A_349, %dma_wait3A_350] : memref<4x4096x768xf32, #tpu.memory_space<hbm>> -> memref<1x8x768xf32, #tpu.memory_space<hbm>>
    %dma_wait3A_352 = tpu.memref_squeeze %dma_wait3A_351 : memref<1x8x768xf32, #tpu.memory_space<hbm>> -> memref<8x768xf32, #tpu.memory_space<hbm>>
    %dma_wait3A_353 = arith.constant 0 : i32
    %dma_wait3A_354 = arith.constant 0 : i32
    %dma_wait3A_355 = tpu.memref_slice %arg10[%dma_wait3A_353, %dma_wait3A_354] : memref<32x768xf32, #tpu.memory_space<vmem>> -> memref<8x768xf32, #tpu.memory_space<vmem>>
    tpu.wait_dma2 semaphore(%arg26 : memref<!tpu.dma_semaphore, #tpu.memory_space<semaphore_mem>>) src(%dma_wait3A_355 : memref<8x768xf32, #tpu.memory_space<vmem>>) dst(%dma_wait3A_352 : memref<8x768xf32, #tpu.memory_space<hbm>>)
    %dma_wait3A_356 = arith.constant 1 : i32
    %dma_wait3A_357 = arith.constant 8 : i32
    %dma_wait3A_358 = arith.constant 0 : i32
    %dma_wait3A_359 = tpu.memref_slice %arg10[%dma_wait3A_357, %dma_wait3A_358] : memref<32x768xf32, #tpu.memory_space<vmem>> -> memref<8x768xf32, #tpu.memory_space<vmem>>
    %dma_wait3A_360 = arith.constant 0 : i32
    %dma_wait3A_361 = arith.constant 0 : i32
    %dma_wait3A_362 = tpu.memref_slice %arg5[%dma_wait3A_356, %dma_wait3A_360, %dma_wait3A_361] : memref<4x4096x768xf32, #tpu.memory_space<hbm>> -> memref<1x8x768xf32, #tpu.memory_space<hbm>>
    %dma_wait3A_363 = tpu.memref_squeeze %dma_wait3A_362 : memref<1x8x768xf32, #tpu.memory_space<hbm>> -> memref<8x768xf32, #tpu.memory_space<hbm>>
    %dma_wait3A_364 = arith.constant 0 : i32
    %dma_wait3A_365 = arith.constant 0 : i32
    %dma_wait3A_366 = tpu.memref_slice %arg5[%dma_wait3A_356, %dma_wait3A_364, %dma_wait3A_365] : memref<4x4096x768xf32, #tpu.memory_space<hbm>> -> memref<1x8x768xf32, #tpu.memory_space<hbm>>
    %dma_wait3A_367 = tpu.memref_squeeze %dma_wait3A_366 : memref<1x8x768xf32, #tpu.memory_space<hbm>> -> memref<8x768xf32, #tpu.memory_space<hbm>>
    %dma_wait3A_368 = arith.constant 8 : i32
    %dma_wait3A_369 = arith.constant 0 : i32
    %dma_wait3A_370 = tpu.memref_slice %arg10[%dma_wait3A_368, %dma_wait3A_369] : memref<32x768xf32, #tpu.memory_space<vmem>> -> memref<8x768xf32, #tpu.memory_space<vmem>>
    tpu.wait_dma2 semaphore(%arg26 : memref<!tpu.dma_semaphore, #tpu.memory_space<semaphore_mem>>) src(%dma_wait3A_370 : memref<8x768xf32, #tpu.memory_space<vmem>>) dst(%dma_wait3A_367 : memref<8x768xf32, #tpu.memory_space<hbm>>)
    %dma_wait3A_371 = arith.constant 2 : i32
    %dma_wait3A_372 = arith.constant 16 : i32
    %dma_wait3A_373 = arith.constant 0 : i32
    %dma_wait3A_374 = tpu.memref_slice %arg10[%dma_wait3A_372, %dma_wait3A_373] : memref<32x768xf32, #tpu.memory_space<vmem>> -> memref<8x768xf32, #tpu.memory_space<vmem>>
    %dma_wait3A_375 = arith.constant 0 : i32
    %dma_wait3A_376 = arith.constant 0 : i32
    %dma_wait3A_377 = tpu.memref_slice %arg5[%dma_wait3A_371, %dma_wait3A_375, %dma_wait3A_376] : memref<4x4096x768xf32, #tpu.memory_space<hbm>> -> memref<1x8x768xf32, #tpu.memory_space<hbm>>
    %dma_wait3A_378 = tpu.memref_squeeze %dma_wait3A_377 : memref<1x8x768xf32, #tpu.memory_space<hbm>> -> memref<8x768xf32, #tpu.memory_space<hbm>>
    %dma_wait3A_379 = arith.constant 0 : i32
    %dma_wait3A_380 = arith.constant 0 : i32
    %dma_wait3A_381 = tpu.memref_slice %arg5[%dma_wait3A_371, %dma_wait3A_379, %dma_wait3A_380] : memref<4x4096x768xf32, #tpu.memory_space<hbm>> -> memref<1x8x768xf32, #tpu.memory_space<hbm>>
    %dma_wait3A_382 = tpu.memref_squeeze %dma_wait3A_381 : memref<1x8x768xf32, #tpu.memory_space<hbm>> -> memref<8x768xf32, #tpu.memory_space<hbm>>
    %dma_wait3A_383 = arith.constant 16 : i32
    %dma_wait3A_384 = arith.constant 0 : i32
    %dma_wait3A_385 = tpu.memref_slice %arg10[%dma_wait3A_383, %dma_wait3A_384] : memref<32x768xf32, #tpu.memory_space<vmem>> -> memref<8x768xf32, #tpu.memory_space<vmem>>
    tpu.wait_dma2 semaphore(%arg26 : memref<!tpu.dma_semaphore, #tpu.memory_space<semaphore_mem>>) src(%dma_wait3A_385 : memref<8x768xf32, #tpu.memory_space<vmem>>) dst(%dma_wait3A_382 : memref<8x768xf32, #tpu.memory_space<hbm>>)
    %dma_wait3A_386 = arith.constant 3 : i32
    %dma_wait3A_387 = arith.constant 24 : i32
    %dma_wait3A_388 = arith.constant 0 : i32
    %dma_wait3A_389 = tpu.memref_slice %arg10[%dma_wait3A_387, %dma_wait3A_388] : memref<32x768xf32, #tpu.memory_space<vmem>> -> memref<8x768xf32, #tpu.memory_space<vmem>>
    %dma_wait3A_390 = arith.constant 0 : i32
    %dma_wait3A_391 = arith.constant 0 : i32
    %dma_wait3A_392 = tpu.memref_slice %arg5[%dma_wait3A_386, %dma_wait3A_390, %dma_wait3A_391] : memref<4x4096x768xf32, #tpu.memory_space<hbm>> -> memref<1x8x768xf32, #tpu.memory_space<hbm>>
    %dma_wait3A_393 = tpu.memref_squeeze %dma_wait3A_392 : memref<1x8x768xf32, #tpu.memory_space<hbm>> -> memref<8x768xf32, #tpu.memory_space<hbm>>
    %dma_wait3A_394 = arith.constant 0 : i32
    %dma_wait3A_395 = arith.constant 0 : i32
    %dma_wait3A_396 = tpu.memref_slice %arg5[%dma_wait3A_386, %dma_wait3A_394, %dma_wait3A_395] : memref<4x4096x768xf32, #tpu.memory_space<hbm>> -> memref<1x8x768xf32, #tpu.memory_space<hbm>>
    %dma_wait3A_397 = tpu.memref_squeeze %dma_wait3A_396 : memref<1x8x768xf32, #tpu.memory_space<hbm>> -> memref<8x768xf32, #tpu.memory_space<hbm>>
    %dma_wait3A_398 = arith.constant 24 : i32
    %dma_wait3A_399 = arith.constant 0 : i32
    %dma_wait3A_400 = tpu.memref_slice %arg10[%dma_wait3A_398, %dma_wait3A_399] : memref<32x768xf32, #tpu.memory_space<vmem>> -> memref<8x768xf32, #tpu.memory_space<vmem>>
    tpu.wait_dma2 semaphore(%arg26 : memref<!tpu.dma_semaphore, #tpu.memory_space<semaphore_mem>>) src(%dma_wait3A_400 : memref<8x768xf32, #tpu.memory_space<vmem>>) dst(%dma_wait3A_397 : memref<8x768xf32, #tpu.memory_space<hbm>>)
    return
  }
}

</mosaic_0001>

<sc_bundles>
// kernel: kernel.3.cloned.1.call-start
scs
__scs_entry_jumppad:
0x0: {  	(pc) =	sbr.rel $0x88, $3  }
0x1: {  	(tag) =	ssettag $0x0;
	lr =	simm.s32 $0x1  }
0x2: {  	[smem:$0x3F9E] =	sst lr;
	_ =	strace $0xD0000000  }
0x3: {  	_ = 	snop  }
0x4: {  	_ = 	snop  }
0x5: {  	_ = 	snop  }
0x6: {  	_ = 	snop  }
0x7: {  	_ = 	snop  }
__scs_overlays_trampoline_lowered:
0x8: {  	[smem:$0x3FAD] =	sst s0  }
0x9: {  	[smem:$0x3FAE] =	sst s1  }
0xa: {  	[smem:$0x3FAF] =	sst s2  }
0xb: {  	[smem:$0x3FB0] =	sst s3  }
0xc: {  	[smem:$0x3FB1] =	sst s4  }
0xd: {  	[smem:$0x3FB2] =	sst s5  }
0xe: {  	[smem:$0x3FB3] =	sst s6  }
0xf: {  	[smem:$0x3FB4] =	sst s7  }
0x10: {  	[smem:$0x3FB5] =	sst s8  }
0x11: {  	[smem:$0x3FB6] =	sst s9;
	s0 =	simm.s32 @!p0 $0x0  }
0x12: {  	s1 =	sld [smem:$0x3F9C];
	s0 =	simm.s32 @p0 $0x1  }
0x13: {  	[smem:$0x3FB7] =	sst s0;
	s0 =	simm.s32 @!p1 $0x0  }
0x14: {  	s2 =	sld [smem:$0x3F9B];
	s0 =	simm.s32 @p1 $0x1  }
0x15: {  	[smem:$0x3FB8] =	sst s0;
	s0 =	simm.s32 @!p2 $0x0  }
0x16: {  	s3 =	sld [smem:$0x3FDB];
	s0 =	simm.s32 @p2 $0x1  }
0x17: {  	s4 =	simm.s32 $0x1BF5;
	[smem:$0x3FBA] =	sst s0  }
0x18: {  	s0 =	sld [smem:$0x3F9D];
	_ =	swait.ge [sflag:s4], $0x0  }
0x19: {  	s7 =	sld [smem:$0x3F9E]  }
0x1a: {  	s8 =	sadd.s32 $0xFFFFE003, lr  }
0x1b: {  	s9 =	sadd.s32 $0xFFFFFEF7, lr;
	s5 =	simm.s32 $0xFFFFFFFF;
	p2 =	slt.u32 s8, $0xFFFFF086  }
0x1c: {  	p1 =	slt.u32 s9, $0xF7A;
	s5 =	simm.s32 @!p2 $0x0  }
0x1d: {  	s5 =	simm.s32 @p1 $0x1;
	p0 =	seq.s32 s7, s2  }
0x1e: {  	s7 =	smul.u32 @!p0 $0xF7A, s2;
	p2 =	seq.s32 @!p0 s5, $0x0  }
0x1f: {  	s9 =	smul.u32 $0xF7A, s1;
	s8 =	simm.s32 @!p0 $0x1BF5;
	p2 =	por !p2, p0  }
0x20: {  	[sflag:s8] =	ssyncset.s32 @!p0 $0xFFFFF086;
	s6 =	sadd.s32 @!p0 s3, s7;
	s7 =	simm.s32 @!p0 $0x108  }
0x21: {  	s3 =	sadd.s32 s3, s9;
	s6 =	sadd.s32 @!p0 $0x88, s6;
	s7 =	simm.s32 @p2 $0x1082  }
0x22: {  	[simem:s7], [sflag:s8] =	dma.local @!p0 [hbm:s6], $0xF7A  }
0x23: {  	s9 =	sor.u32 $0xD0000000, s2;
	s6 =	simm.s32 $0x108;
	_ =	swait.ge @!p0 [sflag:s8], $0x0  }
0x24: {  	s3 =	sadd.s32 $0x88, s3;
	s6 =	simm.s32 @!p1 $0x1082;
	[sflag:s4] =	ssyncset.s32 $0xFFFFF086  }
0x25: {  	[simem:s6], [sflag:s4] =	dma.local [hbm:s3], $0xF7A  }
0x26: {  	[smem:$0x3F9E] =	sst s1;
	(tag) =	ssettag s2;
	_ =	strace s9  }
0x27: {  	s1 =	sld [smem:$0x3FAE]  }
0x28: {  	s2 =	sld [smem:$0x3FAF]  }
0x29: {  	s4 =	sld [smem:$0x3FB1]  }
0x2a: {  	p0 =	seq.s32 s5, $0x0;
	s5 =	sld [smem:$0x3FB2]  }
0x2b: {  	s6 =	sld [smem:$0x3FB3]  }
0x2c: {  	s7 =	sld [smem:$0x3FB4]  }
0x2d: {  	s3 =	simm.s32 $0x108;
	s8 =	sld [smem:$0x3FB5]  }
0x2e: {  	s3 =	simm.s32 @!p0 $0x1082;
	s9 =	sld [smem:$0x3FB6]  }
0x2f: {  	lr =	sadd.s32 s0, s3;
	s0 =	sld [smem:$0x3FAD]  }
0x30: {  	s3 =	sld [smem:$0x3FB0]  }
0x31: {  	[smem:$0x3FB9] =	sst s10  }
0x32: {  	s10 =	sld [smem:$0x3FB7];
	_ =	sdelay $0x3  }
0x33: {  	p0 =	seq.s32 s10, $0x1;
	s10 =	sld [smem:$0x3FB9];
	_ =	sdelay $0x3  }
0x34: {  	[smem:$0x3FB9] =	sst s10  }
0x35: {  	s10 =	sld [smem:$0x3FB8];
	_ =	sdelay $0x3  }
0x36: {  	p1 =	seq.s32 s10, $0x1;
	s10 =	sld [smem:$0x3FB9];
	_ =	sdelay $0x3  }
0x37: {  	[smem:$0x3FB9] =	sst s10  }
0x38: {  	s10 =	sld [smem:$0x3FBA]  }
0x39: {  	_ = 	snop;
	(pc) =	sbr.ind lr, $3  }
0x3a: {  	_ = 	snop  }
0x3b: {  	_ = 	snop  }
0x3c: {  	p2 =	seq.s32 s10, $0x1;
	s10 =	sld [smem:$0x3FB9]  }
0x3d: {  	_ =	shalt  }
0x3e: {  	_ =	shalt  }
0x3f: {  	_ =	shalt  }
0x40: {  	_ =	shalt  }
0x41: {  	_ =	shalt  }
0x42: {  	_ =	shalt  }
0x43: {  	_ =	shalt  }
0x44: {  	_ =	shalt  }
0x45: {  	_ =	shalt  }
0x46: {  	_ =	shalt  }
0x47: {  	_ =	shalt  }
0x48: {  	_ =	shalt  }
0x49: {  	_ =	shalt  }
0x4a: {  	_ =	shalt  }
0x4b: {  	_ =	shalt  }
0x4c: {  	_ =	shalt  }
0x4d: {  	_ =	shalt  }
0x4e: {  	_ =	shalt  }
0x4f: {  	_ =	shalt  }
0x50: {  	_ =	shalt  }
0x51: {  	_ =	shalt  }
0x52: {  	_ =	shalt  }
0x53: {  	_ =	shalt  }
0x54: {  	_ =	shalt  }
0x55: {  	_ =	shalt  }
0x56: {  	_ =	shalt  }
0x57: {  	_ =	shalt  }
0x58: {  	_ =	shalt  }
0x59: {  	_ =	shalt  }
0x5a: {  	_ =	shalt  }
0x5b: {  	_ =	shalt  }
0x5c: {  	_ =	shalt  }
0x5d: {  	_ =	shalt  }
0x5e: {  	_ =	shalt  }
0x5f: {  	_ =	shalt  }
0x60: {  	_ =	shalt  }
0x61: {  	_ =	shalt  }
0x62: {  	_ =	shalt  }
0x63: {  	_ =	shalt  }
0x64: {  	_ =	shalt  }
0x65: {  	_ =	shalt  }
0x66: {  	_ =	shalt  }
0x67: {  	_ =	shalt  }
0x68: {  	_ =	shalt  }
0x69: {  	_ =	shalt  }
0x6a: {  	_ =	shalt  }
0x6b: {  	_ =	shalt  }
0x6c: {  	_ =	shalt  }
0x6d: {  	_ =	shalt  }
0x6e: {  	_ =	shalt  }
0x6f: {  	_ =	shalt  }
0x70: {  	_ =	shalt  }
0x71: {  	_ =	shalt  }
0x72: {  	_ =	shalt  }
0x73: {  	_ =	shalt  }
0x74: {  	_ =	shalt  }
0x75: {  	_ =	shalt  }
0x76: {  	_ =	shalt  }
0x77: {  	_ =	shalt  }
0x78: {  	_ =	shalt  }
0x79: {  	_ =	shalt  }
0x7a: {  	_ =	shalt  }
0x7b: {  	_ =	shalt  }
0x7c: {  	_ =	shalt  }
0x7d: {  	_ =	shalt  }
0x7e: {  	_ =	shalt  }
0x7f: {  	_ =	shalt  }
0x80: {  	_ =	shalt  }
0x81: {  	_ =	shalt  }
0x82: {  	_ =	shalt  }
0x83: {  	_ =	shalt  }
0x84: {  	_ =	shalt  }
0x85: {  	_ =	shalt  }
0x86: {  	_ =	shalt  }
0x87: {  	_ =	shalt  }
.Lfunc_end0:
.L_simem_size_0:
called_computation_lowered:
.L_overlay_start_0:
0x88: {  	s2 =	sld [smem:$0x3FD9]  }
0x89: {  	s3 =	sld [smem:$0x3FFE];
	_ =	sdelay $0x1  }
0x8a: {  	s1 =	srdreg.scid  }
0x8b: {  	s0 =	sand.u32 $0x1, s1  }
0x8c: {  	s18 =	sshll.u32 s0, $0xA;
	s2 =	sadd.s32 s3, s2  }
0x8d: {  	s2 =	sadd.s32 s2, s18  }
0x8e: {  	[smem:$0x3FC5] =	sst s2  }
0x8f: {  	_ = 	snop  }
0x90: {  	s2 =	sld [smem:$0x3FC9]  }
0x91: {  	s19 =	sld [smem:$0x3FC8]  }
0x92: {  	s4 =	sld [smem:$0x3FC7]  }
0x93: {  	s5 =	sld [smem:$0x3FD0];
	(tm) =	ssettm $0x1  }
0x94: {  	s6 =	sld [smem:$0x3FFB];
	_ =	sdelay $0x3  }
0x95: {  	_ =	strace s6  }
0x96: {  	s6 =	sld [smem:$0x3FFC];
	_ =	sdelay $0x3  }
0x97: {  	_ =	strace s6  }
0x98: {  	s6 =	sld [smem:$0x3FFD];
	_ =	sdelay $0x3  }
0x99: {  	_ =	strace s6  }
0x9a: {  	_ =	strace $0x8FFFFFFF  }
0x9b: {  	s20 =	sld [smem:$0x3FDB];
	_ =	sdelay $0x1  }
0x9c: {  	s7 =	simm.s32 $_scs_section_size  }
0x9d: {  	s8 =	simm.s32 $_size__tile_overlayer_lowered;
	s9 =	simm.s32 $_tile_overlayer_lowered  }
0x9e: {  	s23 =	simm.s32 $0x1BFF;
	s22 =	sshll.u32 s9, $0x1;
	s6 =	sadd.s32 s7, s20  }
0x9f: {  	s10 =	simm.s32 $0x0;
	s21 =	sshll.u32 s8, $0x1;
	s8 =	sadd.s32 s22, s6  }
0xa0: {  	[timem:s10], [sflag:s23] =	dma.local [hbm:s8], s21  }
0xa1: {  	_ =	swait.ge [sflag:s23], s21  }
0xa2: {  	s7 =	ssub.s32 $0x0, s21;
	[sflag:s23] =	ssyncset.done $0x0  }
0xa3: {  	[sflag:s23] =	ssyncadd.s32 s7;
	_ =	sdelay $0x1  }
0xa4: {  	s24 =	simm.s32 $0x1B8B  }
0xa5: {  	_ =	swait.ge [sflag:s24], $0x1  }
0xa6: {  	[sflag:s24] =	ssyncset.done $0x0  }
0xa7: {  	s25 =	simm.s32 $0x1B8E;
	[sflag:s24] =	ssyncadd.s32 $0xFFFFFFFF  }
0xa8: {  	s26 =	simm.s32 $execute0_lowered;
	[smem:$0x3FD2] =	sst s25  }
0xa9: {  	s7 =	sshll.u32 s26, $0x1;
	_ =	strace $0x80000046;
	[dreg:$0x1] =	wrdreg $0xFFFFFFFF  }
0xaa: {  	s28 =	simm.s32 $_size_execute0_lowered;
	s6 =	sadd.s32 s6, s7;
	[dreg:$0x0] =	wrdreg $0x0  }
0xab: {  	s7 =	sshll.u32 s28, $0x1;
	[dreg:$0x2] =	wrdreg s6  }
0xac: {  	[dreg:$0x3] =	wrdreg s7  }
0xad: {  	[dreg:$0x4] =	wrdreg $0xC0  }
0xae: {  	_ =	task [dreg:s10], $0x5FFFF  }
0xaf: {  	[dreg:$0x1] =	wrdreg $0xFFFFFFFF  }
0xb0: {  	[dreg:$0x0] =	wrdreg $0x60  }
0xb1: {  	[dreg:$0x2] =	wrdreg s2  }
0xb2: {  	[dreg:$0x3] =	wrdreg s19  }
0xb3: {  	[dreg:$0x4] =	wrdreg s4  }
0xb4: {  	[dreg:$0x5] =	wrdreg s5  }
0xb5: {  	[dreg:$0x6] =	wrdreg $0x9  }
0xb6: {  	_ =	task.clear_ibuf [dreg:s10], $0x7FFFF;
	_ =	strace $0x90000046  }
0xb7: {  	s29 =	simm.s32 $0x9;
	_ =	strace $0x80000048  }
0xb8: {  	_ =	swait.ge [sflag:s29], $0x1  }
0xb9: {  	[sflag:s29] =	ssyncadd.s32 $0xFFFFFFFF  }
0xba: {  	_ =	strace $0x90000048  }
0xbb: {  	_ =	sfence  }
0xbc: {  	s30 =	sld [smem:$0x0];
	_ =	sdelay $0x2  }
0xbd: {  	s31 =	sshll.u32 s1, $0xD;
	s1 =	sshrl.u32 s1, $0x2  }
0xbe: {  	s3 =	sand.u32 $0x4000, s31;
	s1 =	sadd.s32 s1, s30  }
0xbf: {  	s0 =	sor.u32 s3, s0;
	s1 =	sshll.u32 s1, $0x11  }
0xc0: {  	s0 =	sor.u32 s1, s0  }
0xc1: {  	s0 =	sadd.s32 $0x8F2B, s0  }
0xc2: {  	[sflag:s0] =	ssyncadd.remote.s32 $0x1  }
0xc3: {  	_ =	sfence.sel $0xFFFF  }
0xc4: {  	[dreg:$0x0] =	wrdreg $0xFFFFFFFF;
	(pc) =	sbr.abs _section_cstart, $3  }
0xc5: {  	[dreg:$0x1] =	wrdreg $0xFFFFFFFF  }
0xc6: {  	_ =	task.clear_ibuf [dreg:s10], $0x2FFFF;
	_ =	strace $0x9FFFFFFF  }
0xc7: {  	(tm) =	ssettm $0x7FFFFFFF  }
tec
execute0_lowered:
.L_overlay_start_1:
0x0: {  	(tag) =	ssettag $0x1  }
0x1: {  	s0 =	rddreg [dreg:$0x0]  }
0x2: {  	s1 =	rddreg [dreg:$0x1]  }
0x3: {  	s6 =	rddreg [dreg:$0x2];
	s2 =	srdreg.scid  }
0x4: {  	s3 =	stileid.u32;
	s5 =	simm.s32 $0x0;
	s2 =	sand.u32 $0x1, s2  }
0x5: {  	s3 =	sshll.u32 s3, $0x8;
	[smem:$0x7FF] =	sst s5;
	s4 =	sshll.u32 s2, $0x7  }
0x6: {  	s28 =	sadd.s32 $0x100, s1;
	s2 =	ssub.s32 $0x2, s2;
	s4 =	sor.u32 s4, s3  }
0x7: {  	s23 =	sshrl.u32 s2, $0x1;
	s3 =	sshrl.u32 s4, $0x1;
	[dreg:$0x5] =	wrdreg s4  }
0x8: {  	s10 =	sshrl.u32 s4, $0x3;
	_ =	strace $0x80000047;
	[dreg:$0xc] =	wrdreg s28  }
0x9: {  	s2 =	ssub.s32 s2, s23;
	s3 =	sadd.s32 s0, s3;
	[dreg:$0x6] =	wrdreg s10  }
0xa: {  	s30 =	smax.u32 s2, $0x1;
	[dreg:$0x7] =	wrdreg s3  }
0xb: {  	s29 =	simm.s32 $0xC200;
	s25 =	sadd.s32 $0x10, s3;
	[dreg:$0xe] =	wrdreg s30  }
0xc: {  	s24 =	smul.u32 $0x300, s10;
	s26 =	sadd.s32 $0x20, s3;
	[dreg:$0x8] =	wrdreg s25  }
0xd: {  	s31 =	simm.s32 $0xDA00;
	s3 =	sadd.s32 $0x30, s3;
	[dreg:$0x9] =	wrdreg s26  }
0xe: {  	s13 =	simm.s32 $0x12200;
	v0 =	vlaneseq.u32;
	[dreg:$0xa] =	wrdreg s3;
	s0 =	sadd.s32 s6, s24  }
0xf: {  	s16 =	simm.s32 $0x13A00;
	v1 =	vshrl.u32 v0, $0x3;
	[dreg:$0xb] =	wrdreg s0;
	s0 =	sadd.s32 $0x300, s0  }
0x10: {  	vm0 =	vmmov $0xffff;
	s14 =	sadd.s32 $0x200, s1;
	v0 =	vand.u32 $0x7, v0;
	v1 =	vmul.u32 $0x8, v1;
	s2 =	simm.s32 $0x0;
	[dreg:$0xd] =	wrdreg s0  }
.LBB2_1:
0x11: {  	[dreg:$0xf] =	wrdreg s2  }
0x12: {  	s0 =	rddreg [dreg:$0x7]  }
0x13: {  	[tilespmem:s5], [sflag:$0x1] =	stream.linear.gather [hbm4b:s0+s5], $0x80, $0x38;
	[tilespmem:$0x1E200] =	vst v63  }
0x14: {  	s17 =	rddreg [dreg:$0x8];
	s1 =	simm.s32 $0x80  }
0x15: {  	[tilespmem:s1], [sflag:$0x1] =	stream.linear.gather [hbm4b:s17+s5], $0x80, $0x38;
	[tilespmem:$0x1E200] =	vst v63  }
0x16: {  	s18 =	rddreg [dreg:$0x9];
	s19 =	simm.s32 $0x100  }
0x17: {  	[tilespmem:s19], [sflag:$0x1] =	stream.linear.gather [hbm4b:s18+s5], $0x80, $0x38;
	[tilespmem:$0x1E200] =	vst v63  }
0x18: {  	s20 =	rddreg [dreg:$0xa];
	s21 =	simm.s32 $0x180;
	s22 =	simm.s32 $0x1  }
0x19: {  	[tilespmem:s21], [sflag:$0x1] =	stream.linear.gather [hbm4b:s20+s5], $0x80, $0x38;
	[tilespmem:$0x1E200] =	vst v63  }
0x1a: {  	_ =	swait.ge [sflag:s22], $0x80  }
0x1b: {  	[sflag:s22] =	ssyncset.done $0x0  }
0x1c: {  	[sflag:s22] =	ssyncadd.s32 $0xFFFFFF80  }
0x1d: {  	_ =	swait.ge [sflag:s22], $0x80  }
0x1e: {  	[sflag:s22] =	ssyncset.done $0x0  }
0x1f: {  	[sflag:s22] =	ssyncadd.s32 $0xFFFFFF80  }
0x20: {  	_ =	swait.ge [sflag:s22], $0x80  }
0x21: {  	[sflag:s22] =	ssyncset.done $0x0  }
0x22: {  	[sflag:s22] =	ssyncadd.s32 $0xFFFFFF80  }
0x23: {  	_ =	swait.ge [sflag:s22], $0x80  }
0x24: {  	[sflag:s22] =	ssyncset.done $0x0  }
0x25: {  	s24 =	simm.s32 $0x18200;
	s23 =	rddreg [dreg:$0xb];
	[sflag:s22] =	ssyncadd.s32 $0xFFFFFF80  }
0x26: {  	[tilespmem:s24], [sflag:$0x5] =	stream.linear.gather [hbm4b:s23+s5], $0x1800, $0x38;
	[tilespmem:$0x1E200] =	vst v63  }
0x27: {  	v2 =	vld.msk [tilespmem:$0x0], $0xff;
	_ =	sdelay $0x4  }
0x28: {  	v3 =	vshrl.u32 v2, $0x3  }
0x29: {  	v3 =	vmul.u32 $0x30, v3  }
0x2a: {  	v2 =	vand.u32 $0x7, v2  }
0x2b: {  	v2 =	vor.u32 v2, v3  }
0x2c: {  	v2 =	vperm.xlane v2, v0;
	_ =	sdelay $0x1  }
0x2d: {  	v2 =	vadd.s32 v1, v2;
	_ =	sdelay $0x3  }
0x2e: {  	s25 =	simm.s32 $0x200;
	s0 =	rddreg [dreg:$0x1]  }
0x2f: {  	[tilespmem:s25], [sflag:$0x1] =	stream.indirect_vreg.gather [hbm4b:s0+s5], $0x80, v2, vm0, $0xb8;
	[tilespmem:$0x1E200] =	vst v63  }
0x30: {  	s26 =	simm.s32 $0xA00;
	s1 =	rddreg [dreg:$0xc]  }
0x31: {  	[tilespmem:s26], [sflag:$0x1] =	stream.indirect_vreg.gather [hbm4b:s1+s5], $0x80, v2, vm0, $0xb8;
	[tilespmem:$0x1E200] =	vst v63  }
0x32: {  	s28 =	simm.s32 $0x1200  }
0x33: {  	[tilespmem:s28], [sflag:$0x1] =	stream.indirect_vreg.gather [hbm4b:s14+s5], $0x80, v2, vm0, $0xb8;
	[tilespmem:$0x1E200] =	vst v63  }
0x34: {  	v2 =	vld.msk [tilespmem:$0x80], $0xff;
	_ =	sdelay $0x4  }
0x35: {  	v3 =	vshrl.u32 v2, $0x3  }
0x36: {  	v3 =	vmul.u32 $0x30, v3  }
0x37: {  	v2 =	vand.u32 $0x7, v2  }
0x38: {  	v2 =	vor.u32 v2, v3  }
0x39: {  	v2 =	vperm.xlane v2, v0;
	_ =	sdelay $0x1  }
0x3a: {  	v2 =	vadd.s32 v1, v2;
	_ =	sdelay $0x3  }
0x3b: {  	s30 =	simm.s32 $0x1A00  }
0x3c: {  	[tilespmem:s30], [sflag:$0x1] =	stream.indirect_vreg.gather [hbm4b:s0+s5], $0x80, v2, vm0, $0xb8;
	[tilespmem:$0x1E200] =	vst v63  }
0x3d: {  	s3 =	simm.s32 $0x2200  }
0x3e: {  	[tilespmem:s3], [sflag:$0x1] =	stream.indirect_vreg.gather [hbm4b:s1+s5], $0x80, v2, vm0, $0xb8;
	[tilespmem:$0x1E200] =	vst v63  }
0x3f: {  	s4 =	simm.s32 $0x2A00  }
0x40: {  	[tilespmem:s4], [sflag:$0x1] =	stream.indirect_vreg.gather [hbm4b:s14+s5], $0x80, v2, vm0, $0xb8;
	[tilespmem:$0x1E200] =	vst v63  }
0x41: {  	v2 =	vld.msk [tilespmem:$0x100], $0xff;
	_ =	sdelay $0x4  }
0x42: {  	v3 =	vshrl.u32 v2, $0x3  }
0x43: {  	v3 =	vmul.u32 $0x30, v3  }
0x44: {  	v2 =	vand.u32 $0x7, v2  }
0x45: {  	v2 =	vor.u32 v2, v3  }
0x46: {  	v2 =	vperm.xlane v2, v0;
	_ =	sdelay $0x1  }
0x47: {  	v2 =	vadd.s32 v1, v2;
	_ =	sdelay $0x3  }
0x48: {  	s6 =	simm.s32 $0x3200  }
0x49: {  	[tilespmem:s6], [sflag:$0x1] =	stream.indirect_vreg.gather [hbm4b:s0+s5], $0x80, v2, vm0, $0xb8;
	[tilespmem:$0x1E200] =	vst v63  }
0x4a: {  	s7 =	simm.s32 $0x3A00  }
0x4b: {  	[tilespmem:s7], [sflag:$0x1] =	stream.indirect_vreg.gather [hbm4b:s1+s5], $0x80, v2, vm0, $0xb8;
	[tilespmem:$0x1E200] =	vst v63  }
0x4c: {  	s8 =	simm.s32 $0x4200  }
0x4d: {  	[tilespmem:s8], [sflag:$0x1] =	stream.indirect_vreg.gather [hbm4b:s14+s5], $0x80, v2, vm0, $0xb8;
	[tilespmem:$0x1E200] =	vst v63  }
0x4e: {  	v2 =	vld.msk [tilespmem:$0x180], $0xff;
	_ =	sdelay $0x4  }
0x4f: {  	v3 =	vshrl.u32 v2, $0x3  }
0x50: {  	v3 =	vmul.u32 $0x30, v3  }
0x51: {  	v2 =	vand.u32 $0x7, v2  }
0x52: {  	v2 =	vor.u32 v2, v3  }
0x53: {  	v2 =	vperm.xlane v2, v0;
	_ =	sdelay $0x1  }
0x54: {  	v2 =	vadd.s32 v1, v2;
	_ =	sdelay $0x3  }
0x55: {  	s9 =	simm.s32 $0x4A00  }
0x56: {  	[tilespmem:s9], [sflag:$0x1] =	stream.indirect_vreg.gather [hbm4b:s0+s5], $0x80, v2, vm0, $0xb8;
	[tilespmem:$0x1E200] =	vst v63  }
0x57: {  	s11 =	simm.s32 $0x5200  }
0x58: {  	[tilespmem:s11], [sflag:$0x1] =	stream.indirect_vreg.gather [hbm4b:s1+s5], $0x80, v2, vm0, $0xb8;
	[tilespmem:$0x1E200] =	vst v63  }
0x59: {  	s12 =	simm.s32 $0x5A00  }
0x5a: {  	[tilespmem:s12], [sflag:$0x1] =	stream.indirect_vreg.gather [hbm4b:s14+s5], $0x80, v2, vm0, $0xb8;
	[tilespmem:$0x1E200] =	vst v63  }
0x5b: {  	s15 =	rddreg [dreg:$0xd];
	s3 =	simm.s32 $0x19A00  }
0x5c: {  	[tilespmem:s3], [sflag:$0x6] =	stream.linear.gather [hbm4b:s15+s5], $0x1800, $0x38;
	[tilespmem:$0x1E200] =	vst v63  }
0x5d: {  	v2 =	vld.msk [tilespmem:$0x8], $0xff;
	_ =	sdelay $0x4  }
0x5e: {  	v3 =	vshrl.u32 v2, $0x3  }
0x5f: {  	v3 =	vmul.u32 $0x30, v3  }
0x60: {  	v2 =	vand.u32 $0x7, v2  }
0x61: {  	v2 =	vor.u32 v2, v3  }
0x62: {  	v2 =	vperm.xlane v2, v0;
	_ =	sdelay $0x1  }
0x63: {  	v2 =	vadd.s32 v1, v2;
	_ =	sdelay $0x3  }
0x64: {  	s17 =	simm.s32 $0x6200  }
0x65: {  	[tilespmem:s17], [sflag:$0x2] =	stream.indirect_vreg.gather [hbm4b:s0+s5], $0x80, v2, vm0, $0xb8;
	[tilespmem:$0x1E200] =	vst v63  }
0x66: {  	s18 =	simm.s32 $0x6A00  }
0x67: {  	[tilespmem:s18], [sflag:$0x2] =	stream.indirect_vreg.gather [hbm4b:s1+s5], $0x80, v2, vm0, $0xb8;
	[tilespmem:$0x1E200] =	vst v63  }
0x68: {  	s19 =	simm.s32 $0x7200  }
0x69: {  	[tilespmem:s19], [sflag:$0x2] =	stream.indirect_vreg.gather [hbm4b:s14+s5], $0x80, v2, vm0, $0xb8;
	[tilespmem:$0x1E200] =	vst v63  }
0x6a: {  	v2 =	vld.msk [tilespmem:$0x88], $0xff;
	_ =	sdelay $0x4  }
0x6b: {  	v3 =	vshrl.u32 v2, $0x3  }
0x6c: {  	v3 =	vmul.u32 $0x30, v3  }
0x6d: {  	v2 =	vand.u32 $0x7, v2  }
0x6e: {  	v2 =	vor.u32 v2, v3  }
0x6f: {  	v2 =	vperm.xlane v2, v0;
	_ =	sdelay $0x1  }
0x70: {  	v2 =	vadd.s32 v1, v2;
	_ =	sdelay $0x3  }
0x71: {  	s20 =	simm.s32 $0x7A00  }
0x72: {  	[tilespmem:s20], [sflag:$0x2] =	stream.indirect_vreg.gather [hbm4b:s0+s5], $0x80, v2, vm0, $0xb8;
	[tilespmem:$0x1E200] =	vst v63  }
0x73: {  	s21 =	simm.s32 $0x8200  }
0x74: {  	[tilespmem:s21], [sflag:$0x2] =	stream.indirect_vreg.gather [hbm4b:s1+s5], $0x80, v2, vm0, $0xb8;
	[tilespmem:$0x1E200] =	vst v63  }
0x75: {  	s22 =	simm.s32 $0x8A00  }
0x76: {  	[tilespmem:s22], [sflag:$0x2] =	stream.indirect_vreg.gather [hbm4b:s14+s5], $0x80, v2, vm0, $0xb8;
	[tilespmem:$0x1E200] =	vst v63  }
0x77: {  	v2 =	vld.msk [tilespmem:$0x108], $0xff;
	_ =	sdelay $0x4  }
0x78: {  	v3 =	vshrl.u32 v2, $0x3  }
0x79: {  	v3 =	vmul.u32 $0x30, v3  }
0x7a: {  	v2 =	vand.u32 $0x7, v2  }
0x7b: {  	v2 =	vor.u32 v2, v3  }
0x7c: {  	v2 =	vperm.xlane v2, v0;
	_ =	sdelay $0x1  }
0x7d: {  	v2 =	vadd.s32 v1, v2;
	_ =	sdelay $0x3  }
0x7e: {  	s23 =	simm.s32 $0x9200  }
0x7f: {  	[tilespmem:s23], [sflag:$0x2] =	stream.indirect_vreg.gather [hbm4b:s0+s5], $0x80, v2, vm0, $0xb8;
	[tilespmem:$0x1E200] =	vst v63  }
0x80: {  	s24 =	simm.s32 $0x9A00  }
0x81: {  	[tilespmem:s24], [sflag:$0x2] =	stream.indirect_vreg.gather [hbm4b:s1+s5], $0x80, v2, vm0, $0xb8;
	[tilespmem:$0x1E200] =	vst v63  }
0x82: {  	s25 =	simm.s32 $0xA200  }
0x83: {  	[tilespmem:s25], [sflag:$0x2] =	stream.indirect_vreg.gather [hbm4b:s14+s5], $0x80, v2, vm0, $0xb8;
	[tilespmem:$0x1E200] =	vst v63  }
0x84: {  	v2 =	vld.msk [tilespmem:$0x188], $0xff;
	_ =	sdelay $0x4  }
0x85: {  	v3 =	vshrl.u32 v2, $0x3  }
0x86: {  	v3 =	vmul.u32 $0x30, v3  }
0x87: {  	v2 =	vand.u32 $0x7, v2  }
0x88: {  	v2 =	vor.u32 v2, v3  }
0x89: {  	v2 =	vperm.xlane v2, v0;
	_ =	sdelay $0x1  }
0x8a: {  	v2 =	vadd.s32 v1, v2;
	_ =	sdelay $0x3  }
0x8b: {  	s26 =	simm.s32 $0xAA00  }
0x8c: {  	[tilespmem:s26], [sflag:$0x2] =	stream.indirect_vreg.gather [hbm4b:s0+s5], $0x80, v2, vm0, $0xb8;
	[tilespmem:$0x1E200] =	vst v63  }
0x8d: {  	s28 =	simm.s32 $0xB200  }
0x8e: {  	[tilespmem:s28], [sflag:$0x2] =	stream.indirect_vreg.gather [hbm4b:s1+s5], $0x80, v2, vm0, $0xb8;
	[tilespmem:$0x1E200] =	vst v63  }
0x8f: {  	s30 =	simm.s32 $0xBA00;
	s0 =	simm.s32 $0x0  }
0x90: {  	[tilespmem:s30], [sflag:$0x2] =	stream.indirect_vreg.gather [hbm4b:s14+s5], $0x80, v2, vm0, $0xb8;
	[tilespmem:$0x1E200] =	vst v63  }
.LBB2_2:
0x91: {  	s1 =	simm.s32 $0x1  }
0x92: {  	_ =	swait.ge [sflag:s1], $0x1800  }
0x93: {  	[sflag:s1] =	ssyncset.done $0x0  }
0x94: {  	[sflag:s1] =	ssyncadd.s32 $0xFFFFE800  }
0x95: {  	_ =	swait.ge [sflag:s1], $0x1800  }
0x96: {  	[sflag:s1] =	ssyncset.done $0x0  }
0x97: {  	[sflag:s1] =	ssyncadd.s32 $0xFFFFE800  }
0x98: {  	_ =	swait.ge [sflag:s1], $0x1800  }
0x99: {  	[sflag:s1] =	ssyncset.done $0x0  }
0x9a: {  	[sflag:s1] =	ssyncadd.s32 $0xFFFFE800  }
0x9b: {  	_ =	swait.ge [sflag:s1], $0x1800  }
0x9c: {  	[sflag:s1] =	ssyncset.done $0x0  }
0x9d: {  	s8 =	simm.s32 $0x5;
	[sflag:s1] =	ssyncadd.s32 $0xFFFFE800  }
0x9e: {  	_ =	swait.ge [sflag:s8], $0x1800  }
0x9f: {  	p0 =	seq.s32 s0, $0x0;
	[sflag:s8] =	ssyncset.done $0x0  }
0xa0: {  	s2 =	simm.s32 @!p0 $0xB;
	[sflag:s8] =	ssyncadd.s32 $0xFFFFE800  }
0xa1: {  	_ =	swait.ge @!p0 [sflag:s2], $0x1800  }
0xa2: {  	[sflag:s2] =	ssyncset.done @!p0 $0x0  }
0xa3: {  	[sflag:s2] =	ssyncadd.s32 @!p0 $0xFFFFE800  }
0xa4: {  	_ =	swait.ge @!p0 [sflag:s2], $0x1800  }
0xa5: {  	[sflag:s2] =	ssyncset.done @!p0 $0x0  }
0xa6: {  	[sflag:s2] =	ssyncadd.s32 @!p0 $0xFFFFE800  }
0xa7: {  	_ =	swait.ge @!p0 [sflag:s2], $0x1800  }
0xa8: {  	[sflag:s2] =	ssyncset.done @!p0 $0x0  }
0xa9: {  	s11 =	sshll.u32 s0, $0x2;
	[sflag:s2] =	ssyncadd.s32 @!p0 $0xFFFFE800  }
0xaa: {  	s3 =	sor.u32 $0x2, s11;
	_ =	swait.ge @!p0 [sflag:s2], $0x1800  }
0xab: {  	s9 =	sor.u32 s10, s3;
	[sflag:s2] =	ssyncset.done @!p0 $0x0  }
0xac: {  	s4 =	smul.u32 $0x300, s9;
	[sflag:s2] =	ssyncadd.s32 @!p0 $0xFFFFE800  }
0xad: {  	s17 =	simm.s32 $0x1B200;
	s18 =	sshll.u32 s3, $0x3;
	s12 =	rddreg [dreg:$0x2]  }
0xae: {  	s2 =	sand.u32 $0x3FFFFFF8, s18;
	s15 =	sadd.s32 s12, s4;
	s12 =	simm.s32 $0x0  }
0xaf: {  	[tilespmem:s17], [sflag:$0x7] =	stream.linear.gather [hbm4b:s15+s12], $0x1800, $0x38;
	[tilespmem:$0x1E200] =	vst v63  }
0xb0: {  	v2 =	vld.msk [tilespmem:s2+$0x0], $0xff;
	_ =	sdelay $0x4  }
0xb1: {  	v3 =	vshrl.u32 v2, $0x3  }
0xb2: {  	v3 =	vmul.u32 $0x30, v3  }
0xb3: {  	v2 =	vand.u32 $0x7, v2  }
0xb4: {  	v2 =	vor.u32 v2, v3  }
0xb5: {  	v2 =	vperm.xlane v2, v0;
	_ =	sdelay $0x1  }
0xb6: {  	v2 =	vadd.s32 v1, v2;
	_ =	sdelay $0x3  }
0xb7: {  	s19 =	rddreg [dreg:$0x1]  }
0xb8: {  	[tilespmem:s29], [sflag:$0x3] =	stream.indirect_vreg.gather [hbm4b:s19+s12], $0x80, v2, vm0, $0xb8;
	[tilespmem:$0x1E200] =	vst v63  }
0xb9: {  	s21 =	simm.s32 $0xCA00;
	s20 =	rddreg [dreg:$0xc]  }
0xba: {  	[tilespmem:s21], [sflag:$0x3] =	stream.indirect_vreg.gather [hbm4b:s20+s12], $0x80, v2, vm0, $0xb8;
	[tilespmem:$0x1E200] =	vst v63  }
0xbb: {  	s22 =	simm.s32 $0xD200  }
0xbc: {  	[tilespmem:s22], [sflag:$0x3] =	stream.indirect_vreg.gather [hbm4b:s14+s12], $0x80, v2, vm0, $0xb8;
	[tilespmem:$0x1E200] =	vst v63  }
0xbd: {  	v2 =	vld.msk [tilespmem:s2+$0x80], $0xff;
	_ =	sdelay $0x4  }
0xbe: {  	v3 =	vshrl.u32 v2, $0x3  }
0xbf: {  	v3 =	vmul.u32 $0x30, v3  }
0xc0: {  	v2 =	vand.u32 $0x7, v2  }
0xc1: {  	v2 =	vor.u32 v2, v3  }
0xc2: {  	v2 =	vperm.xlane v2, v0;
	_ =	sdelay $0x1  }
0xc3: {  	v2 =	vadd.s32 v1, v2;
	_ =	sdelay $0x4  }
0xc4: {  	[tilespmem:s31], [sflag:$0x3] =	stream.indirect_vreg.gather [hbm4b:s19+s12], $0x80, v2, vm0, $0xb8;
	[tilespmem:$0x1E200] =	vst v63  }
0xc5: {  	s23 =	simm.s32 $0xE200  }
0xc6: {  	[tilespmem:s23], [sflag:$0x3] =	stream.indirect_vreg.gather [hbm4b:s20+s12], $0x80, v2, vm0, $0xb8;
	[tilespmem:$0x1E200] =	vst v63  }
0xc7: {  	s24 =	simm.s32 $0xEA00  }
0xc8: {  	[tilespmem:s24], [sflag:$0x3] =	stream.indirect_vreg.gather [hbm4b:s14+s12], $0x80, v2, vm0, $0xb8;
	[tilespmem:$0x1E200] =	vst v63  }
0xc9: {  	v2 =	vld.msk [tilespmem:s2+$0x100], $0xff;
	_ =	sdelay $0x4  }
0xca: {  	v3 =	vshrl.u32 v2, $0x3  }
0xcb: {  	v3 =	vmul.u32 $0x30, v3  }
0xcc: {  	v2 =	vand.u32 $0x7, v2  }
0xcd: {  	v2 =	vor.u32 v2, v3  }
0xce: {  	v2 =	vperm.xlane v2, v0;
	_ =	sdelay $0x1  }
0xcf: {  	v2 =	vadd.s32 v1, v2;
	_ =	sdelay $0x3  }
0xd0: {  	s25 =	simm.s32 $0xF200  }
0xd1: {  	[tilespmem:s25], [sflag:$0x3] =	stream.indirect_vreg.gather [hbm4b:s19+s12], $0x80, v2, vm0, $0xb8;
	[tilespmem:$0x1E200] =	vst v63  }
0xd2: {  	s26 =	simm.s32 $0xFA00  }
0xd3: {  	[tilespmem:s26], [sflag:$0x3] =	stream.indirect_vreg.gather [hbm4b:s20+s12], $0x80, v2, vm0, $0xb8;
	[tilespmem:$0x1E200] =	vst v63  }
0xd4: {  	s28 =	simm.s32 $0x10200  }
0xd5: {  	[tilespmem:s28], [sflag:$0x3] =	stream.indirect_vreg.gather [hbm4b:s14+s12], $0x80, v2, vm0, $0xb8;
	[tilespmem:$0x1E200] =	vst v63  }
0xd6: {  	v2 =	vld.msk [tilespmem:s2+$0x180], $0xff;
	_ =	sdelay $0x4  }
0xd7: {  	v3 =	vshrl.u32 v2, $0x3  }
0xd8: {  	v3 =	vmul.u32 $0x30, v3  }
0xd9: {  	v2 =	vand.u32 $0x7, v2  }
0xda: {  	v2 =	vor.u32 v2, v3  }
0xdb: {  	v2 =	vperm.xlane v2, v0;
	_ =	sdelay $0x1  }
0xdc: {  	v2 =	vadd.s32 v1, v2;
	_ =	sdelay $0x3  }
0xdd: {  	s29 =	simm.s32 $0x10A00  }
0xde: {  	[tilespmem:s29], [sflag:$0x3] =	stream.indirect_vreg.gather [hbm4b:s19+s12], $0x80, v2, vm0, $0xb8;
	[tilespmem:$0x1E200] =	vst v63  }
0xdf: {  	s30 =	simm.s32 $0x11200  }
0xe0: {  	[tilespmem:s30], [sflag:$0x3] =	stream.indirect_vreg.gather [hbm4b:s20+s12], $0x80, v2, vm0, $0xb8;
	[tilespmem:$0x1E200] =	vst v63  }
0xe1: {  	[dreg:$0x10] =	wrdreg s9;
	s18 =	simm.s32 $0x0;
	s31 =	simm.s32 $0x11A00  }
0xe2: {  	[tilespmem:s31], [sflag:$0x3] =	stream.indirect_vreg.gather [hbm4b:s14+s12], $0x80, v2, vm0, $0xb8;
	[tilespmem:$0x1E200] =	vst v63  }
.LBB2_3:
0xe3: {  	s15 =	sshll.u32 s18, $0x7;
	s2 =	sand.u32 $0x40, s12;
	s3 =	sand.u32 $0x1C00, s12  }
0xe4: {  	s4 =	sor.u32 s15, s3;
	s22 =	sor.u32 $0x30, s2  }
0xe5: {  	s23 =	sor.u32 s22, s4  }
0xe6: {  	s24 =	sor.u32 $0x10, s2;
	s26 =	sor.u32 s2, s4;
	v3 =	vld [tilespmem:s23+$0x18200]  }
0xe7: {  	s31 =	sor.u32 s24, s4;
	v4 =	vld [tilespmem:s26+$0x18200]  }
0xe8: {  	s28 =	sor.u32 $0x20, s2;
	v5 =	vld [tilespmem:s31+$0x18200]  }
0xe9: {  	s17 =	sor.u32 s28, s4  }
0xea: {  	v2 =	vld [tilespmem:s17+$0x18200]  }
0xeb: {  	s21 =	sadd.s32 $0x1A00, s15;
	[tilespmem:s23+$0x200] =	vst.add.f32.msk $0xffff, v3  }
0xec: {  	s7 =	sadd.s32 s3, s21;
	[tilespmem:s26+$0x200] =	vst.add.f32.msk $0xffff, v4  }
0xed: {  	s19 =	sadd.s32 s22, s7;
	[tilespmem:s31+$0x200] =	vst.add.f32.msk $0xffff, v5  }
0xee: {  	s9 =	sadd.s32 $0x3200, s15;
	s25 =	sadd.s32 s2, s7;
	[tilespmem:s19+$0x0] =	vst.add.f32.msk $0xffff, v3  }
0xef: {  	s6 =	sadd.s32 s3, s9;
	s29 =	sadd.s32 s24, s7;
	[tilespmem:s25+$0x0] =	vst.add.f32.msk $0xffff, v4  }
0xf0: {  	s20 =	sadd.s32 s22, s6;
	[tilespmem:s29+$0x0] =	vst.add.f32.msk $0xffff, v5  }
0xf1: {  	s8 =	sadd.s32 $0x4A00, s15;
	s26 =	sadd.s32 s2, s6;
	[tilespmem:s20+$0x0] =	vst.add.f32.msk $0xffff, v3  }
0xf2: {  	s3 =	sadd.s32 s3, s8;
	s30 =	sadd.s32 s24, s6;
	[tilespmem:s26+$0x0] =	vst.add.f32.msk $0xffff, v4  }
0xf3: {  	s22 =	sadd.s32 s22, s3;
	[tilespmem:s30+$0x0] =	vst.add.f32.msk $0xffff, v5  }
0xf4: {  	s24 =	sadd.s32 s24, s3;
	s2 =	sadd.s32 s2, s3;
	[tilespmem:s22+$0x0] =	vst.add.f32.msk $0xffff, v3  }
0xf5: {  	s23 =	simm.s32 $0x0;
	s26 =	sadd.s32 s28, s6;
	[tilespmem:s2+$0x0] =	vst.add.f32.msk $0xffff, v4;
	s22 =	sadd.s32 s28, s7  }
0xf6: {  	s2 =	sadd.s32 s28, s3;
	[tilespmem:s24+$0x0] =	vst.add.f32.msk $0xffff, v5;
	s3 =	simm.s32 $0x200;
	s24 =	simm.s32 $0x40  }
.LBB2_4:
0xf7: {  	s4 =	sand.u32 $0x40, s24;
	s6 =	sand.u32 $0x1C00, s3;
	[tilespmem:s17+$0x200] =	vst.add.f32.msk $0xffff, v2  }
0xf8: {  	s17 =	sor.u32 s15, s6;
	s28 =	sor.u32 $0x10, s4;
	s31 =	sor.u32 $0x30, s4;
	[tilespmem:s22+$0x0] =	vst.add.f32.msk $0xffff, v2  }
0xf9: {  	s25 =	sor.u32 $0x20, s4;
	s7 =	sor.u32 s4, s17;
	s22 =	sor.u32 s31, s17;
	[tilespmem:s26+$0x0] =	vst.add.f32.msk $0xffff, v2  }
0xfa: {  	s23 =	sadd.s32 $0x4, s23;
	s29 =	sor.u32 s28, s17;
	s17 =	sor.u32 s25, s17;
	v3 =	vld [tilespmem:s22+$0x18200]  }
0xfb: {  	p1 =	slt.u32 s23, $0x2C;
	v4 =	vld [tilespmem:s7+$0x18200]  }
0xfc: {  	v5 =	vld [tilespmem:s29+$0x18200]  }
0xfd: {  	v6 =	vld [tilespmem:s17+$0x18200]  }
0xfe: {  	s26 =	sadd.s32 s6, s21;
	[tilespmem:s2+$0x0] =	vst.add.f32.msk $0xffff, v2  }
0xff: {  	s19 =	sadd.s32 s4, s26;
	s2 =	sadd.s32 s6, s9;
	[tilespmem:s22+$0x200] =	vst.add.f32.msk $0xffff, v3;
	s22 =	sadd.s32 s31, s26  }
0x100: {  	s6 =	sadd.s32 s6, s8;
	s1 =	sadd.s32 s4, s2;
	[tilespmem:s22+$0x0] =	vst.add.f32.msk $0xffff, v3;
	s22 =	sadd.s32 s31, s2  }
0x101: {  	s20 =	sadd.s32 s28, s26;
	s4 =	sadd.s32 s4, s6;
	s31 =	sadd.s32 s31, s6;
	[tilespmem:s22+$0x0] =	vst.add.f32.msk $0xffff, v3  }
0x102: {  	s30 =	sadd.s32 s28, s2;
	s28 =	sadd.s32 s28, s6;
	s22 =	sadd.s32 s25, s26;
	[tilespmem:s31+$0x0] =	vst.add.f32.msk $0xffff, v3;
	v2 =	vmov v6  }
0x103: {  	s26 =	sadd.s32 s25, s2;
	s2 =	sadd.s32 s25, s6;
	[tilespmem:s7+$0x200] =	vst.add.f32.msk $0xffff, v4  }
0x104: {  	[tilespmem:s19+$0x0] =	vst.add.f32.msk $0xffff, v4  }
0x105: {  	[tilespmem:s1+$0x0] =	vst.add.f32.msk $0xffff, v4  }
.Ltmp0:
0x106: {  	[tilespmem:s4+$0x0] =	vst.add.f32.msk $0xffff, v4;
	(pc) =	sbr.rel @p1 .LBB2_4-.Ltmp0, $4  }
0x107: {  	[tilespmem:s29+$0x200] =	vst.add.f32.msk $0xffff, v5  }
0x108: {  	[tilespmem:s20+$0x0] =	vst.add.f32.msk $0xffff, v5  }
0x109: {  	[tilespmem:s30+$0x0] =	vst.add.f32.msk $0xffff, v5  }
0x10a: {  	s3 =	sadd.s32 $0x200, s3;
	s24 =	sadd.s32 $0x40, s24;
	[tilespmem:s28+$0x0] =	vst.add.f32.msk $0xffff, v5  }
0x10b: {  	s18 =	sadd.s32 $0x1, s18  }
0x10c: {  	p1 =	sne.s32 s18, $0x8  }
.Ltmp1:
0x10d: {  	_ = 	snop;
	(pc) =	sbr.rel @p1 .LBB2_3-.Ltmp1, $4  }
0x10e: {  	[tilespmem:s17+$0x200] =	vst.add.f32.msk $0xffff, v2  }
0x10f: {  	[tilespmem:s22+$0x0] =	vst.add.f32.msk $0xffff, v2  }
0x110: {  	[tilespmem:s26+$0x0] =	vst.add.f32.msk $0xffff, v2  }
0x111: {  	[tilespmem:s2+$0x0] =	vst.add.f32.msk $0xffff, v2  }
0x112: {  	s12 =	sshll.u32 s0, $0x5;
	s1 =	rddreg [dreg:$0x5]  }
0x113: {  	s1 =	sor.u32 s1, s12  }
0x114: {  	s1 =	sshrl.u32 s1, $0x3  }
0x115: {  	s1 =	smul.u32 $0x1800, s1;
	_ =	sdelay $0x1  }
0x116: {  	s28 =	rddreg [dreg:$0x3];
	s31 =	sshrl.u32 s1, $0x3  }
0x117: {  	s29 =	simm.s32 $0x200;
	s23 =	sadd.s32 s28, s31  }
0x118: {  	[hbm4b:s23+s5] =	stream.linear.scatter [tilespmem:s29], [sflag:$0x9], $0x1800, $0x38;
	[tilespmem:$0x1E200] =	vst v63  }
0x119: {  	s2 =	simm.s32 $0x1A00;
	s30 =	sadd.s32 $0x60000, s23  }
0x11a: {  	[hbm4b:s30+s5] =	stream.linear.scatter [tilespmem:s2], [sflag:$0x9], $0x1800, $0x38;
	[tilespmem:$0x1E200] =	vst v63  }
0x11b: {  	s3 =	simm.s32 $0x3200;
	s2 =	sadd.s32 $0xC0000, s23  }
0x11c: {  	[hbm4b:s2+s5] =	stream.linear.scatter [tilespmem:s3], [sflag:$0x9], $0x1800, $0x38;
	[tilespmem:$0x1E200] =	vst v63  }
0x11d: {  	s6 =	simm.s32 $0x4A00;
	s7 =	simm.s32 $0x2;
	s4 =	sadd.s32 $0x120000, s23  }
0x11e: {  	[hbm4b:s4+s5] =	stream.linear.scatter [tilespmem:s6], [sflag:$0x9], $0x1800, $0x38;
	[tilespmem:$0x1E200] =	vst v63  }
0x11f: {  	_ =	swait.ge [sflag:s7], $0x1800  }
0x120: {  	[sflag:s7] =	ssyncset.done $0x0  }
0x121: {  	[sflag:s7] =	ssyncadd.s32 $0xFFFFE800  }
0x122: {  	_ =	swait.ge [sflag:s7], $0x1800  }
0x123: {  	[sflag:s7] =	ssyncset.done $0x0  }
0x124: {  	[sflag:s7] =	ssyncadd.s32 $0xFFFFE800  }
0x125: {  	_ =	swait.ge [sflag:s7], $0x1800  }
0x126: {  	[sflag:s7] =	ssyncset.done $0x0  }
0x127: {  	[sflag:s7] =	ssyncadd.s32 $0xFFFFE800  }
0x128: {  	_ =	swait.ge [sflag:s7], $0x1800  }
0x129: {  	[sflag:s7] =	ssyncset.done $0x0  }
0x12a: {  	s8 =	simm.s32 $0x6;
	[sflag:s7] =	ssyncadd.s32 $0xFFFFE800  }
0x12b: {  	_ =	swait.ge [sflag:s8], $0x1800  }
0x12c: {  	[sflag:s8] =	ssyncset.done $0x0  }
0x12d: {  	s1 =	simm.s32 @!p0 $0xC;
	[sflag:s8] =	ssyncadd.s32 $0xFFFFE800  }
0x12e: {  	_ =	swait.ge @!p0 [sflag:s1], $0x1800  }
0x12f: {  	[sflag:s1] =	ssyncset.done @!p0 $0x0  }
0x130: {  	[sflag:s1] =	ssyncadd.s32 @!p0 $0xFFFFE800  }
0x131: {  	_ =	swait.ge @!p0 [sflag:s1], $0x1800  }
0x132: {  	[sflag:s1] =	ssyncset.done @!p0 $0x0  }
0x133: {  	[sflag:s1] =	ssyncadd.s32 @!p0 $0xFFFFE800  }
0x134: {  	_ =	swait.ge @!p0 [sflag:s1], $0x1800  }
0x135: {  	[sflag:s1] =	ssyncset.done @!p0 $0x0  }
0x136: {  	[sflag:s1] =	ssyncadd.s32 @!p0 $0xFFFFE800  }
0x137: {  	s9 =	sor.u32 $0x3, s11;
	_ =	swait.ge @!p0 [sflag:s1], $0x1800  }
0x138: {  	s3 =	sor.u32 s10, s9;
	[sflag:s1] =	ssyncset.done @!p0 $0x0  }
0x139: {  	[dreg:$0x11] =	wrdreg s3;
	s3 =	smul.u32 $0x300, s3;
	[sflag:s1] =	ssyncadd.s32 @!p0 $0xFFFFE800  }
0x13a: {  	s18 =	simm.s32 $0x0;
	s1 =	rddreg [dreg:$0x2]  }
0x13b: {  	s11 =	simm.s32 $0x1CA00;
	s15 =	sshll.u32 s9, $0x3;
	s1 =	sadd.s32 s1, s3  }
0x13c: {  	[tilespmem:s11], [sflag:$0x8] =	stream.linear.gather [hbm4b:s1+s18], $0x1800, $0x38;
	[tilespmem:$0x1E200] =	vst v63  }
0x13d: {  	s1 =	sand.u32 $0x3FFFFFF8, s15  }
0x13e: {  	v2 =	vld.msk [tilespmem:s1+$0x0], $0xff;
	_ =	sdelay $0x4  }
0x13f: {  	v3 =	vshrl.u32 v2, $0x3  }
0x140: {  	v3 =	vmul.u32 $0x30, v3  }
0x141: {  	v2 =	vand.u32 $0x7, v2  }
0x142: {  	v2 =	vor.u32 v2, v3  }
0x143: {  	v2 =	vperm.xlane v2, v0;
	_ =	sdelay $0x1  }
0x144: {  	v2 =	vadd.s32 v1, v2;
	_ =	sdelay $0x3  }
0x145: {  	s17 =	rddreg [dreg:$0x1]  }
0x146: {  	[tilespmem:s13], [sflag:$0x4] =	stream.indirect_vreg.gather [hbm4b:s17+s18], $0x80, v2, vm0, $0xb8;
	[tilespmem:$0x1E200] =	vst v63  }
0x147: {  	s4 =	simm.s32 $0x12A00;
	s19 =	rddreg [dreg:$0xc]  }
0x148: {  	[tilespmem:s4], [sflag:$0x4] =	stream.indirect_vreg.gather [hbm4b:s19+s18], $0x80, v2, vm0, $0xb8;
	[tilespmem:$0x1E200] =	vst v63  }
0x149: {  	s20 =	simm.s32 $0x13200  }
0x14a: {  	[tilespmem:s20], [sflag:$0x4] =	stream.indirect_vreg.gather [hbm4b:s14+s18], $0x80, v2, vm0, $0xb8;
	[tilespmem:$0x1E200] =	vst v63  }
0x14b: {  	v2 =	vld.msk [tilespmem:s1+$0x80], $0xff;
	_ =	sdelay $0x4  }
0x14c: {  	v3 =	vshrl.u32 v2, $0x3  }
0x14d: {  	v3 =	vmul.u32 $0x30, v3  }
0x14e: {  	v2 =	vand.u32 $0x7, v2  }
0x14f: {  	v2 =	vor.u32 v2, v3  }
0x150: {  	v2 =	vperm.xlane v2, v0;
	_ =	sdelay $0x1  }
0x151: {  	v2 =	vadd.s32 v1, v2;
	_ =	sdelay $0x4  }
0x152: {  	[tilespmem:s16], [sflag:$0x4] =	stream.indirect_vreg.gather [hbm4b:s17+s18], $0x80, v2, vm0, $0xb8;
	[tilespmem:$0x1E200] =	vst v63  }
0x153: {  	s21 =	simm.s32 $0x14200  }
0x154: {  	[tilespmem:s21], [sflag:$0x4] =	stream.indirect_vreg.gather [hbm4b:s19+s18], $0x80, v2, vm0, $0xb8;
	[tilespmem:$0x1E200] =	vst v63  }
0x155: {  	s22 =	simm.s32 $0x14A00  }
0x156: {  	[tilespmem:s22], [sflag:$0x4] =	stream.indirect_vreg.gather [hbm4b:s14+s18], $0x80, v2, vm0, $0xb8;
	[tilespmem:$0x1E200] =	vst v63  }
0x157: {  	v2 =	vld.msk [tilespmem:s1+$0x100], $0xff;
	_ =	sdelay $0x4  }
0x158: {  	v3 =	vshrl.u32 v2, $0x3  }
0x159: {  	v3 =	vmul.u32 $0x30, v3  }
0x15a: {  	v2 =	vand.u32 $0x7, v2  }
0x15b: {  	v2 =	vor.u32 v2, v3  }
0x15c: {  	v2 =	vperm.xlane v2, v0;
	_ =	sdelay $0x1  }
0x15d: {  	v2 =	vadd.s32 v1, v2;
	_ =	sdelay $0x3  }
0x15e: {  	s24 =	simm.s32 $0x15200  }
0x15f: {  	[tilespmem:s24], [sflag:$0x4] =	stream.indirect_vreg.gather [hbm4b:s17+s18], $0x80, v2, vm0, $0xb8;
	[tilespmem:$0x1E200] =	vst v63  }
0x160: {  	s25 =	simm.s32 $0x15A00  }
0x161: {  	[tilespmem:s25], [sflag:$0x4] =	stream.indirect_vreg.gather [hbm4b:s19+s18], $0x80, v2, vm0, $0xb8;
	[tilespmem:$0x1E200] =	vst v63  }
0x162: {  	s26 =	simm.s32 $0x16200  }
0x163: {  	[tilespmem:s26], [sflag:$0x4] =	stream.indirect_vreg.gather [hbm4b:s14+s18], $0x80, v2, vm0, $0xb8;
	[tilespmem:$0x1E200] =	vst v63  }
0x164: {  	v2 =	vld.msk [tilespmem:s1+$0x180], $0xff;
	_ =	sdelay $0x4  }
0x165: {  	v3 =	vshrl.u32 v2, $0x3  }
0x166: {  	v3 =	vmul.u32 $0x30, v3  }
0x167: {  	v2 =	vand.u32 $0x7, v2  }
0x168: {  	v2 =	vor.u32 v2, v3  }
0x169: {  	v2 =	vperm.xlane v2, v0;
	_ =	sdelay $0x1  }
0x16a: {  	v2 =	vadd.s32 v1, v2;
	_ =	sdelay $0x3  }
0x16b: {  	s28 =	simm.s32 $0x16A00  }
0x16c: {  	[tilespmem:s28], [sflag:$0x4] =	stream.indirect_vreg.gather [hbm4b:s17+s18], $0x80, v2, vm0, $0xb8;
	[tilespmem:$0x1E200] =	vst v63  }
0x16d: {  	s29 =	simm.s32 $0x17200  }
0x16e: {  	[tilespmem:s29], [sflag:$0x4] =	stream.indirect_vreg.gather [hbm4b:s19+s18], $0x80, v2, vm0, $0xb8;
	[tilespmem:$0x1E200] =	vst v63  }
0x16f: {  	s30 =	simm.s32 $0x17A00;
	s15 =	simm.s32 $0x0  }
0x170: {  	[tilespmem:s30], [sflag:$0x4] =	stream.indirect_vreg.gather [hbm4b:s14+s18], $0x80, v2, vm0, $0xb8;
	[tilespmem:$0x1E200] =	vst v63  }
.LBB2_7:
0x171: {  	s21 =	sshll.u32 s15, $0x7;
	s1 =	sand.u32 $0x40, s18;
	s2 =	sand.u32 $0x1C00, s18  }
0x172: {  	s3 =	sor.u32 s21, s2;
	s4 =	sor.u32 $0x30, s1  }
0x173: {  	s6 =	sor.u32 s4, s3  }
0x174: {  	s7 =	sor.u32 $0x10, s1;
	s19 =	sor.u32 s1, s3;
	v3 =	vld [tilespmem:s6+$0x19A00]  }
0x175: {  	s22 =	sor.u32 s7, s3;
	v4 =	vld [tilespmem:s19+$0x19A00]  }
0x176: {  	s20 =	sor.u32 $0x20, s1;
	v5 =	vld [tilespmem:s22+$0x19A00]  }
0x177: {  	s24 =	sor.u32 s20, s3  }
0x178: {  	v2 =	vld [tilespmem:s24+$0x19A00]  }
0x179: {  	s9 =	sadd.s32 $0x7A00, s21;
	[tilespmem:s6+$0x6200] =	vst.add.f32.msk $0xffff, v3  }
0x17a: {  	s25 =	sadd.s32 s2, s9;
	[tilespmem:s19+$0x6200] =	vst.add.f32.msk $0xffff, v4  }
0x17b: {  	s6 =	sadd.s32 s4, s25;
	[tilespmem:s22+$0x6200] =	vst.add.f32.msk $0xffff, v5  }
0x17c: {  	s8 =	sadd.s32 $0x9200, s21;
	s13 =	sadd.s32 s1, s25;
	[tilespmem:s6+$0x0] =	vst.add.f32.msk $0xffff, v3  }
0x17d: {  	s26 =	sadd.s32 s2, s8;
	s19 =	sadd.s32 s7, s25;
	[tilespmem:s13+$0x0] =	vst.add.f32.msk $0xffff, v4  }
0x17e: {  	s10 =	sadd.s32 s4, s26;
	[tilespmem:s19+$0x0] =	vst.add.f32.msk $0xffff, v5  }
0x17f: {  	s17 =	sadd.s32 $0xAA00, s21;
	s16 =	sadd.s32 s1, s26;
	[tilespmem:s10+$0x0] =	vst.add.f32.msk $0xffff, v3  }
0x180: {  	s2 =	sadd.s32 s2, s17;
	s29 =	sadd.s32 s7, s26;
	[tilespmem:s16+$0x0] =	vst.add.f32.msk $0xffff, v4  }
0x181: {  	s11 =	sadd.s32 s4, s2;
	[tilespmem:s29+$0x0] =	vst.add.f32.msk $0xffff, v5  }
0x182: {  	s28 =	simm.s32 $0x200;
	s1 =	sadd.s32 s1, s2;
	[tilespmem:s11+$0x0] =	vst.add.f32.msk $0xffff, v3  }
0x183: {  	s3 =	simm.s32 $0x0;
	s30 =	sadd.s32 s7, s2;
	s4 =	sadd.s32 s20, s25;
	[tilespmem:s1+$0x0] =	vst.add.f32.msk $0xffff, v4  }
0x184: {  	s22 =	sadd.s32 s20, s26;
	s26 =	sadd.s32 s20, s2;
	s2 =	simm.s32 $0x40;
	[tilespmem:s30+$0x0] =	vst.add.f32.msk $0xffff, v5  }
.LBB2_8:
0x185: {  	s1 =	sand.u32 $0x40, s2;
	s6 =	sand.u32 $0x1C00, s28;
	[tilespmem:s24+$0x6200] =	vst.add.f32.msk $0xffff, v2  }
0x186: {  	s7 =	sor.u32 s21, s6;
	s19 =	sor.u32 $0x10, s1;
	s20 =	sor.u32 $0x30, s1;
	[tilespmem:s4+$0x0] =	vst.add.f32.msk $0xffff, v2  }
0x187: {  	s29 =	sor.u32 $0x20, s1;
	s25 =	sor.u32 s1, s7;
	s4 =	sor.u32 s20, s7;
	[tilespmem:s22+$0x0] =	vst.add.f32.msk $0xffff, v2  }
0x188: {  	s3 =	sadd.s32 $0x4, s3;
	s30 =	sor.u32 s19, s7;
	s24 =	sor.u32 s29, s7;
	v3 =	vld [tilespmem:s4+$0x19A00]  }
0x189: {  	p0 =	slt.u32 s3, $0x2C;
	v4 =	vld [tilespmem:s25+$0x19A00]  }
0x18a: {  	v5 =	vld [tilespmem:s30+$0x19A00]  }
0x18b: {  	v6 =	vld [tilespmem:s24+$0x19A00]  }
0x18c: {  	s7 =	sadd.s32 s6, s9;
	[tilespmem:s26+$0x0] =	vst.add.f32.msk $0xffff, v2  }
0x18d: {  	s22 =	sadd.s32 s6, s8;
	s11 =	sadd.s32 s1, s7;
	[tilespmem:s4+$0x6200] =	vst.add.f32.msk $0xffff, v3;
	s4 =	sadd.s32 s20, s7  }
0x18e: {  	s6 =	sadd.s32 s6, s17;
	s16 =	sadd.s32 s1, s22;
	[tilespmem:s4+$0x0] =	vst.add.f32.msk $0xffff, v3;
	s4 =	sadd.s32 s20, s22  }
0x18f: {  	s1 =	sadd.s32 s1, s6;
	s10 =	sadd.s32 s19, s7;
	s20 =	sadd.s32 s20, s6;
	[tilespmem:s4+$0x0] =	vst.add.f32.msk $0xffff, v3  }
0x190: {  	s13 =	sadd.s32 s19, s22;
	s19 =	sadd.s32 s19, s6;
	s4 =	sadd.s32 s29, s7;
	[tilespmem:s20+$0x0] =	vst.add.f32.msk $0xffff, v3;
	v2 =	vmov v6  }
0x191: {  	s26 =	sadd.s32 s29, s6;
	s22 =	sadd.s32 s29, s22;
	[tilespmem:s25+$0x6200] =	vst.add.f32.msk $0xffff, v4  }
0x192: {  	[tilespmem:s11+$0x0] =	vst.add.f32.msk $0xffff, v4  }
0x193: {  	[tilespmem:s16+$0x0] =	vst.add.f32.msk $0xffff, v4  }
.Ltmp2:
0x194: {  	[tilespmem:s1+$0x0] =	vst.add.f32.msk $0xffff, v4;
	(pc) =	sbr.rel @p0 .LBB2_8-.Ltmp2, $4  }
0x195: {  	[tilespmem:s30+$0x6200] =	vst.add.f32.msk $0xffff, v5  }
0x196: {  	[tilespmem:s10+$0x0] =	vst.add.f32.msk $0xffff, v5  }
0x197: {  	[tilespmem:s13+$0x0] =	vst.add.f32.msk $0xffff, v5  }
0x198: {  	s28 =	sadd.s32 $0x200, s28;
	s2 =	sadd.s32 $0x40, s2;
	[tilespmem:s19+$0x0] =	vst.add.f32.msk $0xffff, v5  }
0x199: {  	s15 =	sadd.s32 $0x1, s15  }
0x19a: {  	p0 =	sne.s32 s15, $0x8  }
.Ltmp3:
0x19b: {  	_ = 	snop;
	(pc) =	sbr.rel @p0 .LBB2_7-.Ltmp3, $4  }
0x19c: {  	[tilespmem:s24+$0x6200] =	vst.add.f32.msk $0xffff, v2  }
0x19d: {  	[tilespmem:s4+$0x0] =	vst.add.f32.msk $0xffff, v2  }
0x19e: {  	[tilespmem:s22+$0x0] =	vst.add.f32.msk $0xffff, v2  }
0x19f: {  	[tilespmem:s26+$0x0] =	vst.add.f32.msk $0xffff, v2  }
0x1a0: {  	s1 =	sor.u32 $0x300, s31;
	s30 =	rddreg [dreg:$0x3]  }
0x1a1: {  	s2 =	simm.s32 $0x6200;
	s1 =	sadd.s32 s30, s1  }
0x1a2: {  	[hbm4b:s1+s5] =	stream.linear.scatter [tilespmem:s2], [sflag:$0xA], $0x1800, $0x38;
	[tilespmem:$0x1E200] =	vst v63  }
0x1a3: {  	s21 =	sadd.s32 $0x60300, s23;
	s22 =	simm.s32 $0x7A00  }
0x1a4: {  	[hbm4b:s21+s5] =	stream.linear.scatter [tilespmem:s22], [sflag:$0xA], $0x1800, $0x38;
	[tilespmem:$0x1E200] =	vst v63  }
0x1a5: {  	s24 =	sadd.s32 $0xC0300, s23;
	s25 =	simm.s32 $0x9200  }
0x1a6: {  	[hbm4b:s24+s5] =	stream.linear.scatter [tilespmem:s25], [sflag:$0xA], $0x1800, $0x38;
	[tilespmem:$0x1E200] =	vst v63  }
0x1a7: {  	s26 =	sadd.s32 $0x120300, s23;
	s28 =	simm.s32 $0xAA00;
	s29 =	simm.s32 $0x3  }
0x1a8: {  	[hbm4b:s26+s5] =	stream.linear.scatter [tilespmem:s28], [sflag:$0xA], $0x1800, $0x38;
	[tilespmem:$0x1E200] =	vst v63  }
0x1a9: {  	_ =	swait.ge [sflag:s29], $0x1800  }
0x1aa: {  	[sflag:s29] =	ssyncset.done $0x0  }
0x1ab: {  	[sflag:s29] =	ssyncadd.s32 $0xFFFFE800  }
0x1ac: {  	_ =	swait.ge [sflag:s29], $0x1800  }
0x1ad: {  	[sflag:s29] =	ssyncset.done $0x0  }
0x1ae: {  	[sflag:s29] =	ssyncadd.s32 $0xFFFFE800  }
0x1af: {  	_ =	swait.ge [sflag:s29], $0x1800  }
0x1b0: {  	[sflag:s29] =	ssyncset.done $0x0  }
0x1b1: {  	[sflag:s29] =	ssyncadd.s32 $0xFFFFE800  }
0x1b2: {  	p0 =	seq.s32 s0, $0x3;
	_ =	swait.ge [sflag:s29], $0x1800  }
.Ltmp4:
0x1b3: {  	[sflag:s29] =	ssyncset.done $0x0;
	(pc) =	sbr.rel @p0 .LBB2_12-.Ltmp4, $4  }
0x1b4: {  	s31 =	simm.s32 $0x7;
	[sflag:s29] =	ssyncadd.s32 $0xFFFFE800  }
0x1b5: {  	_ =	swait.ge [sflag:s31], $0x1800  }
0x1b6: {  	[sflag:s31] =	ssyncset.done $0x0  }
0x1b7: {  	[sflag:s31] =	ssyncadd.s32 $0xFFFFE800  }
0x1b8: {  	s3 =	simm.s32 $0x9  }
0x1b9: {  	_ =	swait.ge [sflag:s3], $0x1800  }
0x1ba: {  	[sflag:s3] =	ssyncset.done $0x0  }
0x1bb: {  	[sflag:s3] =	ssyncadd.s32 $0xFFFFE800  }
0x1bc: {  	_ =	swait.ge [sflag:s3], $0x1800  }
0x1bd: {  	[sflag:s3] =	ssyncset.done $0x0  }
0x1be: {  	[sflag:s3] =	ssyncadd.s32 $0xFFFFE800  }
0x1bf: {  	_ =	swait.ge [sflag:s3], $0x1800  }
0x1c0: {  	[sflag:s3] =	ssyncset.done $0x0  }
0x1c1: {  	s1 =	sadd.s32 $0x20, s12;
	s2 =	rddreg [dreg:$0x5];
	[sflag:s3] =	ssyncadd.s32 $0xFFFFE800  }
0x1c2: {  	s1 =	sadd.s32 s2, s1;
	_ =	swait.ge [sflag:s3], $0x1800  }
0x1c3: {  	s1 =	sshrl.u32 s1, $0x3;
	[sflag:s3] =	ssyncset.done $0x0  }
0x1c4: {  	s1 =	smul.u32 $0x300, s1;
	[sflag:s3] =	ssyncadd.s32 $0xFFFFE800  }
0x1c5: {  	s13 =	rddreg [dreg:$0x2]  }
0x1c6: {  	s15 =	simm.s32 $0x18200;
	s1 =	sadd.s32 s13, s1  }
0x1c7: {  	[tilespmem:s15], [sflag:$0x5] =	stream.linear.gather [hbm4b:s1+s5], $0x1800, $0x38;
	[tilespmem:$0x1E200] =	vst v63  }
0x1c8: {  	v2 =	vld.msk [tilespmem:s12+$0x20], $0xff;
	_ =	sdelay $0x4  }
0x1c9: {  	v3 =	vshrl.u32 v2, $0x3  }
0x1ca: {  	v3 =	vmul.u32 $0x30, v3  }
0x1cb: {  	v2 =	vand.u32 $0x7, v2  }
0x1cc: {  	v2 =	vor.u32 v2, v3  }
0x1cd: {  	v2 =	vperm.xlane v2, v0;
	_ =	sdelay $0x1  }
0x1ce: {  	v2 =	vadd.s32 v1, v2;
	_ =	sdelay $0x3  }
0x1cf: {  	s17 =	simm.s32 $0x200;
	s16 =	rddreg [dreg:$0x1]  }
0x1d0: {  	[tilespmem:s17], [sflag:$0x1] =	stream.indirect_vreg.gather [hbm4b:s16+s5], $0x80, v2, vm0, $0xb8;
	[tilespmem:$0x1E200] =	vst v63  }
0x1d1: {  	s19 =	simm.s32 $0xA00;
	s18 =	rddreg [dreg:$0xc]  }
0x1d2: {  	[tilespmem:s19], [sflag:$0x1] =	stream.indirect_vreg.gather [hbm4b:s18+s5], $0x80, v2, vm0, $0xb8;
	[tilespmem:$0x1E200] =	vst v63  }
0x1d3: {  	s20 =	simm.s32 $0x1200  }
0x1d4: {  	[tilespmem:s20], [sflag:$0x1] =	stream.indirect_vreg.gather [hbm4b:s14+s5], $0x80, v2, vm0, $0xb8;
	[tilespmem:$0x1E200] =	vst v63  }
0x1d5: {  	v2 =	vld.msk [tilespmem:s12+$0xA0], $0xff;
	_ =	sdelay $0x4  }
0x1d6: {  	v3 =	vshrl.u32 v2, $0x3  }
0x1d7: {  	v3 =	vmul.u32 $0x30, v3  }
0x1d8: {  	v2 =	vand.u32 $0x7, v2  }
0x1d9: {  	v2 =	vor.u32 v2, v3  }
0x1da: {  	v2 =	vperm.xlane v2, v0;
	_ =	sdelay $0x1  }
0x1db: {  	v2 =	vadd.s32 v1, v2;
	_ =	sdelay $0x3  }
0x1dc: {  	s21 =	simm.s32 $0x1A00  }
0x1dd: {  	[tilespmem:s21], [sflag:$0x1] =	stream.indirect_vreg.gather [hbm4b:s16+s5], $0x80, v2, vm0, $0xb8;
	[tilespmem:$0x1E200] =	vst v63  }
0x1de: {  	s22 =	simm.s32 $0x2200  }
0x1df: {  	[tilespmem:s22], [sflag:$0x1] =	stream.indirect_vreg.gather [hbm4b:s18+s5], $0x80, v2, vm0, $0xb8;
	[tilespmem:$0x1E200] =	vst v63  }
0x1e0: {  	s23 =	simm.s32 $0x2A00  }
0x1e1: {  	[tilespmem:s23], [sflag:$0x1] =	stream.indirect_vreg.gather [hbm4b:s14+s5], $0x80, v2, vm0, $0xb8;
	[tilespmem:$0x1E200] =	vst v63  }
0x1e2: {  	v2 =	vld.msk [tilespmem:s12+$0x120], $0xff;
	_ =	sdelay $0x4  }
0x1e3: {  	v3 =	vshrl.u32 v2, $0x3  }
0x1e4: {  	v3 =	vmul.u32 $0x30, v3  }
0x1e5: {  	v2 =	vand.u32 $0x7, v2  }
0x1e6: {  	v2 =	vor.u32 v2, v3  }
0x1e7: {  	v2 =	vperm.xlane v2, v0;
	_ =	sdelay $0x1  }
0x1e8: {  	v2 =	vadd.s32 v1, v2;
	_ =	sdelay $0x3  }
0x1e9: {  	s24 =	simm.s32 $0x3200  }
0x1ea: {  	[tilespmem:s24], [sflag:$0x1] =	stream.indirect_vreg.gather [hbm4b:s16+s5], $0x80, v2, vm0, $0xb8;
	[tilespmem:$0x1E200] =	vst v63  }
0x1eb: {  	s25 =	simm.s32 $0x3A00  }
0x1ec: {  	[tilespmem:s25], [sflag:$0x1] =	stream.indirect_vreg.gather [hbm4b:s18+s5], $0x80, v2, vm0, $0xb8;
	[tilespmem:$0x1E200] =	vst v63  }
0x1ed: {  	s26 =	simm.s32 $0x4200  }
0x1ee: {  	[tilespmem:s26], [sflag:$0x1] =	stream.indirect_vreg.gather [hbm4b:s14+s5], $0x80, v2, vm0, $0xb8;
	[tilespmem:$0x1E200] =	vst v63  }
0x1ef: {  	v2 =	vld.msk [tilespmem:s12+$0x1A0], $0xff;
	_ =	sdelay $0x4  }
0x1f0: {  	v3 =	vshrl.u32 v2, $0x3  }
0x1f1: {  	v3 =	vmul.u32 $0x30, v3  }
0x1f2: {  	v2 =	vand.u32 $0x7, v2  }
0x1f3: {  	v2 =	vor.u32 v2, v3  }
0x1f4: {  	v2 =	vperm.xlane v2, v0;
	_ =	sdelay $0x1  }
0x1f5: {  	v2 =	vadd.s32 v1, v2;
	_ =	sdelay $0x3  }
0x1f6: {  	s28 =	simm.s32 $0x4A00  }
0x1f7: {  	[tilespmem:s28], [sflag:$0x1] =	stream.indirect_vreg.gather [hbm4b:s16+s5], $0x80, v2, vm0, $0xb8;
	[tilespmem:$0x1E200] =	vst v63  }
0x1f8: {  	s29 =	simm.s32 $0x5200  }
0x1f9: {  	[tilespmem:s29], [sflag:$0x1] =	stream.indirect_vreg.gather [hbm4b:s18+s5], $0x80, v2, vm0, $0xb8;
	[tilespmem:$0x1E200] =	vst v63  }
0x1fa: {  	s31 =	simm.s32 $0x5A00  }
0x1fb: {  	[tilespmem:s31], [sflag:$0x1] =	stream.indirect_vreg.gather [hbm4b:s14+s5], $0x80, v2, vm0, $0xb8;
	[tilespmem:$0x1E200] =	vst v63  }
.LBB2_12:
0x1fc: {  	s18 =	simm.s32 $0x0;
	s15 =	simm.s32 $0x0;
	s31 =	simm.s32 $0xDA00  }
.LBB2_13:
0x1fd: {  	s21 =	sshll.u32 s15, $0x7;
	s1 =	sand.u32 $0x40, s18;
	s2 =	sand.u32 $0x1C00, s18  }
0x1fe: {  	s3 =	sor.u32 s21, s2;
	s4 =	sor.u32 $0x30, s1  }
0x1ff: {  	s6 =	sor.u32 s4, s3  }
0x200: {  	s7 =	sor.u32 $0x10, s1;
	s10 =	sor.u32 s1, s3;
	v3 =	vld [tilespmem:s6+$0x1B200]  }
0x201: {  	s13 =	sor.u32 s7, s3;
	v4 =	vld [tilespmem:s10+$0x1B200]  }
0x202: {  	s11 =	sor.u32 $0x20, s1;
	v5 =	vld [tilespmem:s13+$0x1B200]  }
0x203: {  	s23 =	sor.u32 s11, s3  }
0x204: {  	v2 =	vld [tilespmem:s23+$0x1B200]  }
0x205: {  	s9 =	sadd.s32 $0xDA00, s21;
	[tilespmem:s6+$0xC200] =	vst.add.f32.msk $0xffff, v3  }
0x206: {  	s16 =	sadd.s32 s2, s9;
	[tilespmem:s10+$0xC200] =	vst.add.f32.msk $0xffff, v4  }
0x207: {  	s6 =	sadd.s32 s4, s16;
	[tilespmem:s13+$0xC200] =	vst.add.f32.msk $0xffff, v5  }
0x208: {  	s8 =	sadd.s32 $0xF200, s21;
	s24 =	sadd.s32 s1, s16;
	[tilespmem:s6+$0x0] =	vst.add.f32.msk $0xffff, v3  }
0x209: {  	s19 =	sadd.s32 s2, s8;
	s26 =	sadd.s32 s7, s16;
	[tilespmem:s24+$0x0] =	vst.add.f32.msk $0xffff, v4  }
0x20a: {  	s20 =	sadd.s32 s4, s19;
	[tilespmem:s26+$0x0] =	vst.add.f32.msk $0xffff, v5  }
0x20b: {  	s17 =	sadd.s32 $0x10A00, s21;
	s25 =	sadd.s32 s1, s19;
	[tilespmem:s20+$0x0] =	vst.add.f32.msk $0xffff, v3  }
0x20c: {  	s2 =	sadd.s32 s2, s17;
	s28 =	sadd.s32 s7, s19;
	[tilespmem:s25+$0x0] =	vst.add.f32.msk $0xffff, v4  }
0x20d: {  	s22 =	sadd.s32 s4, s2;
	[tilespmem:s28+$0x0] =	vst.add.f32.msk $0xffff, v5  }
0x20e: {  	s3 =	simm.s32 $0x0;
	s1 =	sadd.s32 s1, s2;
	[tilespmem:s22+$0x0] =	vst.add.f32.msk $0xffff, v3  }
0x20f: {  	s29 =	sadd.s32 s7, s2;
	s4 =	sadd.s32 s11, s16;
	s26 =	sadd.s32 s11, s2;
	[tilespmem:s1+$0x0] =	vst.add.f32.msk $0xffff, v4  }
0x210: {  	s24 =	simm.s32 $0x200;
	s2 =	simm.s32 $0x40;
	s22 =	sadd.s32 s11, s19;
	[tilespmem:s29+$0x0] =	vst.add.f32.msk $0xffff, v5  }
.LBB2_14:
0x211: {  	s1 =	sand.u32 $0x40, s2;
	s6 =	sand.u32 $0x1C00, s24;
	[tilespmem:s23+$0xC200] =	vst.add.f32.msk $0xffff, v2  }
0x212: {  	s7 =	sor.u32 s21, s6;
	s10 =	sor.u32 $0x10, s1;
	s11 =	sor.u32 $0x30, s1;
	[tilespmem:s4+$0x0] =	vst.add.f32.msk $0xffff, v2  }
0x213: {  	s16 =	sor.u32 $0x20, s1;
	s13 =	sor.u32 s1, s7;
	s4 =	sor.u32 s11, s7;
	[tilespmem:s22+$0x0] =	vst.add.f32.msk $0xffff, v2  }
0x214: {  	s3 =	sadd.s32 $0x4, s3;
	s19 =	sor.u32 s10, s7;
	s23 =	sor.u32 s16, s7;
	v3 =	vld [tilespmem:s4+$0x1B200]  }
0x215: {  	p1 =	slt.u32 s3, $0x2C;
	v4 =	vld [tilespmem:s13+$0x1B200]  }
0x216: {  	v5 =	vld [tilespmem:s19+$0x1B200]  }
0x217: {  	v6 =	vld [tilespmem:s23+$0x1B200]  }
0x218: {  	s7 =	sadd.s32 s6, s9;
	[tilespmem:s26+$0x0] =	vst.add.f32.msk $0xffff, v2  }
0x219: {  	s22 =	sadd.s32 s6, s8;
	s20 =	sadd.s32 s1, s7;
	[tilespmem:s4+$0xC200] =	vst.add.f32.msk $0xffff, v3;
	s4 =	sadd.s32 s11, s7  }
0x21a: {  	s6 =	sadd.s32 s6, s17;
	s25 =	sadd.s32 s1, s22;
	[tilespmem:s4+$0x0] =	vst.add.f32.msk $0xffff, v3;
	s4 =	sadd.s32 s11, s22  }
0x21b: {  	s1 =	sadd.s32 s1, s6;
	s28 =	sadd.s32 s10, s7;
	s11 =	sadd.s32 s11, s6;
	[tilespmem:s4+$0x0] =	vst.add.f32.msk $0xffff, v3  }
0x21c: {  	s29 =	sadd.s32 s10, s22;
	s10 =	sadd.s32 s10, s6;
	s4 =	sadd.s32 s16, s7;
	[tilespmem:s11+$0x0] =	vst.add.f32.msk $0xffff, v3;
	v2 =	vmov v6  }
0x21d: {  	s26 =	sadd.s32 s16, s6;
	s22 =	sadd.s32 s16, s22;
	[tilespmem:s13+$0xC200] =	vst.add.f32.msk $0xffff, v4  }
0x21e: {  	[tilespmem:s20+$0x0] =	vst.add.f32.msk $0xffff, v4  }
0x21f: {  	[tilespmem:s25+$0x0] =	vst.add.f32.msk $0xffff, v4  }
.Ltmp5:
0x220: {  	[tilespmem:s1+$0x0] =	vst.add.f32.msk $0xffff, v4;
	(pc) =	sbr.rel @p1 .LBB2_14-.Ltmp5, $4  }
0x221: {  	[tilespmem:s19+$0xC200] =	vst.add.f32.msk $0xffff, v5  }
0x222: {  	[tilespmem:s28+$0x0] =	vst.add.f32.msk $0xffff, v5  }
0x223: {  	[tilespmem:s29+$0x0] =	vst.add.f32.msk $0xffff, v5  }
0x224: {  	s24 =	sadd.s32 $0x200, s24;
	s2 =	sadd.s32 $0x40, s2;
	[tilespmem:s10+$0x0] =	vst.add.f32.msk $0xffff, v5  }
0x225: {  	s15 =	sadd.s32 $0x1, s15  }
0x226: {  	p1 =	sne.s32 s15, $0x8  }
.Ltmp6:
0x227: {  	_ = 	snop;
	(pc) =	sbr.rel @p1 .LBB2_13-.Ltmp6, $4  }
0x228: {  	[tilespmem:s23+$0xC200] =	vst.add.f32.msk $0xffff, v2  }
0x229: {  	[tilespmem:s4+$0x0] =	vst.add.f32.msk $0xffff, v2  }
0x22a: {  	[tilespmem:s22+$0x0] =	vst.add.f32.msk $0xffff, v2  }
0x22b: {  	[tilespmem:s26+$0x0] =	vst.add.f32.msk $0xffff, v2  }
0x22c: {  	s1 =	rddreg [dreg:$0x10]  }
0x22d: {  	s1 =	smul.u32 $0x1800, s1;
	_ =	sdelay $0x1  }
0x22e: {  	s1 =	sshrl.u32 s1, $0x3  }
0x22f: {  	s29 =	simm.s32 $0xC200;
	s1 =	sadd.s32 s30, s1  }
0x230: {  	[hbm4b:s1+s5] =	stream.linear.scatter [tilespmem:s29], [sflag:$0xB], $0x1800, $0x38;
	[tilespmem:$0x1E200] =	vst v63  }
0x231: {  	s2 =	sadd.s32 $0x60000, s1  }
0x232: {  	[hbm4b:s2+s5] =	stream.linear.scatter [tilespmem:s31], [sflag:$0xB], $0x1800, $0x38;
	[tilespmem:$0x1E200] =	vst v63  }
0x233: {  	s3 =	simm.s32 $0xF200;
	s24 =	sadd.s32 $0xC0000, s1  }
0x234: {  	[hbm4b:s24+s5] =	stream.linear.scatter [tilespmem:s3], [sflag:$0xB], $0x1800, $0x38;
	[tilespmem:$0x1E200] =	vst v63  }
0x235: {  	s25 =	simm.s32 $0x10A00;
	s26 =	simm.s32 $0x4;
	s1 =	sadd.s32 $0x120000, s1  }
0x236: {  	[hbm4b:s1+s5] =	stream.linear.scatter [tilespmem:s25], [sflag:$0xB], $0x1800, $0x38;
	[tilespmem:$0x1E200] =	vst v63  }
0x237: {  	_ =	swait.ge [sflag:s26], $0x1800  }
0x238: {  	[sflag:s26] =	ssyncset.done $0x0  }
0x239: {  	[sflag:s26] =	ssyncadd.s32 $0xFFFFE800  }
0x23a: {  	_ =	swait.ge [sflag:s26], $0x1800  }
0x23b: {  	[sflag:s26] =	ssyncset.done $0x0  }
0x23c: {  	[sflag:s26] =	ssyncadd.s32 $0xFFFFE800  }
0x23d: {  	_ =	swait.ge [sflag:s26], $0x1800  }
0x23e: {  	[sflag:s26] =	ssyncset.done $0x0  }
0x23f: {  	[sflag:s26] =	ssyncadd.s32 $0xFFFFE800  }
0x240: {  	_ =	swait.ge [sflag:s26], $0x1800  }
.Ltmp7:
0x241: {  	[sflag:s26] =	ssyncset.done $0x0;
	(pc) =	sbr.rel @p0 .LBB2_18-.Ltmp7, $4  }
0x242: {  	s28 =	simm.s32 $0x8;
	[sflag:s26] =	ssyncadd.s32 $0xFFFFE800  }
0x243: {  	_ =	swait.ge [sflag:s28], $0x1800  }
0x244: {  	[sflag:s28] =	ssyncset.done $0x0  }
0x245: {  	[sflag:s28] =	ssyncadd.s32 $0xFFFFE800  }
0x246: {  	s3 =	simm.s32 $0xA  }
0x247: {  	_ =	swait.ge [sflag:s3], $0x1800  }
0x248: {  	[sflag:s3] =	ssyncset.done $0x0  }
0x249: {  	[sflag:s3] =	ssyncadd.s32 $0xFFFFE800  }
0x24a: {  	_ =	swait.ge [sflag:s3], $0x1800  }
0x24b: {  	[sflag:s3] =	ssyncset.done $0x0  }
0x24c: {  	[sflag:s3] =	ssyncadd.s32 $0xFFFFE800  }
0x24d: {  	_ =	swait.ge [sflag:s3], $0x1800  }
0x24e: {  	[sflag:s3] =	ssyncset.done $0x0  }
0x24f: {  	s1 =	sadd.s32 $0x28, s12;
	s2 =	rddreg [dreg:$0x5];
	[sflag:s3] =	ssyncadd.s32 $0xFFFFE800  }
0x250: {  	s1 =	sadd.s32 s2, s1;
	_ =	swait.ge [sflag:s3], $0x1800  }
0x251: {  	s1 =	sshrl.u32 s1, $0x3;
	[sflag:s3] =	ssyncset.done $0x0  }
0x252: {  	s1 =	smul.u32 $0x300, s1;
	[sflag:s3] =	ssyncadd.s32 $0xFFFFE800  }
0x253: {  	s10 =	rddreg [dreg:$0x2]  }
0x254: {  	s11 =	simm.s32 $0x19A00;
	s1 =	sadd.s32 s10, s1  }
0x255: {  	[tilespmem:s11], [sflag:$0x6] =	stream.linear.gather [hbm4b:s1+s5], $0x1800, $0x38;
	[tilespmem:$0x1E200] =	vst v63  }
0x256: {  	v2 =	vld.msk [tilespmem:s12+$0x28], $0xff;
	_ =	sdelay $0x4  }
0x257: {  	v3 =	vshrl.u32 v2, $0x3  }
0x258: {  	v3 =	vmul.u32 $0x30, v3  }
0x259: {  	v2 =	vand.u32 $0x7, v2  }
0x25a: {  	v2 =	vor.u32 v2, v3  }
0x25b: {  	v2 =	vperm.xlane v2, v0;
	_ =	sdelay $0x1  }
0x25c: {  	v2 =	vadd.s32 v1, v2;
	_ =	sdelay $0x3  }
0x25d: {  	s15 =	simm.s32 $0x6200;
	s13 =	rddreg [dreg:$0x1]  }
0x25e: {  	[tilespmem:s15], [sflag:$0x2] =	stream.indirect_vreg.gather [hbm4b:s13+s5], $0x80, v2, vm0, $0xb8;
	[tilespmem:$0x1E200] =	vst v63  }
0x25f: {  	s17 =	simm.s32 $0x6A00;
	s16 =	rddreg [dreg:$0xc]  }
0x260: {  	[tilespmem:s17], [sflag:$0x2] =	stream.indirect_vreg.gather [hbm4b:s16+s5], $0x80, v2, vm0, $0xb8;
	[tilespmem:$0x1E200] =	vst v63  }
0x261: {  	s18 =	simm.s32 $0x7200  }
0x262: {  	[tilespmem:s18], [sflag:$0x2] =	stream.indirect_vreg.gather [hbm4b:s14+s5], $0x80, v2, vm0, $0xb8;
	[tilespmem:$0x1E200] =	vst v63  }
0x263: {  	v2 =	vld.msk [tilespmem:s12+$0xA8], $0xff;
	_ =	sdelay $0x4  }
0x264: {  	v3 =	vshrl.u32 v2, $0x3  }
0x265: {  	v3 =	vmul.u32 $0x30, v3  }
0x266: {  	v2 =	vand.u32 $0x7, v2  }
0x267: {  	v2 =	vor.u32 v2, v3  }
0x268: {  	v2 =	vperm.xlane v2, v0;
	_ =	sdelay $0x1  }
0x269: {  	v2 =	vadd.s32 v1, v2;
	_ =	sdelay $0x3  }
0x26a: {  	s19 =	simm.s32 $0x7A00  }
0x26b: {  	[tilespmem:s19], [sflag:$0x2] =	stream.indirect_vreg.gather [hbm4b:s13+s5], $0x80, v2, vm0, $0xb8;
	[tilespmem:$0x1E200] =	vst v63  }
0x26c: {  	s20 =	simm.s32 $0x8200  }
0x26d: {  	[tilespmem:s20], [sflag:$0x2] =	stream.indirect_vreg.gather [hbm4b:s16+s5], $0x80, v2, vm0, $0xb8;
	[tilespmem:$0x1E200] =	vst v63  }
0x26e: {  	s21 =	simm.s32 $0x8A00  }
0x26f: {  	[tilespmem:s21], [sflag:$0x2] =	stream.indirect_vreg.gather [hbm4b:s14+s5], $0x80, v2, vm0, $0xb8;
	[tilespmem:$0x1E200] =	vst v63  }
0x270: {  	v2 =	vld.msk [tilespmem:s12+$0x128], $0xff;
	_ =	sdelay $0x4  }
0x271: {  	v3 =	vshrl.u32 v2, $0x3  }
0x272: {  	v3 =	vmul.u32 $0x30, v3  }
0x273: {  	v2 =	vand.u32 $0x7, v2  }
0x274: {  	v2 =	vor.u32 v2, v3  }
0x275: {  	v2 =	vperm.xlane v2, v0;
	_ =	sdelay $0x1  }
0x276: {  	v2 =	vadd.s32 v1, v2;
	_ =	sdelay $0x3  }
0x277: {  	s22 =	simm.s32 $0x9200  }
0x278: {  	[tilespmem:s22], [sflag:$0x2] =	stream.indirect_vreg.gather [hbm4b:s13+s5], $0x80, v2, vm0, $0xb8;
	[tilespmem:$0x1E200] =	vst v63  }
0x279: {  	s23 =	simm.s32 $0x9A00  }
0x27a: {  	[tilespmem:s23], [sflag:$0x2] =	stream.indirect_vreg.gather [hbm4b:s16+s5], $0x80, v2, vm0, $0xb8;
	[tilespmem:$0x1E200] =	vst v63  }
0x27b: {  	s24 =	simm.s32 $0xA200  }
0x27c: {  	[tilespmem:s24], [sflag:$0x2] =	stream.indirect_vreg.gather [hbm4b:s14+s5], $0x80, v2, vm0, $0xb8;
	[tilespmem:$0x1E200] =	vst v63  }
0x27d: {  	v2 =	vld.msk [tilespmem:s12+$0x1A8], $0xff;
	_ =	sdelay $0x4  }
0x27e: {  	v3 =	vshrl.u32 v2, $0x3  }
0x27f: {  	v3 =	vmul.u32 $0x30, v3  }
0x280: {  	v2 =	vand.u32 $0x7, v2  }
0x281: {  	v2 =	vor.u32 v2, v3  }
0x282: {  	v2 =	vperm.xlane v2, v0;
	_ =	sdelay $0x1  }
0x283: {  	v2 =	vadd.s32 v1, v2;
	_ =	sdelay $0x3  }
0x284: {  	s25 =	simm.s32 $0xAA00  }
0x285: {  	[tilespmem:s25], [sflag:$0x2] =	stream.indirect_vreg.gather [hbm4b:s13+s5], $0x80, v2, vm0, $0xb8;
	[tilespmem:$0x1E200] =	vst v63  }
0x286: {  	s26 =	simm.s32 $0xB200  }
0x287: {  	[tilespmem:s26], [sflag:$0x2] =	stream.indirect_vreg.gather [hbm4b:s16+s5], $0x80, v2, vm0, $0xb8;
	[tilespmem:$0x1E200] =	vst v63  }
0x288: {  	s28 =	simm.s32 $0xBA00  }
0x289: {  	[tilespmem:s28], [sflag:$0x2] =	stream.indirect_vreg.gather [hbm4b:s14+s5], $0x80, v2, vm0, $0xb8;
	[tilespmem:$0x1E200] =	vst v63  }
.LBB2_18:
0x28a: {  	s12 =	simm.s32 $0x0;
	s15 =	simm.s32 $0x0  }
.LBB2_19:
0x28b: {  	s18 =	sshll.u32 s15, $0x7;
	s1 =	sand.u32 $0x40, s12;
	s2 =	sand.u32 $0x1C00, s12  }
0x28c: {  	s3 =	sor.u32 s18, s2;
	s4 =	sor.u32 $0x30, s1  }
0x28d: {  	s6 =	sor.u32 s4, s3  }
0x28e: {  	s7 =	sor.u32 $0x10, s1;
	s10 =	sor.u32 s1, s3;
	v3 =	vld [tilespmem:s6+$0x1CA00]  }
0x28f: {  	s13 =	sor.u32 s7, s3;
	v4 =	vld [tilespmem:s10+$0x1CA00]  }
0x290: {  	s11 =	sor.u32 $0x20, s1;
	v5 =	vld [tilespmem:s13+$0x1CA00]  }
0x291: {  	s19 =	sor.u32 s11, s3  }
0x292: {  	v2 =	vld [tilespmem:s19+$0x1CA00]  }
0x293: {  	s9 =	sadd.s32 $0x13A00, s18;
	[tilespmem:s6+$0x12200] =	vst.add.f32.msk $0xffff, v3  }
0x294: {  	s16 =	sadd.s32 s2, s9;
	[tilespmem:s10+$0x12200] =	vst.add.f32.msk $0xffff, v4  }
0x295: {  	s6 =	sadd.s32 s4, s16;
	[tilespmem:s13+$0x12200] =	vst.add.f32.msk $0xffff, v5  }
0x296: {  	s8 =	sadd.s32 $0x15200, s18;
	s23 =	sadd.s32 s1, s16;
	[tilespmem:s6+$0x0] =	vst.add.f32.msk $0xffff, v3  }
0x297: {  	s20 =	sadd.s32 s2, s8;
	s25 =	sadd.s32 s7, s16;
	[tilespmem:s23+$0x0] =	vst.add.f32.msk $0xffff, v4  }
0x298: {  	s21 =	sadd.s32 s4, s20;
	[tilespmem:s25+$0x0] =	vst.add.f32.msk $0xffff, v5  }
0x299: {  	s17 =	sadd.s32 $0x16A00, s18;
	s24 =	sadd.s32 s1, s20;
	[tilespmem:s21+$0x0] =	vst.add.f32.msk $0xffff, v3  }
0x29a: {  	s2 =	sadd.s32 s2, s17;
	s26 =	sadd.s32 s7, s20;
	[tilespmem:s24+$0x0] =	vst.add.f32.msk $0xffff, v4  }
0x29b: {  	s22 =	sadd.s32 s4, s2;
	[tilespmem:s26+$0x0] =	vst.add.f32.msk $0xffff, v5  }
0x29c: {  	s3 =	simm.s32 $0x0;
	s1 =	sadd.s32 s1, s2;
	[tilespmem:s22+$0x0] =	vst.add.f32.msk $0xffff, v3  }
0x29d: {  	s28 =	sadd.s32 s7, s2;
	s4 =	sadd.s32 s11, s16;
	s23 =	sadd.s32 s11, s2;
	[tilespmem:s1+$0x0] =	vst.add.f32.msk $0xffff, v4  }
0x29e: {  	s2 =	simm.s32 $0x40;
	s21 =	simm.s32 $0x200;
	s22 =	sadd.s32 s11, s20;
	[tilespmem:s28+$0x0] =	vst.add.f32.msk $0xffff, v5  }
.LBB2_20:
0x29f: {  	s1 =	sand.u32 $0x40, s2;
	s6 =	sand.u32 $0x1C00, s21;
	[tilespmem:s19+$0x12200] =	vst.add.f32.msk $0xffff, v2  }
0x2a0: {  	s7 =	sor.u32 s18, s6;
	s10 =	sor.u32 $0x10, s1;
	s11 =	sor.u32 $0x30, s1;
	[tilespmem:s4+$0x0] =	vst.add.f32.msk $0xffff, v2  }
0x2a1: {  	s16 =	sor.u32 $0x20, s1;
	s13 =	sor.u32 s1, s7;
	s4 =	sor.u32 s11, s7;
	[tilespmem:s22+$0x0] =	vst.add.f32.msk $0xffff, v2  }
0x2a2: {  	s3 =	sadd.s32 $0x4, s3;
	s20 =	sor.u32 s10, s7;
	s19 =	sor.u32 s16, s7;
	v3 =	vld [tilespmem:s4+$0x1CA00]  }
0x2a3: {  	p0 =	slt.u32 s3, $0x2C;
	v4 =	vld [tilespmem:s13+$0x1CA00]  }
0x2a4: {  	v5 =	vld [tilespmem:s20+$0x1CA00]  }
0x2a5: {  	v6 =	vld [tilespmem:s19+$0x1CA00]  }
0x2a6: {  	s7 =	sadd.s32 s6, s9;
	[tilespmem:s23+$0x0] =	vst.add.f32.msk $0xffff, v2  }
0x2a7: {  	s22 =	sadd.s32 s6, s8;
	s24 =	sadd.s32 s1, s7;
	[tilespmem:s4+$0x12200] =	vst.add.f32.msk $0xffff, v3;
	s4 =	sadd.s32 s11, s7  }
0x2a8: {  	s6 =	sadd.s32 s6, s17;
	s25 =	sadd.s32 s1, s22;
	[tilespmem:s4+$0x0] =	vst.add.f32.msk $0xffff, v3;
	s4 =	sadd.s32 s11, s22  }
0x2a9: {  	s1 =	sadd.s32 s1, s6;
	s26 =	sadd.s32 s10, s7;
	s11 =	sadd.s32 s11, s6;
	[tilespmem:s4+$0x0] =	vst.add.f32.msk $0xffff, v3  }
0x2aa: {  	s28 =	sadd.s32 s10, s22;
	s10 =	sadd.s32 s10, s6;
	s4 =	sadd.s32 s16, s7;
	[tilespmem:s11+$0x0] =	vst.add.f32.msk $0xffff, v3;
	v2 =	vmov v6  }
0x2ab: {  	s23 =	sadd.s32 s16, s6;
	s22 =	sadd.s32 s16, s22;
	[tilespmem:s13+$0x12200] =	vst.add.f32.msk $0xffff, v4  }
0x2ac: {  	[tilespmem:s24+$0x0] =	vst.add.f32.msk $0xffff, v4  }
0x2ad: {  	[tilespmem:s25+$0x0] =	vst.add.f32.msk $0xffff, v4  }
.Ltmp8:
0x2ae: {  	[tilespmem:s1+$0x0] =	vst.add.f32.msk $0xffff, v4;
	(pc) =	sbr.rel @p0 .LBB2_20-.Ltmp8, $4  }
0x2af: {  	[tilespmem:s20+$0x12200] =	vst.add.f32.msk $0xffff, v5  }
0x2b0: {  	[tilespmem:s26+$0x0] =	vst.add.f32.msk $0xffff, v5  }
0x2b1: {  	[tilespmem:s28+$0x0] =	vst.add.f32.msk $0xffff, v5  }
0x2b2: {  	s21 =	sadd.s32 $0x200, s21;
	s2 =	sadd.s32 $0x40, s2;
	[tilespmem:s10+$0x0] =	vst.add.f32.msk $0xffff, v5  }
0x2b3: {  	s15 =	sadd.s32 $0x1, s15  }
0x2b4: {  	p0 =	sne.s32 s15, $0x8  }
.Ltmp9:
0x2b5: {  	_ = 	snop;
	(pc) =	sbr.rel @p0 .LBB2_19-.Ltmp9, $4  }
0x2b6: {  	[tilespmem:s19+$0x12200] =	vst.add.f32.msk $0xffff, v2  }
0x2b7: {  	[tilespmem:s4+$0x0] =	vst.add.f32.msk $0xffff, v2  }
0x2b8: {  	[tilespmem:s22+$0x0] =	vst.add.f32.msk $0xffff, v2  }
0x2b9: {  	[tilespmem:s23+$0x0] =	vst.add.f32.msk $0xffff, v2  }
0x2ba: {  	s1 =	rddreg [dreg:$0x11]  }
0x2bb: {  	s1 =	smul.u32 $0x1800, s1;
	_ =	sdelay $0x1  }
0x2bc: {  	s1 =	sshrl.u32 s1, $0x3  }
0x2bd: {  	s13 =	simm.s32 $0x12200;
	s0 =	sadd.s32 $0x1, s0;
	s1 =	sadd.s32 s30, s1  }
0x2be: {  	[hbm4b:s1+s5] =	stream.linear.scatter [tilespmem:s13], [sflag:$0xC], $0x1800, $0x38;
	[tilespmem:$0x1E200] =	vst v63  }
0x2bf: {  	s16 =	simm.s32 $0x13A00;
	p0 =	sne.s32 s0, $0x4;
	s2 =	sadd.s32 $0x60000, s1  }
0x2c0: {  	[hbm4b:s2+s5] =	stream.linear.scatter [tilespmem:s16], [sflag:$0xC], $0x1800, $0x38;
	[tilespmem:$0x1E200] =	vst v63  }
.Ltmp10:
0x2c1: {  	_ = 	snop;
	(pc) =	sbr.rel @p0 .LBB2_2-.Ltmp10, $4  }
0x2c2: {  	s3 =	simm.s32 $0x15200;
	s28 =	sadd.s32 $0xC0000, s1  }
0x2c3: {  	[hbm4b:s28+s5] =	stream.linear.scatter [tilespmem:s3], [sflag:$0xC], $0x1800, $0x38;
	[tilespmem:$0x1E200] =	vst v63  }
0x2c4: {  	s10 =	rddreg [dreg:$0x6];
	s30 =	simm.s32 $0x16A00;
	s1 =	sadd.s32 $0x120000, s1  }
0x2c5: {  	[hbm4b:s1+s5] =	stream.linear.scatter [tilespmem:s30], [sflag:$0xC], $0x1800, $0x38;
	[tilespmem:$0x1E200] =	vst v63  }
0x2c6: {  	s0 =	simm.s32 $0x9  }
0x2c7: {  	_ =	swait.ge [sflag:s0], $0x1800  }
0x2c8: {  	[sflag:s0] =	ssyncset.done $0x0  }
0x2c9: {  	[sflag:s0] =	ssyncadd.s32 $0xFFFFE800  }
0x2ca: {  	_ =	swait.ge [sflag:s0], $0x1800  }
0x2cb: {  	[sflag:s0] =	ssyncset.done $0x0  }
0x2cc: {  	[sflag:s0] =	ssyncadd.s32 $0xFFFFE800  }
0x2cd: {  	_ =	swait.ge [sflag:s0], $0x1800  }
0x2ce: {  	[sflag:s0] =	ssyncset.done $0x0  }
0x2cf: {  	[sflag:s0] =	ssyncadd.s32 $0xFFFFE800  }
0x2d0: {  	_ =	swait.ge [sflag:s0], $0x1800  }
0x2d1: {  	[sflag:s0] =	ssyncset.done $0x0  }
0x2d2: {  	s26 =	simm.s32 $0xA;
	[sflag:s0] =	ssyncadd.s32 $0xFFFFE800  }
0x2d3: {  	_ =	swait.ge [sflag:s26], $0x1800  }
0x2d4: {  	[sflag:s26] =	ssyncset.done $0x0  }
0x2d5: {  	[sflag:s26] =	ssyncadd.s32 $0xFFFFE800  }
0x2d6: {  	_ =	swait.ge [sflag:s26], $0x1800  }
0x2d7: {  	[sflag:s26] =	ssyncset.done $0x0  }
0x2d8: {  	[sflag:s26] =	ssyncadd.s32 $0xFFFFE800  }
0x2d9: {  	_ =	swait.ge [sflag:s26], $0x1800  }
0x2da: {  	[sflag:s26] =	ssyncset.done $0x0  }
0x2db: {  	[sflag:s26] =	ssyncadd.s32 $0xFFFFE800  }
0x2dc: {  	_ =	swait.ge [sflag:s26], $0x1800  }
0x2dd: {  	[sflag:s26] =	ssyncset.done $0x0  }
0x2de: {  	s28 =	simm.s32 $0xB;
	[sflag:s26] =	ssyncadd.s32 $0xFFFFE800  }
0x2df: {  	_ =	swait.ge [sflag:s28], $0x1800  }
0x2e0: {  	[sflag:s28] =	ssyncset.done $0x0  }
0x2e1: {  	[sflag:s28] =	ssyncadd.s32 $0xFFFFE800  }
0x2e2: {  	_ =	swait.ge [sflag:s28], $0x1800  }
0x2e3: {  	[sflag:s28] =	ssyncset.done $0x0  }
0x2e4: {  	[sflag:s28] =	ssyncadd.s32 $0xFFFFE800  }
0x2e5: {  	_ =	swait.ge [sflag:s28], $0x1800  }
0x2e6: {  	[sflag:s28] =	ssyncset.done $0x0  }
0x2e7: {  	[sflag:s28] =	ssyncadd.s32 $0xFFFFE800  }
0x2e8: {  	_ =	swait.ge [sflag:s28], $0x1800  }
0x2e9: {  	[sflag:s28] =	ssyncset.done $0x0  }
0x2ea: {  	s1 =	simm.s32 $0xC;
	[sflag:s28] =	ssyncadd.s32 $0xFFFFE800  }
0x2eb: {  	_ =	swait.ge [sflag:s1], $0x1800  }
0x2ec: {  	[sflag:s1] =	ssyncset.done $0x0  }
0x2ed: {  	[sflag:s1] =	ssyncadd.s32 $0xFFFFE800  }
0x2ee: {  	_ =	swait.ge [sflag:s1], $0x1800  }
0x2ef: {  	[sflag:s1] =	ssyncset.done $0x0  }
0x2f0: {  	[sflag:s1] =	ssyncadd.s32 $0xFFFFE800  }
0x2f1: {  	_ =	swait.ge [sflag:s1], $0x1800  }
0x2f2: {  	[sflag:s1] =	ssyncset.done $0x0  }
0x2f3: {  	[sflag:s1] =	ssyncadd.s32 $0xFFFFE800  }
0x2f4: {  	_ =	swait.ge [sflag:s1], $0x1800  }
0x2f5: {  	s2 =	rddreg [dreg:$0xf]  }
0x2f6: {  	s30 =	rddreg [dreg:$0xe];
	s2 =	sadd.s32 $0x1, s2  }
0x2f7: {  	p0 =	sne.s32 s2, s30  }
.Ltmp11:
0x2f8: {  	_ = 	snop;
	(pc) =	sbr.rel @p0 .LBB2_1-.Ltmp11, $3  }
0x2f9: {  	_ =	sdelay $0x1  }
0x2fa: {  	[sflag:s1] =	ssyncset.done $0x0  }
0x2fb: {  	[sflag:s1] =	ssyncadd.s32 $0xFFFFE800  }
0x2fc: {  	_ =	sfence.sel $0x180000  }
0x2fd: {  	[bflag:$0x0] =	sbarrier.arrive $0xFFFF  }
0x2fe: {  	_ =	strace $0x90000047  }
0x2ff: {  	s0 =	stileid.u32;
	[bflag:$0x2] =	sbarrier.arrive $0xFFFF  }
0x300: {  	p0 =	sne.s32 s0, $0x0;
	s0 =	rddreg [dreg:$0x4]  }
0x301: {  	s0 =	sadd.s32 @!p0 $0x100000, s0  }
0x302: {  	[sflag:s0] =	ssyncadd.tile.s32 @!p0 $0x1;
	_ =	shalt  }
.Lfunc_end2:
_tile_overlayer_lowered:
.L_overlay_start_2:
0x303: {  	(tag) =	ssettag $0x2  }
0x304: {  	s0 =	rddreg [dreg:$0x0];
	s2 =	stileid.u32  }
0x305: {  	s1 =	rddreg [dreg:$0x1];
	p0 =	sne.s32 s2, $0x0  }
0x306: {  	s3 =	rddreg [dreg:$0x2];
	[bflag:$0x3] =	sbarrier.arrive $0xFFFF;
	s2 =	simm.s32 @!p0 $0x1C0D  }
0x307: {  	[timem:s3], [sflag:s2] =	dma.local @!p0 [hbm:s0], s1  }
0x308: {  	s0 =	simm.s32 @!p0 $0xD  }
0x309: {  	_ =	swait.ge @!p0 [sflag:s0], s1  }
0x30a: {  	s1 =	ssub.s32 @!p0 $0x0, s1;
	[sflag:s0] =	ssyncset.done @!p0 $0x0  }
0x30b: {  	[sflag:s0] =	ssyncadd.s32 @!p0 s1  }
0x30c: {  	[bflag:$0x3] =	sbarrier.arrive $0xFFFF  }
0x30d: {  	_ =	shalt  }

</sc_bundles>
